<compile_context>
chip_gen: v7x
topology: tpu7x:2x2x1
jax: 0.10.2.dev20260603
libtpu: 0.0.44.dev20260713+nightly
codegen_flags: <defaults>
</compile_context>

<pallas_src>
import functools
import jax
import jax.numpy as jnp
from jax import lax
from jax.experimental import pallas as pl
from jax.experimental.pallas import tpu as pltpu
from jax.experimental.pallas import tpu_sc as plsc

N_NODES = 100000
N_PAD = 100096
N_EDGES = 1600000
HID = 32
QCOL = 8
NSUB = 16
CH = 80
ROWS_PER_SUB = N_PAD // NSUB


def _sc_mesh():
    return plsc.VectorSubcoreMesh(core_axis_name="c", subcore_axis_name="s")


def _make_scatter_kernel():
    n_per_sub = N_EDGES // NSUB
    n_chunks = n_per_sub // CH

    @functools.partial(
        pl.kernel,
        mesh=_sc_mesh(),
        out_type=jax.ShapeDtypeStruct((2, N_PAD, QCOL), jnp.float32),
        scratch_types=[
            pltpu.VMEM_SHARED((N_PAD, QCOL), jnp.float32),
            pltpu.VMEM((CH,), jnp.int32),
            pltpu.VMEM((CH,), jnp.int32),
            pltpu.VMEM((CH, QCOL), jnp.float32),
            pltpu.VMEM((ROWS_PER_SUB, QCOL), jnp.float32),
            pltpu.SemaphoreType.DMA,
        ],
        compiler_params=pltpu.CompilerParams(use_tc_tiling_on_sc=False),
    )
    def k(ytab_hbm, src_hbm, dst_hbm, zeros_hbm, out_hbm,
          acc_sh, sidx_v, didx_v, rows_v, zrows_v, sem):
        c = lax.axis_index("c")
        s = lax.axis_index("s")
        pltpu.sync_copy(zeros_hbm.at[pl.ds(s * ROWS_PER_SUB, ROWS_PER_SUB)], zrows_v)
        pltpu.sync_copy(zrows_v, acc_sh.at[pl.ds(s * ROWS_PER_SUB, ROWS_PER_SUB)])
        plsc.subcore_barrier()

        off = c * N_NODES

        def body(i, carry):
            base = s * n_per_sub + i * CH
            pltpu.sync_copy(src_hbm.at[pl.ds(base, CH)], sidx_v)
            pltpu.sync_copy(dst_hbm.at[pl.ds(base, CH)], didx_v)
            for j in range(CH // 16):
                sidx_v[pl.ds(j * 16, 16)] = sidx_v[pl.ds(j * 16, 16)] + off
            pltpu.async_copy(ytab_hbm.at[sidx_v], rows_v, sem).wait()
            pltpu.sync_copy(rows_v, acc_sh.at[didx_v], add=True)
            return carry

        lax.fori_loop(0, n_chunks, body, 0)
        plsc.subcore_barrier()
        pltpu.sync_copy(acc_sh.at[pl.ds(s * ROWS_PER_SUB, ROWS_PER_SUB)],
                        out_hbm.at[c, pl.ds(s * ROWS_PER_SUB, ROWS_PER_SUB)])

    return k


_scatter_k = _make_scatter_kernel()


def _gcn_layer(h, W, b, dinv, src, dst, zeros_q):
    y = (h @ W) * dinv[:, None]
    ytab = jnp.concatenate([y[:, 8 * b:8 * b + 8] for b in range(4)], axis=0)
    a0 = _scatter_k(ytab[:2 * N_NODES], src, dst, zeros_q)
    a1 = _scatter_k(ytab[2 * N_NODES:], src, dst, zeros_q)
    acc = jnp.concatenate([a0[0, :N_NODES], a0[1, :N_NODES],
                           a1[0, :N_NODES], a1[1, :N_NODES]], axis=1)
    return jax.nn.relu(dinv[:, None] * (acc + y) + b)


def kernel(x, edge_index, batch, W1, b1, W2, b2, W3, b3,
           Wc1, bc1, Wc2, bc2, Wl1, bl1, Wl2, bl2):
    src = edge_index[0]
    dst = edge_index[1]
    zeros_q = jnp.zeros((N_PAD, QCOL), jnp.float32)

    ones_tab = jnp.ones((2 * N_NODES, QCOL), jnp.float32)
    cnt2 = _scatter_k(ones_tab, src, dst, zeros_q)
    deg = 1.0 + cnt2[0, :N_NODES, 0]
    dinv = lax.rsqrt(deg)

    h = _gcn_layer(x, W1, b1, dinv, src, dst, zeros_q)
    h = _gcn_layer(h, W2, b2, dinv, src, dst, zeros_q)
    h = _gcn_layer(h, W3, b3, dinv, src, dst, zeros_q)

    num_graphs = 64
    k = 30
    keyv = h[:, -1]
    neg = jnp.finfo(h.dtype).min
    masked = jnp.where(batch[None, :] == jnp.arange(num_graphs)[:, None],
                       keyv[None, :], neg)
    vals, idx = lax.top_k(masked, k)
    gathered = h[idx]
    p = jnp.where((vals > neg)[..., None], gathered, 0.0)
    p = jnp.transpose(p, (0, 2, 1))

    c1 = jax.nn.relu(lax.conv_general_dilated(
        p, Wc1, window_strides=(1,), padding="VALID",
        dimension_numbers=("NCH", "OIH", "NCH")) + bc1[None, :, None])
    c2 = jax.nn.relu(lax.conv_general_dilated(
        c1, Wc2, window_strides=(1,), padding="VALID",
        dimension_numbers=("NCH", "OIH", "NCH")) + bc2[None, :, None])
    flat = c2.reshape(c2.shape[0], -1)
    l = jax.nn.relu(flat @ Wl1 + bl1)
    return (l @ Wl2 + bl2).reshape(-1)

# --- scband reference (transcript-rebuilt; emitter-appended) ---
"""Pipeline reference for scband-dgcnn-66992899883199 (READ-ONLY COPY).

The authoritative reference and input builder live on the scoring server;
editing this copy changes nothing except your own understanding.
"""

import jax, jax.numpy as jnp
import numpy as np

N = 100000
E = 1600000
IN_DIM = 9
HID = 32
SORT_K = 30
NUM_GRAPHS = 64


def setup_inputs(seed: int = 0) -> dict:
    key = jax.random.key(seed)
    ks = jax.random.split(key, 20)
    x = jax.random.normal(ks[0], (N, IN_DIM), dtype=jnp.float32)
    edge_index = jax.random.randint(ks[1], (2, E), 0, N, dtype=jnp.int32)
    batch = jnp.sort(jax.random.randint(ks[2], (N,), 0, NUM_GRAPHS, dtype=jnp.int32))
    def lin(k, fin, fout):
        return jax.random.normal(k, (fin, fout), dtype=jnp.float32) / np.sqrt(fin)
    W1 = lin(ks[3], IN_DIM, HID); b1 = jnp.zeros((HID,), jnp.float32)
    W2 = lin(ks[4], HID, HID);    b2 = jnp.zeros((HID,), jnp.float32)
    W3 = lin(ks[5], HID, HID);    b3 = jnp.zeros((HID,), jnp.float32)
    Wc1 = jax.random.normal(ks[6], (16, HID, 5), dtype=jnp.float32) / np.sqrt(HID * 5)
    bc1 = jnp.zeros((16,), jnp.float32)
    Wc2 = jax.random.normal(ks[7], (32, 16, 5), dtype=jnp.float32) / np.sqrt(16 * 5)
    bc2 = jnp.zeros((32,), jnp.float32)
    Wl1 = lin(ks[8], 32 * (SORT_K - 8), 128); bl1 = jnp.zeros((128,), jnp.float32)
    Wl2 = lin(ks[9], 128, 1);                 bl2 = jnp.zeros((1,), jnp.float32)
    return {"x": x, "edge_index": edge_index, "batch": batch,
            "W1": W1, "b1": b1, "W2": W2, "b2": b2, "W3": W3, "b3": b3,
            "Wc1": Wc1, "bc1": bc1, "Wc2": Wc2, "bc2": bc2,
            "Wl1": Wl1, "bl1": bl1, "Wl2": Wl2, "bl2": bl2}


def _gcn_conv(x, edge_index, W, b):
    n = x.shape[0]
    src = edge_index[0]
    dst = edge_index[1]
    loop = jnp.arange(n, dtype=src.dtype)
    s = jnp.concatenate([src, loop])
    d = jnp.concatenate([dst, loop])
    deg = jnp.zeros((n,), x.dtype).at[d].add(1.0)
    dinv = 1.0 / jnp.sqrt(deg)
    norm = dinv[s] * dinv[d]
    xw = x @ W
    out = jnp.zeros((n, W.shape[1]), x.dtype).at[d].add(xw[s] * norm[:, None])
    return out + b


def _global_sort_pool(h, batch, k):
    num_graphs = NUM_GRAPHS
    keyv = h[:, -1]
    neg = jnp.finfo(h.dtype).min
    masked = jnp.where(batch[None, :] == jnp.arange(num_graphs)[:, None], keyv[None, :], neg)
    vals, idx = jax.lax.top_k(masked, k)  # [G, k]
    gathered = h[idx]                      # [G, k, H]
    valid = vals > neg
    return jnp.where(valid[..., None], gathered, 0.0)


def _conv1d(x, w, b):
    y = jax.lax.conv_general_dilated(x, w, window_strides=(1,), padding='VALID',
                                     dimension_numbers=('NCH', 'OIH', 'NCH'))
    return y + b[None, :, None]


def reference(x, edge_index, batch, W1, b1, W2, b2, W3, b3, Wc1, bc1, Wc2, bc2, Wl1, bl1, Wl2, bl2):
    h = jax.nn.relu(_gcn_conv(x, edge_index, W1, b1))
    h = jax.nn.relu(_gcn_conv(h, edge_index, W2, b2))
    h = jax.nn.relu(_gcn_conv(h, edge_index, W3, b3))
    p = _global_sort_pool(h, batch, SORT_K)      # [G, K, H]
    p = jnp.transpose(p, (0, 2, 1))              # [G, H, K]
    c = jax.nn.relu(_conv1d(p, Wc1, bc1))
    c = jax.nn.relu(_conv1d(c, Wc2, bc2))
    flat = c.reshape(c.shape[0], -1)
    l = jax.nn.relu(flat @ Wl1 + bl1)
    out = (l @ Wl2 + bl2).reshape(-1)
    return out

if __name__ == "__main__":
    import jax
    _d = setup_inputs()
    print(jax.jit(kernel)(*tuple(_d.values())))

</pallas_src>

<mosaic_0001>
#map = affine_map<(d0, d1) -> (0, 0)>
#map1 = affine_map<(d0, d1) -> (0)>
#map2 = affine_map<(d0, d1) -> (0, 0, 0)>
module attributes {stable_mosaic.version = 14 : i64} {
  func.func @k(%arg0: i32, %arg1: i32, %arg2: memref<200000x8xf32, #tpu.memory_space<hbm>>, %arg3: memref<1600000xi32, #tpu.memory_space<hbm>>, %arg4: memref<1600000xi32, #tpu.memory_space<hbm>>, %arg5: memref<100096x8xf32, #tpu.memory_space<hbm>>, %arg6: memref<2x100096x8xf32, #tpu.memory_space<hbm>>, %arg7: memref<100096x8xf32, #tpu.memory_space<vmem_shared>>, %arg8: memref<80xi32, #tpu.memory_space<vmem>>, %arg9: memref<80xi32, #tpu.memory_space<vmem>>, %arg10: memref<80x8xf32, #tpu.memory_space<vmem>>, %arg11: memref<6256x8xf32, #tpu.memory_space<vmem>>, %arg12: memref<!tpu.dma_semaphore, #tpu.memory_space<semaphore_mem>>) attributes {dimension_semantics = [#tpu.dimension_semantics<core_parallel>, #tpu.dimension_semantics<subcore_parallel>], iteration_bounds = array<i64: 2, 16>, scalar_prefetch = 0 : i64, scratch_operands = 6 : i64, tpu.core_type = #tpu.core_type<sc_vector_subcore>, window_params = [{transform_indices = #map}, {transform_indices = #map1}, {transform_indices = #map1}, {transform_indices = #map}, {transform_indices = #map2}]} {
    %mul3A = arith.constant 6256 : i32
    %mul3A_0 = arith.muli %arg1, %mul3A : i32
    "tpu.region"() ({
      %run_scoped3A = tpu.sem_alloc : memref<!tpu.dma_semaphore, #tpu.memory_space<semaphore_mem>>
      %dma_start3A = arith.constant 0 : i32
      %dma_start3A_15 = tpu.memref_slice %arg5[%mul3A_0, %dma_start3A] : memref<100096x8xf32, #tpu.memory_space<hbm>> -> memref<6256x8xf32, #tpu.memory_space<hbm>>
      %dma_start3A_16 = arith.constant 0 : i32
      %dma_start3A_17 = tpu.memref_slice %arg5[%mul3A_0, %dma_start3A_16] : memref<100096x8xf32, #tpu.memory_space<hbm>> -> memref<6256x8xf32, #tpu.memory_space<hbm>>
      tpu.enqueue_dma source(%dma_start3A_17 : memref<6256x8xf32, #tpu.memory_space<hbm>>) target(%arg11 : memref<6256x8xf32, #tpu.memory_space<vmem>>) target_semaphore(%run_scoped3A : memref<!tpu.dma_semaphore, #tpu.memory_space<semaphore_mem>>)
      %dma_wait3A = arith.constant 0 : i32
      %dma_wait3A_18 = tpu.memref_slice %arg5[%mul3A_0, %dma_wait3A] : memref<100096x8xf32, #tpu.memory_space<hbm>> -> memref<6256x8xf32, #tpu.memory_space<hbm>>
      %dma_wait3A_19 = arith.constant 0 : i32
      %dma_wait3A_20 = tpu.memref_slice %arg5[%mul3A_0, %dma_wait3A_19] : memref<100096x8xf32, #tpu.memory_space<hbm>> -> memref<6256x8xf32, #tpu.memory_space<hbm>>
      tpu.wait_dma2 semaphore(%run_scoped3A : memref<!tpu.dma_semaphore, #tpu.memory_space<semaphore_mem>>) src(%dma_wait3A_20 : memref<6256x8xf32, #tpu.memory_space<hbm>>) dst(%arg11 : memref<6256x8xf32, #tpu.memory_space<vmem>>)
      tpu.yield
    }) : () -> ()
    %mul3A_1 = arith.constant 6256 : i32
    %mul3A_2 = arith.muli %arg1, %mul3A_1 : i32
    "tpu.region"() ({
      %run_scoped3A = tpu.sem_alloc : memref<!tpu.dma_semaphore, #tpu.memory_space<semaphore_mem>>
      %dma_start3A = arith.constant 0 : i32
      %dma_start3A_15 = tpu.memref_slice %arg7[%mul3A_2, %dma_start3A] : memref<100096x8xf32, #tpu.memory_space<vmem_shared>> -> memref<6256x8xf32, #tpu.memory_space<vmem_shared>>
      %dma_start3A_16 = arith.constant 0 : i32
      %dma_start3A_17 = tpu.memref_slice %arg7[%mul3A_2, %dma_start3A_16] : memref<100096x8xf32, #tpu.memory_space<vmem_shared>> -> memref<6256x8xf32, #tpu.memory_space<vmem_shared>>
      tpu.enqueue_dma source(%arg11 : memref<6256x8xf32, #tpu.memory_space<vmem>>) target(%dma_start3A_17 : memref<6256x8xf32, #tpu.memory_space<vmem_shared>>) target_semaphore(%run_scoped3A : memref<!tpu.dma_semaphore, #tpu.memory_space<semaphore_mem>>)
      %dma_wait3A = arith.constant 0 : i32
      %dma_wait3A_18 = tpu.memref_slice %arg7[%mul3A_2, %dma_wait3A] : memref<100096x8xf32, #tpu.memory_space<vmem_shared>> -> memref<6256x8xf32, #tpu.memory_space<vmem_shared>>
      %dma_wait3A_19 = arith.constant 0 : i32
      %dma_wait3A_20 = tpu.memref_slice %arg7[%mul3A_2, %dma_wait3A_19] : memref<100096x8xf32, #tpu.memory_space<vmem_shared>> -> memref<6256x8xf32, #tpu.memory_space<vmem_shared>>
      tpu.wait_dma2 semaphore(%run_scoped3A : memref<!tpu.dma_semaphore, #tpu.memory_space<semaphore_mem>>) src(%arg11 : memref<6256x8xf32, #tpu.memory_space<vmem>>) dst(%dma_wait3A_20 : memref<6256x8xf32, #tpu.memory_space<vmem_shared>>)
      tpu.yield
    }) : () -> ()
    %barrier3A = arith.constant 0 : index
    tpu.barrier barrier_id(%barrier3A)
    %mul3A_3 = arith.constant 100000 : i32
    %mul3A_4 = arith.muli %arg0, %mul3A_3 : i32
    %scan3A = arith.constant 0 : i32
    %scan3A_5 = arith.constant 0 : i32
    %scan3A_6 = arith.constant 1250 : i32
    %scan3A_7 = arith.addi %scan3A_5, %scan3A_6 : i32
    %scan3A_8 = arith.constant 1 : i32
    scf.for %scan3A_15 = %scan3A_5 to %scan3A_7 step %scan3A_8  : i32 {
      %mul3A_16 = arith.constant 100000 : i32
      %mul3A_17 = arith.muli %arg1, %mul3A_16 : i32
      %mul3A_18 = arith.constant 80 : i32
      %mul3A_19 = arith.muli %scan3A_15, %mul3A_18 : i32
      %add3A = arith.addi %mul3A_17, %mul3A_19 : i32
      "tpu.region"() ({
        %run_scoped3A = tpu.sem_alloc : memref<!tpu.dma_semaphore, #tpu.memory_space<semaphore_mem>>
        %dma_start3A_67 = tpu.memref_slice %arg3[%add3A] : memref<1600000xi32, #tpu.memory_space<hbm>> -> memref<80xi32, #tpu.memory_space<hbm>>
        %dma_start3A_68 = tpu.memref_slice %arg3[%add3A] : memref<1600000xi32, #tpu.memory_space<hbm>> -> memref<80xi32, #tpu.memory_space<hbm>>
        tpu.enqueue_dma source(%dma_start3A_68 : memref<80xi32, #tpu.memory_space<hbm>>) target(%arg8 : memref<80xi32, #tpu.memory_space<vmem>>) target_semaphore(%run_scoped3A : memref<!tpu.dma_semaphore, #tpu.memory_space<semaphore_mem>>)
        %dma_wait3A_69 = tpu.memref_slice %arg3[%add3A] : memref<1600000xi32, #tpu.memory_space<hbm>> -> memref<80xi32, #tpu.memory_space<hbm>>
        %dma_wait3A_70 = tpu.memref_slice %arg3[%add3A] : memref<1600000xi32, #tpu.memory_space<hbm>> -> memref<80xi32, #tpu.memory_space<hbm>>
        tpu.wait_dma2 semaphore(%run_scoped3A : memref<!tpu.dma_semaphore, #tpu.memory_space<semaphore_mem>>) src(%dma_wait3A_70 : memref<80xi32, #tpu.memory_space<hbm>>) dst(%arg8 : memref<80xi32, #tpu.memory_space<vmem>>)
        tpu.yield
      }) : () -> ()
      "tpu.region"() ({
        %run_scoped3A = tpu.sem_alloc : memref<!tpu.dma_semaphore, #tpu.memory_space<semaphore_mem>>
        %dma_start3A_67 = tpu.memref_slice %arg4[%add3A] : memref<1600000xi32, #tpu.memory_space<hbm>> -> memref<80xi32, #tpu.memory_space<hbm>>
        %dma_start3A_68 = tpu.memref_slice %arg4[%add3A] : memref<1600000xi32, #tpu.memory_space<hbm>> -> memref<80xi32, #tpu.memory_space<hbm>>
        tpu.enqueue_dma source(%dma_start3A_68 : memref<80xi32, #tpu.memory_space<hbm>>) target(%arg9 : memref<80xi32, #tpu.memory_space<vmem>>) target_semaphore(%run_scoped3A : memref<!tpu.dma_semaphore, #tpu.memory_space<semaphore_mem>>)
        %dma_wait3A_69 = tpu.memref_slice %arg4[%add3A] : memref<1600000xi32, #tpu.memory_space<hbm>> -> memref<80xi32, #tpu.memory_space<hbm>>
        %dma_wait3A_70 = tpu.memref_slice %arg4[%add3A] : memref<1600000xi32, #tpu.memory_space<hbm>> -> memref<80xi32, #tpu.memory_space<hbm>>
        tpu.wait_dma2 semaphore(%run_scoped3A : memref<!tpu.dma_semaphore, #tpu.memory_space<semaphore_mem>>) src(%dma_wait3A_70 : memref<80xi32, #tpu.memory_space<hbm>>) dst(%arg9 : memref<80xi32, #tpu.memory_space<vmem>>)
        tpu.yield
      }) : () -> ()
      %get3A = arith.constant 0 : index
      %get3A_20 = tpu.vector_load %arg8[%get3A] {strides = array<i32>} : memref<80xi32, #tpu.memory_space<vmem>>, vector<16xi32>,
      %get3A_21 = vector.shape_cast %get3A_20 : vector<16xi32> to vector<16xi32>
      %add3A_22 = vector.broadcast %mul3A_4 : i32 to vector<16xi32>
      %add3A_23 = arith.addi %get3A_21, %add3A_22 : vector<16xi32>
      %swap3A = arith.constant 0 : index
      %swap3A_24 = tpu.vector_load %arg8[%swap3A] {strides = array<i32>} : memref<80xi32, #tpu.memory_space<vmem>>, vector<16xi32>,
      %swap3A_25 = vector.shape_cast %swap3A_24 : vector<16xi32> to vector<16xi32>
      %swap3A_26 = vector.shape_cast %add3A_23 : vector<16xi32> to vector<16xi32>
      tpu.vector_store %arg8[%swap3A], %swap3A_26 {strides = array<i32>} : memref<80xi32, #tpu.memory_space<vmem>>, vector<16xi32>,
      %get3A_27 = arith.constant 16 : index
      %get3A_28 = tpu.vector_load %arg8[%get3A_27] {strides = array<i32>} : memref<80xi32, #tpu.memory_space<vmem>>, vector<16xi32>,
      %get3A_29 = vector.shape_cast %get3A_28 : vector<16xi32> to vector<16xi32>
      %add3A_30 = vector.broadcast %mul3A_4 : i32 to vector<16xi32>
      %add3A_31 = arith.addi %get3A_29, %add3A_30 : vector<16xi32>
      %swap3A_32 = arith.constant 16 : index
      %swap3A_33 = tpu.vector_load %arg8[%swap3A_32] {strides = array<i32>} : memref<80xi32, #tpu.memory_space<vmem>>, vector<16xi32>,
      %swap3A_34 = vector.shape_cast %swap3A_33 : vector<16xi32> to vector<16xi32>
      %swap3A_35 = vector.shape_cast %add3A_31 : vector<16xi32> to vector<16xi32>
      tpu.vector_store %arg8[%swap3A_32], %swap3A_35 {strides = array<i32>} : memref<80xi32, #tpu.memory_space<vmem>>, vector<16xi32>,
      %get3A_36 = arith.constant 32 : index
      %get3A_37 = tpu.vector_load %arg8[%get3A_36] {strides = array<i32>} : memref<80xi32, #tpu.memory_space<vmem>>, vector<16xi32>,
      %get3A_38 = vector.shape_cast %get3A_37 : vector<16xi32> to vector<16xi32>
      %add3A_39 = vector.broadcast %mul3A_4 : i32 to vector<16xi32>
      %add3A_40 = arith.addi %get3A_38, %add3A_39 : vector<16xi32>
      %swap3A_41 = arith.constant 32 : index
      %swap3A_42 = tpu.vector_load %arg8[%swap3A_41] {strides = array<i32>} : memref<80xi32, #tpu.memory_space<vmem>>, vector<16xi32>,
      %swap3A_43 = vector.shape_cast %swap3A_42 : vector<16xi32> to vector<16xi32>
      %swap3A_44 = vector.shape_cast %add3A_40 : vector<16xi32> to vector<16xi32>
      tpu.vector_store %arg8[%swap3A_41], %swap3A_44 {strides = array<i32>} : memref<80xi32, #tpu.memory_space<vmem>>, vector<16xi32>,
      %get3A_45 = arith.constant 48 : index
      %get3A_46 = tpu.vector_load %arg8[%get3A_45] {strides = array<i32>} : memref<80xi32, #tpu.memory_space<vmem>>, vector<16xi32>,
      %get3A_47 = vector.shape_cast %get3A_46 : vector<16xi32> to vector<16xi32>
      %add3A_48 = vector.broadcast %mul3A_4 : i32 to vector<16xi32>
      %add3A_49 = arith.addi %get3A_47, %add3A_48 : vector<16xi32>
      %swap3A_50 = arith.constant 48 : index
      %swap3A_51 = tpu.vector_load %arg8[%swap3A_50] {strides = array<i32>} : memref<80xi32, #tpu.memory_space<vmem>>, vector<16xi32>,
      %swap3A_52 = vector.shape_cast %swap3A_51 : vector<16xi32> to vector<16xi32>
      %swap3A_53 = vector.shape_cast %add3A_49 : vector<16xi32> to vector<16xi32>
      tpu.vector_store %arg8[%swap3A_50], %swap3A_53 {strides = array<i32>} : memref<80xi32, #tpu.memory_space<vmem>>, vector<16xi32>,
      %get3A_54 = arith.constant 64 : index
      %get3A_55 = tpu.vector_load %arg8[%get3A_54] {strides = array<i32>} : memref<80xi32, #tpu.memory_space<vmem>>, vector<16xi32>,
      %get3A_56 = vector.shape_cast %get3A_55 : vector<16xi32> to vector<16xi32>
      %add3A_57 = vector.broadcast %mul3A_4 : i32 to vector<16xi32>
      %add3A_58 = arith.addi %get3A_56, %add3A_57 : vector<16xi32>
      %swap3A_59 = arith.constant 64 : index
      %swap3A_60 = tpu.vector_load %arg8[%swap3A_59] {strides = array<i32>} : memref<80xi32, #tpu.memory_space<vmem>>, vector<16xi32>,
      %swap3A_61 = vector.shape_cast %swap3A_60 : vector<16xi32> to vector<16xi32>
      %swap3A_62 = vector.shape_cast %add3A_58 : vector<16xi32> to vector<16xi32>
      tpu.vector_store %arg8[%swap3A_59], %swap3A_62 {strides = array<i32>} : memref<80xi32, #tpu.memory_space<vmem>>, vector<16xi32>,
      %dma_start3A = arith.constant 0 : i32
      %dma_start3A_63 = arith.constant 0 : i32
      %dma_start3A_64 = tpu.memref_slice %arg2[%dma_start3A, %dma_start3A_63] : memref<200000x8xf32, #tpu.memory_space<hbm>> -> memref<200000x8xf32, #tpu.memory_space<hbm>>
      tpu.enqueue_indirect_dma source(%dma_start3A_64 : memref<200000x8xf32, #tpu.memory_space<hbm>>) target(%arg10 : memref<80x8xf32, #tpu.memory_space<vmem>>) offsets(%arg8 : memref<80xi32, #tpu.memory_space<vmem>>) semaphore(%arg12 : memref<!tpu.dma_semaphore, #tpu.memory_space<semaphore_mem>>)
      %dma_wait3A = arith.constant 0 : i32
      %dma_wait3A_65 = arith.constant 0 : i32
      %dma_wait3A_66 = tpu.memref_slice %arg2[%dma_wait3A, %dma_wait3A_65] : memref<200000x8xf32, #tpu.memory_space<hbm>> -> memref<200000x8xf32, #tpu.memory_space<hbm>>
      tpu.wait_indirect_dma semaphore(%arg12 : memref<!tpu.dma_semaphore, #tpu.memory_space<semaphore_mem>>) src(%dma_wait3A_66 : memref<200000x8xf32, #tpu.memory_space<hbm>>) dst(%arg10 : memref<80x8xf32, #tpu.memory_space<vmem>>)
      "tpu.region"() ({
        %run_scoped3A = tpu.sem_alloc : memref<!tpu.dma_semaphore, #tpu.memory_space<semaphore_mem>>
        %dma_start3A_67 = arith.constant 0 : i32
        %dma_start3A_68 = arith.constant 0 : i32
        %dma_start3A_69 = tpu.memref_slice %arg7[%dma_start3A_67, %dma_start3A_68] : memref<100096x8xf32, #tpu.memory_space<vmem_shared>> -> memref<100096x8xf32, #tpu.memory_space<vmem_shared>>
        tpu.enqueue_indirect_dma source(%arg10 : memref<80x8xf32, #tpu.memory_space<vmem>>) target(%dma_start3A_69 : memref<100096x8xf32, #tpu.memory_space<vmem_shared>>) offsets(%arg9 : memref<80xi32, #tpu.memory_space<vmem>>) semaphore(%run_scoped3A : memref<!tpu.dma_semaphore, #tpu.memory_space<semaphore_mem>>) {add = true}
        %dma_wait3A_70 = arith.constant 0 : i32
        %dma_wait3A_71 = arith.constant 0 : i32
        %dma_wait3A_72 = tpu.memref_slice %arg7[%dma_wait3A_70, %dma_wait3A_71] : memref<100096x8xf32, #tpu.memory_space<vmem_shared>> -> memref<100096x8xf32, #tpu.memory_space<vmem_shared>>
        tpu.wait_indirect_dma semaphore(%run_scoped3A : memref<!tpu.dma_semaphore, #tpu.memory_space<semaphore_mem>>) src(%arg10 : memref<80x8xf32, #tpu.memory_space<vmem>>) dst(%dma_wait3A_72 : memref<100096x8xf32, #tpu.memory_space<vmem_shared>>)
        tpu.yield
      }) : () -> ()
    }
    %scan3A_9 = arith.constant 1250 : i32
    %barrier3A_10 = arith.constant 0 : index
    tpu.barrier barrier_id(%barrier3A_10)
    %mul3A_11 = arith.constant 6256 : i32
    %mul3A_12 = arith.muli %arg1, %mul3A_11 : i32
    %mul3A_13 = arith.constant 6256 : i32
    %mul3A_14 = arith.muli %arg1, %mul3A_13 : i32
    "tpu.region"() ({
      %run_scoped3A = tpu.sem_alloc : memref<!tpu.dma_semaphore, #tpu.memory_space<semaphore_mem>>
      %dma_start3A = arith.constant 0 : i32
      %dma_start3A_15 = tpu.memref_slice %arg6[%arg0, %mul3A_14, %dma_start3A] : memref<2x100096x8xf32, #tpu.memory_space<hbm>> -> memref<1x6256x8xf32, #tpu.memory_space<hbm>>
      %dma_start3A_16 = tpu.memref_squeeze %dma_start3A_15 : memref<1x6256x8xf32, #tpu.memory_space<hbm>> -> memref<6256x8xf32, #tpu.memory_space<hbm>>
      %dma_start3A_17 = arith.constant 0 : i32
      %dma_start3A_18 = tpu.memref_slice %arg7[%mul3A_12, %dma_start3A_17] : memref<100096x8xf32, #tpu.memory_space<vmem_shared>> -> memref<6256x8xf32, #tpu.memory_space<vmem_shared>>
      tpu.enqueue_dma source(%dma_start3A_18 : memref<6256x8xf32, #tpu.memory_space<vmem_shared>>) target(%dma_start3A_16 : memref<6256x8xf32, #tpu.memory_space<hbm>>) target_semaphore(%run_scoped3A : memref<!tpu.dma_semaphore, #tpu.memory_space<semaphore_mem>>)
      %dma_wait3A = arith.constant 0 : i32
      %dma_wait3A_19 = tpu.memref_slice %arg6[%arg0, %mul3A_14, %dma_wait3A] : memref<2x100096x8xf32, #tpu.memory_space<hbm>> -> memref<1x6256x8xf32, #tpu.memory_space<hbm>>
      %dma_wait3A_20 = tpu.memref_squeeze %dma_wait3A_19 : memref<1x6256x8xf32, #tpu.memory_space<hbm>> -> memref<6256x8xf32, #tpu.memory_space<hbm>>
      %dma_wait3A_21 = arith.constant 0 : i32
      %dma_wait3A_22 = tpu.memref_slice %arg7[%mul3A_12, %dma_wait3A_21] : memref<100096x8xf32, #tpu.memory_space<vmem_shared>> -> memref<6256x8xf32, #tpu.memory_space<vmem_shared>>
      tpu.wait_dma2 semaphore(%run_scoped3A : memref<!tpu.dma_semaphore, #tpu.memory_space<semaphore_mem>>) src(%dma_wait3A_22 : memref<6256x8xf32, #tpu.memory_space<vmem_shared>>) dst(%dma_wait3A_20 : memref<6256x8xf32, #tpu.memory_space<hbm>>)
      tpu.yield
    }) : () -> ()
    return
  }
}

#map = affine_map<(d0, d1) -> (0, 0)>
#map1 = affine_map<(d0, d1) -> (0)>
#map2 = affine_map<(d0, d1) -> (0, 0, 0)>
module attributes {stable_mosaic.version = 14 : i64} {
  func.func @k(%arg0: i32, %arg1: i32, %arg2: memref<200000x8xf32, #tpu.memory_space<hbm>>, %arg3: memref<1600000xi32, #tpu.memory_space<hbm>>, %arg4: memref<1600000xi32, #tpu.memory_space<hbm>>, %arg5: memref<100096x8xf32, #tpu.memory_space<hbm>>, %arg6: memref<2x100096x8xf32, #tpu.memory_space<hbm>>, %arg7: memref<100096x8xf32, #tpu.memory_space<vmem_shared>>, %arg8: memref<80xi32, #tpu.memory_space<vmem>>, %arg9: memref<80xi32, #tpu.memory_space<vmem>>, %arg10: memref<80x8xf32, #tpu.memory_space<vmem>>, %arg11: memref<6256x8xf32, #tpu.memory_space<vmem>>, %arg12: memref<!tpu.dma_semaphore, #tpu.memory_space<semaphore_mem>>) attributes {dimension_semantics = [#tpu.dimension_semantics<core_parallel>, #tpu.dimension_semantics<subcore_parallel>], iteration_bounds = array<i64: 2, 16>, scalar_prefetch = 0 : i64, scratch_operands = 6 : i64, tpu.core_type = #tpu.core_type<sc_vector_subcore>, window_params = [{transform_indices = #map}, {transform_indices = #map1}, {transform_indices = #map1}, {transform_indices = #map}, {transform_indices = #map2}]} {
    %mul3A = arith.constant 6256 : i32
    %mul3A_0 = arith.muli %arg1, %mul3A : i32
    "tpu.region"() ({
      %run_scoped3A = tpu.sem_alloc : memref<!tpu.dma_semaphore, #tpu.memory_space<semaphore_mem>>
      %dma_start3A = arith.constant 0 : i32
      %dma_start3A_15 = tpu.memref_slice %arg5[%mul3A_0, %dma_start3A] : memref<100096x8xf32, #tpu.memory_space<hbm>> -> memref<6256x8xf32, #tpu.memory_space<hbm>>
      %dma_start3A_16 = arith.constant 0 : i32
      %dma_start3A_17 = tpu.memref_slice %arg5[%mul3A_0, %dma_start3A_16] : memref<100096x8xf32, #tpu.memory_space<hbm>> -> memref<6256x8xf32, #tpu.memory_space<hbm>>
      tpu.enqueue_dma source(%dma_start3A_17 : memref<6256x8xf32, #tpu.memory_space<hbm>>) target(%arg11 : memref<6256x8xf32, #tpu.memory_space<vmem>>) target_semaphore(%run_scoped3A : memref<!tpu.dma_semaphore, #tpu.memory_space<semaphore_mem>>)
      %dma_wait3A = arith.constant 0 : i32
      %dma_wait3A_18 = tpu.memref_slice %arg5[%mul3A_0, %dma_wait3A] : memref<100096x8xf32, #tpu.memory_space<hbm>> -> memref<6256x8xf32, #tpu.memory_space<hbm>>
      %dma_wait3A_19 = arith.constant 0 : i32
      %dma_wait3A_20 = tpu.memref_slice %arg5[%mul3A_0, %dma_wait3A_19] : memref<100096x8xf32, #tpu.memory_space<hbm>> -> memref<6256x8xf32, #tpu.memory_space<hbm>>
      tpu.wait_dma2 semaphore(%run_scoped3A : memref<!tpu.dma_semaphore, #tpu.memory_space<semaphore_mem>>) src(%dma_wait3A_20 : memref<6256x8xf32, #tpu.memory_space<hbm>>) dst(%arg11 : memref<6256x8xf32, #tpu.memory_space<vmem>>)
      tpu.yield
    }) : () -> ()
    %mul3A_1 = arith.constant 6256 : i32
    %mul3A_2 = arith.muli %arg1, %mul3A_1 : i32
    "tpu.region"() ({
      %run_scoped3A = tpu.sem_alloc : memref<!tpu.dma_semaphore, #tpu.memory_space<semaphore_mem>>
      %dma_start3A = arith.constant 0 : i32
      %dma_start3A_15 = tpu.memref_slice %arg7[%mul3A_2, %dma_start3A] : memref<100096x8xf32, #tpu.memory_space<vmem_shared>> -> memref<6256x8xf32, #tpu.memory_space<vmem_shared>>
      %dma_start3A_16 = arith.constant 0 : i32
      %dma_start3A_17 = tpu.memref_slice %arg7[%mul3A_2, %dma_start3A_16] : memref<100096x8xf32, #tpu.memory_space<vmem_shared>> -> memref<6256x8xf32, #tpu.memory_space<vmem_shared>>
      tpu.enqueue_dma source(%arg11 : memref<6256x8xf32, #tpu.memory_space<vmem>>) target(%dma_start3A_17 : memref<6256x8xf32, #tpu.memory_space<vmem_shared>>) target_semaphore(%run_scoped3A : memref<!tpu.dma_semaphore, #tpu.memory_space<semaphore_mem>>)
      %dma_wait3A = arith.constant 0 : i32
      %dma_wait3A_18 = tpu.memref_slice %arg7[%mul3A_2, %dma_wait3A] : memref<100096x8xf32, #tpu.memory_space<vmem_shared>> -> memref<6256x8xf32, #tpu.memory_space<vmem_shared>>
      %dma_wait3A_19 = arith.constant 0 : i32
      %dma_wait3A_20 = tpu.memref_slice %arg7[%mul3A_2, %dma_wait3A_19] : memref<100096x8xf32, #tpu.memory_space<vmem_shared>> -> memref<6256x8xf32, #tpu.memory_space<vmem_shared>>
      tpu.wait_dma2 semaphore(%run_scoped3A : memref<!tpu.dma_semaphore, #tpu.memory_space<semaphore_mem>>) src(%arg11 : memref<6256x8xf32, #tpu.memory_space<vmem>>) dst(%dma_wait3A_20 : memref<6256x8xf32, #tpu.memory_space<vmem_shared>>)
      tpu.yield
    }) : () -> ()
    %barrier3A = arith.constant 0 : index
    tpu.barrier barrier_id(%barrier3A)
    %mul3A_3 = arith.constant 100000 : i32
    %mul3A_4 = arith.muli %arg0, %mul3A_3 : i32
    %scan3A = arith.constant 0 : i32
    %scan3A_5 = arith.constant 0 : i32
    %scan3A_6 = arith.constant 1250 : i32
    %scan3A_7 = arith.addi %scan3A_5, %scan3A_6 : i32
    %scan3A_8 = arith.constant 1 : i32
    scf.for %scan3A_15 = %scan3A_5 to %scan3A_7 step %scan3A_8  : i32 {
      %mul3A_16 = arith.constant 100000 : i32
      %mul3A_17 = arith.muli %arg1, %mul3A_16 : i32
      %mul3A_18 = arith.constant 80 : i32
      %mul3A_19 = arith.muli %scan3A_15, %mul3A_18 : i32
      %add3A = arith.addi %mul3A_17, %mul3A_19 : i32
      "tpu.region"() ({
        %run_scoped3A = tpu.sem_alloc : memref<!tpu.dma_semaphore, #tpu.memory_space<semaphore_mem>>
        %dma_start3A_67 = tpu.memref_slice %arg3[%add3A] : memref<1600000xi32, #tpu.memory_space<hbm>> -> memref<80xi32, #tpu.memory_space<hbm>>
        %dma_start3A_68 = tpu.memref_slice %arg3[%add3A] : memref<1600000xi32, #tpu.memory_space<hbm>> -> memref<80xi32, #tpu.memory_space<hbm>>
        tpu.enqueue_dma source(%dma_start3A_68 : memref<80xi32, #tpu.memory_space<hbm>>) target(%arg8 : memref<80xi32, #tpu.memory_space<vmem>>) target_semaphore(%run_scoped3A : memref<!tpu.dma_semaphore, #tpu.memory_space<semaphore_mem>>)
        %dma_wait3A_69 = tpu.memref_slice %arg3[%add3A] : memref<1600000xi32, #tpu.memory_space<hbm>> -> memref<80xi32, #tpu.memory_space<hbm>>
        %dma_wait3A_70 = tpu.memref_slice %arg3[%add3A] : memref<1600000xi32, #tpu.memory_space<hbm>> -> memref<80xi32, #tpu.memory_space<hbm>>
        tpu.wait_dma2 semaphore(%run_scoped3A : memref<!tpu.dma_semaphore, #tpu.memory_space<semaphore_mem>>) src(%dma_wait3A_70 : memref<80xi32, #tpu.memory_space<hbm>>) dst(%arg8 : memref<80xi32, #tpu.memory_space<vmem>>)
        tpu.yield
      }) : () -> ()
      "tpu.region"() ({
        %run_scoped3A = tpu.sem_alloc : memref<!tpu.dma_semaphore, #tpu.memory_space<semaphore_mem>>
        %dma_start3A_67 = tpu.memref_slice %arg4[%add3A] : memref<1600000xi32, #tpu.memory_space<hbm>> -> memref<80xi32, #tpu.memory_space<hbm>>
        %dma_start3A_68 = tpu.memref_slice %arg4[%add3A] : memref<1600000xi32, #tpu.memory_space<hbm>> -> memref<80xi32, #tpu.memory_space<hbm>>
        tpu.enqueue_dma source(%dma_start3A_68 : memref<80xi32, #tpu.memory_space<hbm>>) target(%arg9 : memref<80xi32, #tpu.memory_space<vmem>>) target_semaphore(%run_scoped3A : memref<!tpu.dma_semaphore, #tpu.memory_space<semaphore_mem>>)
        %dma_wait3A_69 = tpu.memref_slice %arg4[%add3A] : memref<1600000xi32, #tpu.memory_space<hbm>> -> memref<80xi32, #tpu.memory_space<hbm>>
        %dma_wait3A_70 = tpu.memref_slice %arg4[%add3A] : memref<1600000xi32, #tpu.memory_space<hbm>> -> memref<80xi32, #tpu.memory_space<hbm>>
        tpu.wait_dma2 semaphore(%run_scoped3A : memref<!tpu.dma_semaphore, #tpu.memory_space<semaphore_mem>>) src(%dma_wait3A_70 : memref<80xi32, #tpu.memory_space<hbm>>) dst(%arg9 : memref<80xi32, #tpu.memory_space<vmem>>)
        tpu.yield
      }) : () -> ()
      %get3A = arith.constant 0 : index
      %get3A_20 = tpu.vector_load %arg8[%get3A] {strides = array<i32>} : memref<80xi32, #tpu.memory_space<vmem>>, vector<16xi32>,
      %get3A_21 = vector.shape_cast %get3A_20 : vector<16xi32> to vector<16xi32>
      %add3A_22 = vector.broadcast %mul3A_4 : i32 to vector<16xi32>
      %add3A_23 = arith.addi %get3A_21, %add3A_22 : vector<16xi32>
      %swap3A = arith.constant 0 : index
      %swap3A_24 = tpu.vector_load %arg8[%swap3A] {strides = array<i32>} : memref<80xi32, #tpu.memory_space<vmem>>, vector<16xi32>,
      %swap3A_25 = vector.shape_cast %swap3A_24 : vector<16xi32> to vector<16xi32>
      %swap3A_26 = vector.shape_cast %add3A_23 : vector<16xi32> to vector<16xi32>
      tpu.vector_store %arg8[%swap3A], %swap3A_26 {strides = array<i32>} : memref<80xi32, #tpu.memory_space<vmem>>, vector<16xi32>,
      %get3A_27 = arith.constant 16 : index
      %get3A_28 = tpu.vector_load %arg8[%get3A_27] {strides = array<i32>} : memref<80xi32, #tpu.memory_space<vmem>>, vector<16xi32>,
      %get3A_29 = vector.shape_cast %get3A_28 : vector<16xi32> to vector<16xi32>
      %add3A_30 = vector.broadcast %mul3A_4 : i32 to vector<16xi32>
      %add3A_31 = arith.addi %get3A_29, %add3A_30 : vector<16xi32>
      %swap3A_32 = arith.constant 16 : index
      %swap3A_33 = tpu.vector_load %arg8[%swap3A_32] {strides = array<i32>} : memref<80xi32, #tpu.memory_space<vmem>>, vector<16xi32>,
      %swap3A_34 = vector.shape_cast %swap3A_33 : vector<16xi32> to vector<16xi32>
      %swap3A_35 = vector.shape_cast %add3A_31 : vector<16xi32> to vector<16xi32>
      tpu.vector_store %arg8[%swap3A_32], %swap3A_35 {strides = array<i32>} : memref<80xi32, #tpu.memory_space<vmem>>, vector<16xi32>,
      %get3A_36 = arith.constant 32 : index
      %get3A_37 = tpu.vector_load %arg8[%get3A_36] {strides = array<i32>} : memref<80xi32, #tpu.memory_space<vmem>>, vector<16xi32>,
      %get3A_38 = vector.shape_cast %get3A_37 : vector<16xi32> to vector<16xi32>
      %add3A_39 = vector.broadcast %mul3A_4 : i32 to vector<16xi32>
      %add3A_40 = arith.addi %get3A_38, %add3A_39 : vector<16xi32>
      %swap3A_41 = arith.constant 32 : index
      %swap3A_42 = tpu.vector_load %arg8[%swap3A_41] {strides = array<i32>} : memref<80xi32, #tpu.memory_space<vmem>>, vector<16xi32>,
      %swap3A_43 = vector.shape_cast %swap3A_42 : vector<16xi32> to vector<16xi32>
      %swap3A_44 = vector.shape_cast %add3A_40 : vector<16xi32> to vector<16xi32>
      tpu.vector_store %arg8[%swap3A_41], %swap3A_44 {strides = array<i32>} : memref<80xi32, #tpu.memory_space<vmem>>, vector<16xi32>,
      %get3A_45 = arith.constant 48 : index
      %get3A_46 = tpu.vector_load %arg8[%get3A_45] {strides = array<i32>} : memref<80xi32, #tpu.memory_space<vmem>>, vector<16xi32>,
      %get3A_47 = vector.shape_cast %get3A_46 : vector<16xi32> to vector<16xi32>
      %add3A_48 = vector.broadcast %mul3A_4 : i32 to vector<16xi32>
      %add3A_49 = arith.addi %get3A_47, %add3A_48 : vector<16xi32>
      %swap3A_50 = arith.constant 48 : index
      %swap3A_51 = tpu.vector_load %arg8[%swap3A_50] {strides = array<i32>} : memref<80xi32, #tpu.memory_space<vmem>>, vector<16xi32>,
      %swap3A_52 = vector.shape_cast %swap3A_51 : vector<16xi32> to vector<16xi32>
      %swap3A_53 = vector.shape_cast %add3A_49 : vector<16xi32> to vector<16xi32>
      tpu.vector_store %arg8[%swap3A_50], %swap3A_53 {strides = array<i32>} : memref<80xi32, #tpu.memory_space<vmem>>, vector<16xi32>,
      %get3A_54 = arith.constant 64 : index
      %get3A_55 = tpu.vector_load %arg8[%get3A_54] {strides = array<i32>} : memref<80xi32, #tpu.memory_space<vmem>>, vector<16xi32>,
      %get3A_56 = vector.shape_cast %get3A_55 : vector<16xi32> to vector<16xi32>
      %add3A_57 = vector.broadcast %mul3A_4 : i32 to vector<16xi32>
      %add3A_58 = arith.addi %get3A_56, %add3A_57 : vector<16xi32>
      %swap3A_59 = arith.constant 64 : index
      %swap3A_60 = tpu.vector_load %arg8[%swap3A_59] {strides = array<i32>} : memref<80xi32, #tpu.memory_space<vmem>>, vector<16xi32>,
      %swap3A_61 = vector.shape_cast %swap3A_60 : vector<16xi32> to vector<16xi32>
      %swap3A_62 = vector.shape_cast %add3A_58 : vector<16xi32> to vector<16xi32>
      tpu.vector_store %arg8[%swap3A_59], %swap3A_62 {strides = array<i32>} : memref<80xi32, #tpu.memory_space<vmem>>, vector<16xi32>,
      %dma_start3A = arith.constant 0 : i32
      %dma_start3A_63 = arith.constant 0 : i32
      %dma_start3A_64 = tpu.memref_slice %arg2[%dma_start3A, %dma_start3A_63] : memref<200000x8xf32, #tpu.memory_space<hbm>> -> memref<200000x8xf32, #tpu.memory_space<hbm>>
      tpu.enqueue_indirect_dma source(%dma_start3A_64 : memref<200000x8xf32, #tpu.memory_space<hbm>>) target(%arg10 : memref<80x8xf32, #tpu.memory_space<vmem>>) offsets(%arg8 : memref<80xi32, #tpu.memory_space<vmem>>) semaphore(%arg12 : memref<!tpu.dma_semaphore, #tpu.memory_space<semaphore_mem>>)
      %dma_wait3A = arith.constant 0 : i32
      %dma_wait3A_65 = arith.constant 0 : i32
      %dma_wait3A_66 = tpu.memref_slice %arg2[%dma_wait3A, %dma_wait3A_65] : memref<200000x8xf32, #tpu.memory_space<hbm>> -> memref<200000x8xf32, #tpu.memory_space<hbm>>
      tpu.wait_indirect_dma semaphore(%arg12 : memref<!tpu.dma_semaphore, #tpu.memory_space<semaphore_mem>>) src(%dma_wait3A_66 : memref<200000x8xf32, #tpu.memory_space<hbm>>) dst(%arg10 : memref<80x8xf32, #tpu.memory_space<vmem>>)
      "tpu.region"() ({
        %run_scoped3A = tpu.sem_alloc : memref<!tpu.dma_semaphore, #tpu.memory_space<semaphore_mem>>
        %dma_start3A_67 = arith.constant 0 : i32
        %dma_start3A_68 = arith.constant 0 : i32
        %dma_start3A_69 = tpu.memref_slice %arg7[%dma_start3A_67, %dma_start3A_68] : memref<100096x8xf32, #tpu.memory_space<vmem_shared>> -> memref<100096x8xf32, #tpu.memory_space<vmem_shared>>
        tpu.enqueue_indirect_dma source(%arg10 : memref<80x8xf32, #tpu.memory_space<vmem>>) target(%dma_start3A_69 : memref<100096x8xf32, #tpu.memory_space<vmem_shared>>) offsets(%arg9 : memref<80xi32, #tpu.memory_space<vmem>>) semaphore(%run_scoped3A : memref<!tpu.dma_semaphore, #tpu.memory_space<semaphore_mem>>) {add = true}
        %dma_wait3A_70 = arith.constant 0 : i32
        %dma_wait3A_71 = arith.constant 0 : i32
        %dma_wait3A_72 = tpu.memref_slice %arg7[%dma_wait3A_70, %dma_wait3A_71] : memref<100096x8xf32, #tpu.memory_space<vmem_shared>> -> memref<100096x8xf32, #tpu.memory_space<vmem_shared>>
        tpu.wait_indirect_dma semaphore(%run_scoped3A : memref<!tpu.dma_semaphore, #tpu.memory_space<semaphore_mem>>) src(%arg10 : memref<80x8xf32, #tpu.memory_space<vmem>>) dst(%dma_wait3A_72 : memref<100096x8xf32, #tpu.memory_space<vmem_shared>>)
        tpu.yield
      }) : () -> ()
    }
    %scan3A_9 = arith.constant 1250 : i32
    %barrier3A_10 = arith.constant 0 : index
    tpu.barrier barrier_id(%barrier3A_10)
    %mul3A_11 = arith.constant 6256 : i32
    %mul3A_12 = arith.muli %arg1, %mul3A_11 : i32
    %mul3A_13 = arith.constant 6256 : i32
    %mul3A_14 = arith.muli %arg1, %mul3A_13 : i32
    "tpu.region"() ({
      %run_scoped3A = tpu.sem_alloc : memref<!tpu.dma_semaphore, #tpu.memory_space<semaphore_mem>>
      %dma_start3A = arith.constant 0 : i32
      %dma_start3A_15 = tpu.memref_slice %arg6[%arg0, %mul3A_14, %dma_start3A] : memref<2x100096x8xf32, #tpu.memory_space<hbm>> -> memref<1x6256x8xf32, #tpu.memory_space<hbm>>
      %dma_start3A_16 = tpu.memref_squeeze %dma_start3A_15 : memref<1x6256x8xf32, #tpu.memory_space<hbm>> -> memref<6256x8xf32, #tpu.memory_space<hbm>>
      %dma_start3A_17 = arith.constant 0 : i32
      %dma_start3A_18 = tpu.memref_slice %arg7[%mul3A_12, %dma_start3A_17] : memref<100096x8xf32, #tpu.memory_space<vmem_shared>> -> memref<6256x8xf32, #tpu.memory_space<vmem_shared>>
      tpu.enqueue_dma source(%dma_start3A_18 : memref<6256x8xf32, #tpu.memory_space<vmem_shared>>) target(%dma_start3A_16 : memref<6256x8xf32, #tpu.memory_space<hbm>>) target_semaphore(%run_scoped3A : memref<!tpu.dma_semaphore, #tpu.memory_space<semaphore_mem>>)
      %dma_wait3A = arith.constant 0 : i32
      %dma_wait3A_19 = tpu.memref_slice %arg6[%arg0, %mul3A_14, %dma_wait3A] : memref<2x100096x8xf32, #tpu.memory_space<hbm>> -> memref<1x6256x8xf32, #tpu.memory_space<hbm>>
      %dma_wait3A_20 = tpu.memref_squeeze %dma_wait3A_19 : memref<1x6256x8xf32, #tpu.memory_space<hbm>> -> memref<6256x8xf32, #tpu.memory_space<hbm>>
      %dma_wait3A_21 = arith.constant 0 : i32
      %dma_wait3A_22 = tpu.memref_slice %arg7[%mul3A_12, %dma_wait3A_21] : memref<100096x8xf32, #tpu.memory_space<vmem_shared>> -> memref<6256x8xf32, #tpu.memory_space<vmem_shared>>
      tpu.wait_dma2 semaphore(%run_scoped3A : memref<!tpu.dma_semaphore, #tpu.memory_space<semaphore_mem>>) src(%dma_wait3A_22 : memref<6256x8xf32, #tpu.memory_space<vmem_shared>>) dst(%dma_wait3A_20 : memref<6256x8xf32, #tpu.memory_space<hbm>>)
      tpu.yield
    }) : () -> ()
    return
  }
}

#map = affine_map<(d0, d1) -> (0, 0)>
#map1 = affine_map<(d0, d1) -> (0)>
#map2 = affine_map<(d0, d1) -> (0, 0, 0)>
module attributes {stable_mosaic.version = 14 : i64} {
  func.func @k(%arg0: i32, %arg1: i32, %arg2: memref<200000x8xf32, #tpu.memory_space<hbm>>, %arg3: memref<1600000xi32, #tpu.memory_space<hbm>>, %arg4: memref<1600000xi32, #tpu.memory_space<hbm>>, %arg5: memref<100096x8xf32, #tpu.memory_space<hbm>>, %arg6: memref<2x100096x8xf32, #tpu.memory_space<hbm>>, %arg7: memref<100096x8xf32, #tpu.memory_space<vmem_shared>>, %arg8: memref<80xi32, #tpu.memory_space<vmem>>, %arg9: memref<80xi32, #tpu.memory_space<vmem>>, %arg10: memref<80x8xf32, #tpu.memory_space<vmem>>, %arg11: memref<6256x8xf32, #tpu.memory_space<vmem>>, %arg12: memref<!tpu.dma_semaphore, #tpu.memory_space<semaphore_mem>>) attributes {dimension_semantics = [#tpu.dimension_semantics<core_parallel>, #tpu.dimension_semantics<subcore_parallel>], iteration_bounds = array<i64: 2, 16>, scalar_prefetch = 0 : i64, scratch_operands = 6 : i64, tpu.core_type = #tpu.core_type<sc_vector_subcore>, window_params = [{transform_indices = #map}, {transform_indices = #map1}, {transform_indices = #map1}, {transform_indices = #map}, {transform_indices = #map2}]} {
    %mul3A = arith.constant 6256 : i32
    %mul3A_0 = arith.muli %arg1, %mul3A : i32
    "tpu.region"() ({
      %run_scoped3A = tpu.sem_alloc : memref<!tpu.dma_semaphore, #tpu.memory_space<semaphore_mem>>
      %dma_start3A = arith.constant 0 : i32
      %dma_start3A_15 = tpu.memref_slice %arg5[%mul3A_0, %dma_start3A] : memref<100096x8xf32, #tpu.memory_space<hbm>> -> memref<6256x8xf32, #tpu.memory_space<hbm>>
      %dma_start3A_16 = arith.constant 0 : i32
      %dma_start3A_17 = tpu.memref_slice %arg5[%mul3A_0, %dma_start3A_16] : memref<100096x8xf32, #tpu.memory_space<hbm>> -> memref<6256x8xf32, #tpu.memory_space<hbm>>
      tpu.enqueue_dma source(%dma_start3A_17 : memref<6256x8xf32, #tpu.memory_space<hbm>>) target(%arg11 : memref<6256x8xf32, #tpu.memory_space<vmem>>) target_semaphore(%run_scoped3A : memref<!tpu.dma_semaphore, #tpu.memory_space<semaphore_mem>>)
      %dma_wait3A = arith.constant 0 : i32
      %dma_wait3A_18 = tpu.memref_slice %arg5[%mul3A_0, %dma_wait3A] : memref<100096x8xf32, #tpu.memory_space<hbm>> -> memref<6256x8xf32, #tpu.memory_space<hbm>>
      %dma_wait3A_19 = arith.constant 0 : i32
      %dma_wait3A_20 = tpu.memref_slice %arg5[%mul3A_0, %dma_wait3A_19] : memref<100096x8xf32, #tpu.memory_space<hbm>> -> memref<6256x8xf32, #tpu.memory_space<hbm>>
      tpu.wait_dma2 semaphore(%run_scoped3A : memref<!tpu.dma_semaphore, #tpu.memory_space<semaphore_mem>>) src(%dma_wait3A_20 : memref<6256x8xf32, #tpu.memory_space<hbm>>) dst(%arg11 : memref<6256x8xf32, #tpu.memory_space<vmem>>)
      tpu.yield
    }) : () -> ()
    %mul3A_1 = arith.constant 6256 : i32
    %mul3A_2 = arith.muli %arg1, %mul3A_1 : i32
    "tpu.region"() ({
      %run_scoped3A = tpu.sem_alloc : memref<!tpu.dma_semaphore, #tpu.memory_space<semaphore_mem>>
      %dma_start3A = arith.constant 0 : i32
      %dma_start3A_15 = tpu.memref_slice %arg7[%mul3A_2, %dma_start3A] : memref<100096x8xf32, #tpu.memory_space<vmem_shared>> -> memref<6256x8xf32, #tpu.memory_space<vmem_shared>>
      %dma_start3A_16 = arith.constant 0 : i32
      %dma_start3A_17 = tpu.memref_slice %arg7[%mul3A_2, %dma_start3A_16] : memref<100096x8xf32, #tpu.memory_space<vmem_shared>> -> memref<6256x8xf32, #tpu.memory_space<vmem_shared>>
      tpu.enqueue_dma source(%arg11 : memref<6256x8xf32, #tpu.memory_space<vmem>>) target(%dma_start3A_17 : memref<6256x8xf32, #tpu.memory_space<vmem_shared>>) target_semaphore(%run_scoped3A : memref<!tpu.dma_semaphore, #tpu.memory_space<semaphore_mem>>)
      %dma_wait3A = arith.constant 0 : i32
      %dma_wait3A_18 = tpu.memref_slice %arg7[%mul3A_2, %dma_wait3A] : memref<100096x8xf32, #tpu.memory_space<vmem_shared>> -> memref<6256x8xf32, #tpu.memory_space<vmem_shared>>
      %dma_wait3A_19 = arith.constant 0 : i32
      %dma_wait3A_20 = tpu.memref_slice %arg7[%mul3A_2, %dma_wait3A_19] : memref<100096x8xf32, #tpu.memory_space<vmem_shared>> -> memref<6256x8xf32, #tpu.memory_space<vmem_shared>>
      tpu.wait_dma2 semaphore(%run_scoped3A : memref<!tpu.dma_semaphore, #tpu.memory_space<semaphore_mem>>) src(%arg11 : memref<6256x8xf32, #tpu.memory_space<vmem>>) dst(%dma_wait3A_20 : memref<6256x8xf32, #tpu.memory_space<vmem_shared>>)
      tpu.yield
    }) : () -> ()
    %barrier3A = arith.constant 0 : index
    tpu.barrier barrier_id(%barrier3A)
    %mul3A_3 = arith.constant 100000 : i32
    %mul3A_4 = arith.muli %arg0, %mul3A_3 : i32
    %scan3A = arith.constant 0 : i32
    %scan3A_5 = arith.constant 0 : i32
    %scan3A_6 = arith.constant 1250 : i32
    %scan3A_7 = arith.addi %scan3A_5, %scan3A_6 : i32
    %scan3A_8 = arith.constant 1 : i32
    scf.for %scan3A_15 = %scan3A_5 to %scan3A_7 step %scan3A_8  : i32 {
      %mul3A_16 = arith.constant 100000 : i32
      %mul3A_17 = arith.muli %arg1, %mul3A_16 : i32
      %mul3A_18 = arith.constant 80 : i32
      %mul3A_19 = arith.muli %scan3A_15, %mul3A_18 : i32
      %add3A = arith.addi %mul3A_17, %mul3A_19 : i32
      "tpu.region"() ({
        %run_scoped3A = tpu.sem_alloc : memref<!tpu.dma_semaphore, #tpu.memory_space<semaphore_mem>>
        %dma_start3A_67 = tpu.memref_slice %arg3[%add3A] : memref<1600000xi32, #tpu.memory_space<hbm>> -> memref<80xi32, #tpu.memory_space<hbm>>
        %dma_start3A_68 = tpu.memref_slice %arg3[%add3A] : memref<1600000xi32, #tpu.memory_space<hbm>> -> memref<80xi32, #tpu.memory_space<hbm>>
        tpu.enqueue_dma source(%dma_start3A_68 : memref<80xi32, #tpu.memory_space<hbm>>) target(%arg8 : memref<80xi32, #tpu.memory_space<vmem>>) target_semaphore(%run_scoped3A : memref<!tpu.dma_semaphore, #tpu.memory_space<semaphore_mem>>)
        %dma_wait3A_69 = tpu.memref_slice %arg3[%add3A] : memref<1600000xi32, #tpu.memory_space<hbm>> -> memref<80xi32, #tpu.memory_space<hbm>>
        %dma_wait3A_70 = tpu.memref_slice %arg3[%add3A] : memref<1600000xi32, #tpu.memory_space<hbm>> -> memref<80xi32, #tpu.memory_space<hbm>>
        tpu.wait_dma2 semaphore(%run_scoped3A : memref<!tpu.dma_semaphore, #tpu.memory_space<semaphore_mem>>) src(%dma_wait3A_70 : memref<80xi32, #tpu.memory_space<hbm>>) dst(%arg8 : memref<80xi32, #tpu.memory_space<vmem>>)
        tpu.yield
      }) : () -> ()
      "tpu.region"() ({
        %run_scoped3A = tpu.sem_alloc : memref<!tpu.dma_semaphore, #tpu.memory_space<semaphore_mem>>
        %dma_start3A_67 = tpu.memref_slice %arg4[%add3A] : memref<1600000xi32, #tpu.memory_space<hbm>> -> memref<80xi32, #tpu.memory_space<hbm>>
        %dma_start3A_68 = tpu.memref_slice %arg4[%add3A] : memref<1600000xi32, #tpu.memory_space<hbm>> -> memref<80xi32, #tpu.memory_space<hbm>>
        tpu.enqueue_dma source(%dma_start3A_68 : memref<80xi32, #tpu.memory_space<hbm>>) target(%arg9 : memref<80xi32, #tpu.memory_space<vmem>>) target_semaphore(%run_scoped3A : memref<!tpu.dma_semaphore, #tpu.memory_space<semaphore_mem>>)
        %dma_wait3A_69 = tpu.memref_slice %arg4[%add3A] : memref<1600000xi32, #tpu.memory_space<hbm>> -> memref<80xi32, #tpu.memory_space<hbm>>
        %dma_wait3A_70 = tpu.memref_slice %arg4[%add3A] : memref<1600000xi32, #tpu.memory_space<hbm>> -> memref<80xi32, #tpu.memory_space<hbm>>
        tpu.wait_dma2 semaphore(%run_scoped3A : memref<!tpu.dma_semaphore, #tpu.memory_space<semaphore_mem>>) src(%dma_wait3A_70 : memref<80xi32, #tpu.memory_space<hbm>>) dst(%arg9 : memref<80xi32, #tpu.memory_space<vmem>>)
        tpu.yield
      }) : () -> ()
      %get3A = arith.constant 0 : index
      %get3A_20 = tpu.vector_load %arg8[%get3A] {strides = array<i32>} : memref<80xi32, #tpu.memory_space<vmem>>, vector<16xi32>,
      %get3A_21 = vector.shape_cast %get3A_20 : vector<16xi32> to vector<16xi32>
      %add3A_22 = vector.broadcast %mul3A_4 : i32 to vector<16xi32>
      %add3A_23 = arith.addi %get3A_21, %add3A_22 : vector<16xi32>
      %swap3A = arith.constant 0 : index
      %swap3A_24 = tpu.vector_load %arg8[%swap3A] {strides = array<i32>} : memref<80xi32, #tpu.memory_space<vmem>>, vector<16xi32>,
      %swap3A_25 = vector.shape_cast %swap3A_24 : vector<16xi32> to vector<16xi32>
      %swap3A_26 = vector.shape_cast %add3A_23 : vector<16xi32> to vector<16xi32>
      tpu.vector_store %arg8[%swap3A], %swap3A_26 {strides = array<i32>} : memref<80xi32, #tpu.memory_space<vmem>>, vector<16xi32>,
      %get3A_27 = arith.constant 16 : index
      %get3A_28 = tpu.vector_load %arg8[%get3A_27] {strides = array<i32>} : memref<80xi32, #tpu.memory_space<vmem>>, vector<16xi32>,
      %get3A_29 = vector.shape_cast %get3A_28 : vector<16xi32> to vector<16xi32>
      %add3A_30 = vector.broadcast %mul3A_4 : i32 to vector<16xi32>
      %add3A_31 = arith.addi %get3A_29, %add3A_30 : vector<16xi32>
      %swap3A_32 = arith.constant 16 : index
      %swap3A_33 = tpu.vector_load %arg8[%swap3A_32] {strides = array<i32>} : memref<80xi32, #tpu.memory_space<vmem>>, vector<16xi32>,
      %swap3A_34 = vector.shape_cast %swap3A_33 : vector<16xi32> to vector<16xi32>
      %swap3A_35 = vector.shape_cast %add3A_31 : vector<16xi32> to vector<16xi32>
      tpu.vector_store %arg8[%swap3A_32], %swap3A_35 {strides = array<i32>} : memref<80xi32, #tpu.memory_space<vmem>>, vector<16xi32>,
      %get3A_36 = arith.constant 32 : index
      %get3A_37 = tpu.vector_load %arg8[%get3A_36] {strides = array<i32>} : memref<80xi32, #tpu.memory_space<vmem>>, vector<16xi32>,
      %get3A_38 = vector.shape_cast %get3A_37 : vector<16xi32> to vector<16xi32>
      %add3A_39 = vector.broadcast %mul3A_4 : i32 to vector<16xi32>
      %add3A_40 = arith.addi %get3A_38, %add3A_39 : vector<16xi32>
      %swap3A_41 = arith.constant 32 : index
      %swap3A_42 = tpu.vector_load %arg8[%swap3A_41] {strides = array<i32>} : memref<80xi32, #tpu.memory_space<vmem>>, vector<16xi32>,
      %swap3A_43 = vector.shape_cast %swap3A_42 : vector<16xi32> to vector<16xi32>
      %swap3A_44 = vector.shape_cast %add3A_40 : vector<16xi32> to vector<16xi32>
      tpu.vector_store %arg8[%swap3A_41], %swap3A_44 {strides = array<i32>} : memref<80xi32, #tpu.memory_space<vmem>>, vector<16xi32>,
      %get3A_45 = arith.constant 48 : index
      %get3A_46 = tpu.vector_load %arg8[%get3A_45] {strides = array<i32>} : memref<80xi32, #tpu.memory_space<vmem>>, vector<16xi32>,
      %get3A_47 = vector.shape_cast %get3A_46 : vector<16xi32> to vector<16xi32>
      %add3A_48 = vector.broadcast %mul3A_4 : i32 to vector<16xi32>
      %add3A_49 = arith.addi %get3A_47, %add3A_48 : vector<16xi32>
      %swap3A_50 = arith.constant 48 : index
      %swap3A_51 = tpu.vector_load %arg8[%swap3A_50] {strides = array<i32>} : memref<80xi32, #tpu.memory_space<vmem>>, vector<16xi32>,
      %swap3A_52 = vector.shape_cast %swap3A_51 : vector<16xi32> to vector<16xi32>
      %swap3A_53 = vector.shape_cast %add3A_49 : vector<16xi32> to vector<16xi32>
      tpu.vector_store %arg8[%swap3A_50], %swap3A_53 {strides = array<i32>} : memref<80xi32, #tpu.memory_space<vmem>>, vector<16xi32>,
      %get3A_54 = arith.constant 64 : index
      %get3A_55 = tpu.vector_load %arg8[%get3A_54] {strides = array<i32>} : memref<80xi32, #tpu.memory_space<vmem>>, vector<16xi32>,
      %get3A_56 = vector.shape_cast %get3A_55 : vector<16xi32> to vector<16xi32>
      %add3A_57 = vector.broadcast %mul3A_4 : i32 to vector<16xi32>
      %add3A_58 = arith.addi %get3A_56, %add3A_57 : vector<16xi32>
      %swap3A_59 = arith.constant 64 : index
      %swap3A_60 = tpu.vector_load %arg8[%swap3A_59] {strides = array<i32>} : memref<80xi32, #tpu.memory_space<vmem>>, vector<16xi32>,
      %swap3A_61 = vector.shape_cast %swap3A_60 : vector<16xi32> to vector<16xi32>
      %swap3A_62 = vector.shape_cast %add3A_58 : vector<16xi32> to vector<16xi32>
      tpu.vector_store %arg8[%swap3A_59], %swap3A_62 {strides = array<i32>} : memref<80xi32, #tpu.memory_space<vmem>>, vector<16xi32>,
      %dma_start3A = arith.constant 0 : i32
      %dma_start3A_63 = arith.constant 0 : i32
      %dma_start3A_64 = tpu.memref_slice %arg2[%dma_start3A, %dma_start3A_63] : memref<200000x8xf32, #tpu.memory_space<hbm>> -> memref<200000x8xf32, #tpu.memory_space<hbm>>
      tpu.enqueue_indirect_dma source(%dma_start3A_64 : memref<200000x8xf32, #tpu.memory_space<hbm>>) target(%arg10 : memref<80x8xf32, #tpu.memory_space<vmem>>) offsets(%arg8 : memref<80xi32, #tpu.memory_space<vmem>>) semaphore(%arg12 : memref<!tpu.dma_semaphore, #tpu.memory_space<semaphore_mem>>)
      %dma_wait3A = arith.constant 0 : i32
      %dma_wait3A_65 = arith.constant 0 : i32
      %dma_wait3A_66 = tpu.memref_slice %arg2[%dma_wait3A, %dma_wait3A_65] : memref<200000x8xf32, #tpu.memory_space<hbm>> -> memref<200000x8xf32, #tpu.memory_space<hbm>>
      tpu.wait_indirect_dma semaphore(%arg12 : memref<!tpu.dma_semaphore, #tpu.memory_space<semaphore_mem>>) src(%dma_wait3A_66 : memref<200000x8xf32, #tpu.memory_space<hbm>>) dst(%arg10 : memref<80x8xf32, #tpu.memory_space<vmem>>)
      "tpu.region"() ({
        %run_scoped3A = tpu.sem_alloc : memref<!tpu.dma_semaphore, #tpu.memory_space<semaphore_mem>>
        %dma_start3A_67 = arith.constant 0 : i32
        %dma_start3A_68 = arith.constant 0 : i32
        %dma_start3A_69 = tpu.memref_slice %arg7[%dma_start3A_67, %dma_start3A_68] : memref<100096x8xf32, #tpu.memory_space<vmem_shared>> -> memref<100096x8xf32, #tpu.memory_space<vmem_shared>>
        tpu.enqueue_indirect_dma source(%arg10 : memref<80x8xf32, #tpu.memory_space<vmem>>) target(%dma_start3A_69 : memref<100096x8xf32, #tpu.memory_space<vmem_shared>>) offsets(%arg9 : memref<80xi32, #tpu.memory_space<vmem>>) semaphore(%run_scoped3A : memref<!tpu.dma_semaphore, #tpu.memory_space<semaphore_mem>>) {add = true}
        %dma_wait3A_70 = arith.constant 0 : i32
        %dma_wait3A_71 = arith.constant 0 : i32
        %dma_wait3A_72 = tpu.memref_slice %arg7[%dma_wait3A_70, %dma_wait3A_71] : memref<100096x8xf32, #tpu.memory_space<vmem_shared>> -> memref<100096x8xf32, #tpu.memory_space<vmem_shared>>
        tpu.wait_indirect_dma semaphore(%run_scoped3A : memref<!tpu.dma_semaphore, #tpu.memory_space<semaphore_mem>>) src(%arg10 : memref<80x8xf32, #tpu.memory_space<vmem>>) dst(%dma_wait3A_72 : memref<100096x8xf32, #tpu.memory_space<vmem_shared>>)
        tpu.yield
      }) : () -> ()
    }
    %scan3A_9 = arith.constant 1250 : i32
    %barrier3A_10 = arith.constant 0 : index
    tpu.barrier barrier_id(%barrier3A_10)
    %mul3A_11 = arith.constant 6256 : i32
    %mul3A_12 = arith.muli %arg1, %mul3A_11 : i32
    %mul3A_13 = arith.constant 6256 : i32
    %mul3A_14 = arith.muli %arg1, %mul3A_13 : i32
    "tpu.region"() ({
      %run_scoped3A = tpu.sem_alloc : memref<!tpu.dma_semaphore, #tpu.memory_space<semaphore_mem>>
      %dma_start3A = arith.constant 0 : i32
      %dma_start3A_15 = tpu.memref_slice %arg6[%arg0, %mul3A_14, %dma_start3A] : memref<2x100096x8xf32, #tpu.memory_space<hbm>> -> memref<1x6256x8xf32, #tpu.memory_space<hbm>>
      %dma_start3A_16 = tpu.memref_squeeze %dma_start3A_15 : memref<1x6256x8xf32, #tpu.memory_space<hbm>> -> memref<6256x8xf32, #tpu.memory_space<hbm>>
      %dma_start3A_17 = arith.constant 0 : i32
      %dma_start3A_18 = tpu.memref_slice %arg7[%mul3A_12, %dma_start3A_17] : memref<100096x8xf32, #tpu.memory_space<vmem_shared>> -> memref<6256x8xf32, #tpu.memory_space<vmem_shared>>
      tpu.enqueue_dma source(%dma_start3A_18 : memref<6256x8xf32, #tpu.memory_space<vmem_shared>>) target(%dma_start3A_16 : memref<6256x8xf32, #tpu.memory_space<hbm>>) target_semaphore(%run_scoped3A : memref<!tpu.dma_semaphore, #tpu.memory_space<semaphore_mem>>)
      %dma_wait3A = arith.constant 0 : i32
      %dma_wait3A_19 = tpu.memref_slice %arg6[%arg0, %mul3A_14, %dma_wait3A] : memref<2x100096x8xf32, #tpu.memory_space<hbm>> -> memref<1x6256x8xf32, #tpu.memory_space<hbm>>
      %dma_wait3A_20 = tpu.memref_squeeze %dma_wait3A_19 : memref<1x6256x8xf32, #tpu.memory_space<hbm>> -> memref<6256x8xf32, #tpu.memory_space<hbm>>
      %dma_wait3A_21 = arith.constant 0 : i32
      %dma_wait3A_22 = tpu.memref_slice %arg7[%mul3A_12, %dma_wait3A_21] : memref<100096x8xf32, #tpu.memory_space<vmem_shared>> -> memref<6256x8xf32, #tpu.memory_space<vmem_shared>>
      tpu.wait_dma2 semaphore(%run_scoped3A : memref<!tpu.dma_semaphore, #tpu.memory_space<semaphore_mem>>) src(%dma_wait3A_22 : memref<6256x8xf32, #tpu.memory_space<vmem_shared>>) dst(%dma_wait3A_20 : memref<6256x8xf32, #tpu.memory_space<hbm>>)
      tpu.yield
    }) : () -> ()
    return
  }
}

#map = affine_map<(d0, d1) -> (0, 0)>
#map1 = affine_map<(d0, d1) -> (0)>
#map2 = affine_map<(d0, d1) -> (0, 0, 0)>
module attributes {stable_mosaic.version = 14 : i64} {
  func.func @k(%arg0: i32, %arg1: i32, %arg2: memref<200000x8xf32, #tpu.memory_space<hbm>>, %arg3: memref<1600000xi32, #tpu.memory_space<hbm>>, %arg4: memref<1600000xi32, #tpu.memory_space<hbm>>, %arg5: memref<100096x8xf32, #tpu.memory_space<hbm>>, %arg6: memref<2x100096x8xf32, #tpu.memory_space<hbm>>, %arg7: memref<100096x8xf32, #tpu.memory_space<vmem_shared>>, %arg8: memref<80xi32, #tpu.memory_space<vmem>>, %arg9: memref<80xi32, #tpu.memory_space<vmem>>, %arg10: memref<80x8xf32, #tpu.memory_space<vmem>>, %arg11: memref<6256x8xf32, #tpu.memory_space<vmem>>, %arg12: memref<!tpu.dma_semaphore, #tpu.memory_space<semaphore_mem>>) attributes {dimension_semantics = [#tpu.dimension_semantics<core_parallel>, #tpu.dimension_semantics<subcore_parallel>], iteration_bounds = array<i64: 2, 16>, scalar_prefetch = 0 : i64, scratch_operands = 6 : i64, tpu.core_type = #tpu.core_type<sc_vector_subcore>, window_params = [{transform_indices = #map}, {transform_indices = #map1}, {transform_indices = #map1}, {transform_indices = #map}, {transform_indices = #map2}]} {
    %mul3A = arith.constant 6256 : i32
    %mul3A_0 = arith.muli %arg1, %mul3A : i32
    "tpu.region"() ({
      %run_scoped3A = tpu.sem_alloc : memref<!tpu.dma_semaphore, #tpu.memory_space<semaphore_mem>>
      %dma_start3A = arith.constant 0 : i32
      %dma_start3A_15 = tpu.memref_slice %arg5[%mul3A_0, %dma_start3A] : memref<100096x8xf32, #tpu.memory_space<hbm>> -> memref<6256x8xf32, #tpu.memory_space<hbm>>
      %dma_start3A_16 = arith.constant 0 : i32
      %dma_start3A_17 = tpu.memref_slice %arg5[%mul3A_0, %dma_start3A_16] : memref<100096x8xf32, #tpu.memory_space<hbm>> -> memref<6256x8xf32, #tpu.memory_space<hbm>>
      tpu.enqueue_dma source(%dma_start3A_17 : memref<6256x8xf32, #tpu.memory_space<hbm>>) target(%arg11 : memref<6256x8xf32, #tpu.memory_space<vmem>>) target_semaphore(%run_scoped3A : memref<!tpu.dma_semaphore, #tpu.memory_space<semaphore_mem>>)
      %dma_wait3A = arith.constant 0 : i32
      %dma_wait3A_18 = tpu.memref_slice %arg5[%mul3A_0, %dma_wait3A] : memref<100096x8xf32, #tpu.memory_space<hbm>> -> memref<6256x8xf32, #tpu.memory_space<hbm>>
      %dma_wait3A_19 = arith.constant 0 : i32
      %dma_wait3A_20 = tpu.memref_slice %arg5[%mul3A_0, %dma_wait3A_19] : memref<100096x8xf32, #tpu.memory_space<hbm>> -> memref<6256x8xf32, #tpu.memory_space<hbm>>
      tpu.wait_dma2 semaphore(%run_scoped3A : memref<!tpu.dma_semaphore, #tpu.memory_space<semaphore_mem>>) src(%dma_wait3A_20 : memref<6256x8xf32, #tpu.memory_space<hbm>>) dst(%arg11 : memref<6256x8xf32, #tpu.memory_space<vmem>>)
      tpu.yield
    }) : () -> ()
    %mul3A_1 = arith.constant 6256 : i32
    %mul3A_2 = arith.muli %arg1, %mul3A_1 : i32
    "tpu.region"() ({
      %run_scoped3A = tpu.sem_alloc : memref<!tpu.dma_semaphore, #tpu.memory_space<semaphore_mem>>
      %dma_start3A = arith.constant 0 : i32
      %dma_start3A_15 = tpu.memref_slice %arg7[%mul3A_2, %dma_start3A] : memref<100096x8xf32, #tpu.memory_space<vmem_shared>> -> memref<6256x8xf32, #tpu.memory_space<vmem_shared>>
      %dma_start3A_16 = arith.constant 0 : i32
      %dma_start3A_17 = tpu.memref_slice %arg7[%mul3A_2, %dma_start3A_16] : memref<100096x8xf32, #tpu.memory_space<vmem_shared>> -> memref<6256x8xf32, #tpu.memory_space<vmem_shared>>
      tpu.enqueue_dma source(%arg11 : memref<6256x8xf32, #tpu.memory_space<vmem>>) target(%dma_start3A_17 : memref<6256x8xf32, #tpu.memory_space<vmem_shared>>) target_semaphore(%run_scoped3A : memref<!tpu.dma_semaphore, #tpu.memory_space<semaphore_mem>>)
      %dma_wait3A = arith.constant 0 : i32
      %dma_wait3A_18 = tpu.memref_slice %arg7[%mul3A_2, %dma_wait3A] : memref<100096x8xf32, #tpu.memory_space<vmem_shared>> -> memref<6256x8xf32, #tpu.memory_space<vmem_shared>>
      %dma_wait3A_19 = arith.constant 0 : i32
      %dma_wait3A_20 = tpu.memref_slice %arg7[%mul3A_2, %dma_wait3A_19] : memref<100096x8xf32, #tpu.memory_space<vmem_shared>> -> memref<6256x8xf32, #tpu.memory_space<vmem_shared>>
      tpu.wait_dma2 semaphore(%run_scoped3A : memref<!tpu.dma_semaphore, #tpu.memory_space<semaphore_mem>>) src(%arg11 : memref<6256x8xf32, #tpu.memory_space<vmem>>) dst(%dma_wait3A_20 : memref<6256x8xf32, #tpu.memory_space<vmem_shared>>)
      tpu.yield
    }) : () -> ()
    %barrier3A = arith.constant 0 : index
    tpu.barrier barrier_id(%barrier3A)
    %mul3A_3 = arith.constant 100000 : i32
    %mul3A_4 = arith.muli %arg0, %mul3A_3 : i32
    %scan3A = arith.constant 0 : i32
    %scan3A_5 = arith.constant 0 : i32
    %scan3A_6 = arith.constant 1250 : i32
    %scan3A_7 = arith.addi %scan3A_5, %scan3A_6 : i32
    %scan3A_8 = arith.constant 1 : i32
    scf.for %scan3A_15 = %scan3A_5 to %scan3A_7 step %scan3A_8  : i32 {
      %mul3A_16 = arith.constant 100000 : i32
      %mul3A_17 = arith.muli %arg1, %mul3A_16 : i32
      %mul3A_18 = arith.constant 80 : i32
      %mul3A_19 = arith.muli %scan3A_15, %mul3A_18 : i32
      %add3A = arith.addi %mul3A_17, %mul3A_19 : i32
      "tpu.region"() ({
        %run_scoped3A = tpu.sem_alloc : memref<!tpu.dma_semaphore, #tpu.memory_space<semaphore_mem>>
        %dma_start3A_67 = tpu.memref_slice %arg3[%add3A] : memref<1600000xi32, #tpu.memory_space<hbm>> -> memref<80xi32, #tpu.memory_space<hbm>>
        %dma_start3A_68 = tpu.memref_slice %arg3[%add3A] : memref<1600000xi32, #tpu.memory_space<hbm>> -> memref<80xi32, #tpu.memory_space<hbm>>
        tpu.enqueue_dma source(%dma_start3A_68 : memref<80xi32, #tpu.memory_space<hbm>>) target(%arg8 : memref<80xi32, #tpu.memory_space<vmem>>) target_semaphore(%run_scoped3A : memref<!tpu.dma_semaphore, #tpu.memory_space<semaphore_mem>>)
        %dma_wait3A_69 = tpu.memref_slice %arg3[%add3A] : memref<1600000xi32, #tpu.memory_space<hbm>> -> memref<80xi32, #tpu.memory_space<hbm>>
        %dma_wait3A_70 = tpu.memref_slice %arg3[%add3A] : memref<1600000xi32, #tpu.memory_space<hbm>> -> memref<80xi32, #tpu.memory_space<hbm>>
        tpu.wait_dma2 semaphore(%run_scoped3A : memref<!tpu.dma_semaphore, #tpu.memory_space<semaphore_mem>>) src(%dma_wait3A_70 : memref<80xi32, #tpu.memory_space<hbm>>) dst(%arg8 : memref<80xi32, #tpu.memory_space<vmem>>)
        tpu.yield
      }) : () -> ()
      "tpu.region"() ({
        %run_scoped3A = tpu.sem_alloc : memref<!tpu.dma_semaphore, #tpu.memory_space<semaphore_mem>>
        %dma_start3A_67 = tpu.memref_slice %arg4[%add3A] : memref<1600000xi32, #tpu.memory_space<hbm>> -> memref<80xi32, #tpu.memory_space<hbm>>
        %dma_start3A_68 = tpu.memref_slice %arg4[%add3A] : memref<1600000xi32, #tpu.memory_space<hbm>> -> memref<80xi32, #tpu.memory_space<hbm>>
        tpu.enqueue_dma source(%dma_start3A_68 : memref<80xi32, #tpu.memory_space<hbm>>) target(%arg9 : memref<80xi32, #tpu.memory_space<vmem>>) target_semaphore(%run_scoped3A : memref<!tpu.dma_semaphore, #tpu.memory_space<semaphore_mem>>)
        %dma_wait3A_69 = tpu.memref_slice %arg4[%add3A] : memref<1600000xi32, #tpu.memory_space<hbm>> -> memref<80xi32, #tpu.memory_space<hbm>>
        %dma_wait3A_70 = tpu.memref_slice %arg4[%add3A] : memref<1600000xi32, #tpu.memory_space<hbm>> -> memref<80xi32, #tpu.memory_space<hbm>>
        tpu.wait_dma2 semaphore(%run_scoped3A : memref<!tpu.dma_semaphore, #tpu.memory_space<semaphore_mem>>) src(%dma_wait3A_70 : memref<80xi32, #tpu.memory_space<hbm>>) dst(%arg9 : memref<80xi32, #tpu.memory_space<vmem>>)
        tpu.yield
      }) : () -> ()
      %get3A = arith.constant 0 : index
      %get3A_20 = tpu.vector_load %arg8[%get3A] {strides = array<i32>} : memref<80xi32, #tpu.memory_space<vmem>>, vector<16xi32>,
      %get3A_21 = vector.shape_cast %get3A_20 : vector<16xi32> to vector<16xi32>
      %add3A_22 = vector.broadcast %mul3A_4 : i32 to vector<16xi32>
      %add3A_23 = arith.addi %get3A_21, %add3A_22 : vector<16xi32>
      %swap3A = arith.constant 0 : index
      %swap3A_24 = tpu.vector_load %arg8[%swap3A] {strides = array<i32>} : memref<80xi32, #tpu.memory_space<vmem>>, vector<16xi32>,
      %swap3A_25 = vector.shape_cast %swap3A_24 : vector<16xi32> to vector<16xi32>
      %swap3A_26 = vector.shape_cast %add3A_23 : vector<16xi32> to vector<16xi32>
      tpu.vector_store %arg8[%swap3A], %swap3A_26 {strides = array<i32>} : memref<80xi32, #tpu.memory_space<vmem>>, vector<16xi32>,
      %get3A_27 = arith.constant 16 : index
      %get3A_28 = tpu.vector_load %arg8[%get3A_27] {strides = array<i32>} : memref<80xi32, #tpu.memory_space<vmem>>, vector<16xi32>,
      %get3A_29 = vector.shape_cast %get3A_28 : vector<16xi32> to vector<16xi32>
      %add3A_30 = vector.broadcast %mul3A_4 : i32 to vector<16xi32>
      %add3A_31 = arith.addi %get3A_29, %add3A_30 : vector<16xi32>
      %swap3A_32 = arith.constant 16 : index
      %swap3A_33 = tpu.vector_load %arg8[%swap3A_32] {strides = array<i32>} : memref<80xi32, #tpu.memory_space<vmem>>, vector<16xi32>,
      %swap3A_34 = vector.shape_cast %swap3A_33 : vector<16xi32> to vector<16xi32>
      %swap3A_35 = vector.shape_cast %add3A_31 : vector<16xi32> to vector<16xi32>
      tpu.vector_store %arg8[%swap3A_32], %swap3A_35 {strides = array<i32>} : memref<80xi32, #tpu.memory_space<vmem>>, vector<16xi32>,
      %get3A_36 = arith.constant 32 : index
      %get3A_37 = tpu.vector_load %arg8[%get3A_36] {strides = array<i32>} : memref<80xi32, #tpu.memory_space<vmem>>, vector<16xi32>,
      %get3A_38 = vector.shape_cast %get3A_37 : vector<16xi32> to vector<16xi32>
      %add3A_39 = vector.broadcast %mul3A_4 : i32 to vector<16xi32>
      %add3A_40 = arith.addi %get3A_38, %add3A_39 : vector<16xi32>
      %swap3A_41 = arith.constant 32 : index
      %swap3A_42 = tpu.vector_load %arg8[%swap3A_41] {strides = array<i32>} : memref<80xi32, #tpu.memory_space<vmem>>, vector<16xi32>,
      %swap3A_43 = vector.shape_cast %swap3A_42 : vector<16xi32> to vector<16xi32>
      %swap3A_44 = vector.shape_cast %add3A_40 : vector<16xi32> to vector<16xi32>
      tpu.vector_store %arg8[%swap3A_41], %swap3A_44 {strides = array<i32>} : memref<80xi32, #tpu.memory_space<vmem>>, vector<16xi32>,
      %get3A_45 = arith.constant 48 : index
      %get3A_46 = tpu.vector_load %arg8[%get3A_45] {strides = array<i32>} : memref<80xi32, #tpu.memory_space<vmem>>, vector<16xi32>,
      %get3A_47 = vector.shape_cast %get3A_46 : vector<16xi32> to vector<16xi32>
      %add3A_48 = vector.broadcast %mul3A_4 : i32 to vector<16xi32>
      %add3A_49 = arith.addi %get3A_47, %add3A_48 : vector<16xi32>
      %swap3A_50 = arith.constant 48 : index
      %swap3A_51 = tpu.vector_load %arg8[%swap3A_50] {strides = array<i32>} : memref<80xi32, #tpu.memory_space<vmem>>, vector<16xi32>,
      %swap3A_52 = vector.shape_cast %swap3A_51 : vector<16xi32> to vector<16xi32>
      %swap3A_53 = vector.shape_cast %add3A_49 : vector<16xi32> to vector<16xi32>
      tpu.vector_store %arg8[%swap3A_50], %swap3A_53 {strides = array<i32>} : memref<80xi32, #tpu.memory_space<vmem>>, vector<16xi32>,
      %get3A_54 = arith.constant 64 : index
      %get3A_55 = tpu.vector_load %arg8[%get3A_54] {strides = array<i32>} : memref<80xi32, #tpu.memory_space<vmem>>, vector<16xi32>,
      %get3A_56 = vector.shape_cast %get3A_55 : vector<16xi32> to vector<16xi32>
      %add3A_57 = vector.broadcast %mul3A_4 : i32 to vector<16xi32>
      %add3A_58 = arith.addi %get3A_56, %add3A_57 : vector<16xi32>
      %swap3A_59 = arith.constant 64 : index
      %swap3A_60 = tpu.vector_load %arg8[%swap3A_59] {strides = array<i32>} : memref<80xi32, #tpu.memory_space<vmem>>, vector<16xi32>,
      %swap3A_61 = vector.shape_cast %swap3A_60 : vector<16xi32> to vector<16xi32>
      %swap3A_62 = vector.shape_cast %add3A_58 : vector<16xi32> to vector<16xi32>
      tpu.vector_store %arg8[%swap3A_59], %swap3A_62 {strides = array<i32>} : memref<80xi32, #tpu.memory_space<vmem>>, vector<16xi32>,
      %dma_start3A = arith.constant 0 : i32
      %dma_start3A_63 = arith.constant 0 : i32
      %dma_start3A_64 = tpu.memref_slice %arg2[%dma_start3A, %dma_start3A_63] : memref<200000x8xf32, #tpu.memory_space<hbm>> -> memref<200000x8xf32, #tpu.memory_space<hbm>>
      tpu.enqueue_indirect_dma source(%dma_start3A_64 : memref<200000x8xf32, #tpu.memory_space<hbm>>) target(%arg10 : memref<80x8xf32, #tpu.memory_space<vmem>>) offsets(%arg8 : memref<80xi32, #tpu.memory_space<vmem>>) semaphore(%arg12 : memref<!tpu.dma_semaphore, #tpu.memory_space<semaphore_mem>>)
      %dma_wait3A = arith.constant 0 : i32
      %dma_wait3A_65 = arith.constant 0 : i32
      %dma_wait3A_66 = tpu.memref_slice %arg2[%dma_wait3A, %dma_wait3A_65] : memref<200000x8xf32, #tpu.memory_space<hbm>> -> memref<200000x8xf32, #tpu.memory_space<hbm>>
      tpu.wait_indirect_dma semaphore(%arg12 : memref<!tpu.dma_semaphore, #tpu.memory_space<semaphore_mem>>) src(%dma_wait3A_66 : memref<200000x8xf32, #tpu.memory_space<hbm>>) dst(%arg10 : memref<80x8xf32, #tpu.memory_space<vmem>>)
      "tpu.region"() ({
        %run_scoped3A = tpu.sem_alloc : memref<!tpu.dma_semaphore, #tpu.memory_space<semaphore_mem>>
        %dma_start3A_67 = arith.constant 0 : i32
        %dma_start3A_68 = arith.constant 0 : i32
        %dma_start3A_69 = tpu.memref_slice %arg7[%dma_start3A_67, %dma_start3A_68] : memref<100096x8xf32, #tpu.memory_space<vmem_shared>> -> memref<100096x8xf32, #tpu.memory_space<vmem_shared>>
        tpu.enqueue_indirect_dma source(%arg10 : memref<80x8xf32, #tpu.memory_space<vmem>>) target(%dma_start3A_69 : memref<100096x8xf32, #tpu.memory_space<vmem_shared>>) offsets(%arg9 : memref<80xi32, #tpu.memory_space<vmem>>) semaphore(%run_scoped3A : memref<!tpu.dma_semaphore, #tpu.memory_space<semaphore_mem>>) {add = true}
        %dma_wait3A_70 = arith.constant 0 : i32
        %dma_wait3A_71 = arith.constant 0 : i32
        %dma_wait3A_72 = tpu.memref_slice %arg7[%dma_wait3A_70, %dma_wait3A_71] : memref<100096x8xf32, #tpu.memory_space<vmem_shared>> -> memref<100096x8xf32, #tpu.memory_space<vmem_shared>>
        tpu.wait_indirect_dma semaphore(%run_scoped3A : memref<!tpu.dma_semaphore, #tpu.memory_space<semaphore_mem>>) src(%arg10 : memref<80x8xf32, #tpu.memory_space<vmem>>) dst(%dma_wait3A_72 : memref<100096x8xf32, #tpu.memory_space<vmem_shared>>)
        tpu.yield
      }) : () -> ()
    }
    %scan3A_9 = arith.constant 1250 : i32
    %barrier3A_10 = arith.constant 0 : index
    tpu.barrier barrier_id(%barrier3A_10)
    %mul3A_11 = arith.constant 6256 : i32
    %mul3A_12 = arith.muli %arg1, %mul3A_11 : i32
    %mul3A_13 = arith.constant 6256 : i32
    %mul3A_14 = arith.muli %arg1, %mul3A_13 : i32
    "tpu.region"() ({
      %run_scoped3A = tpu.sem_alloc : memref<!tpu.dma_semaphore, #tpu.memory_space<semaphore_mem>>
      %dma_start3A = arith.constant 0 : i32
      %dma_start3A_15 = tpu.memref_slice %arg6[%arg0, %mul3A_14, %dma_start3A] : memref<2x100096x8xf32, #tpu.memory_space<hbm>> -> memref<1x6256x8xf32, #tpu.memory_space<hbm>>
      %dma_start3A_16 = tpu.memref_squeeze %dma_start3A_15 : memref<1x6256x8xf32, #tpu.memory_space<hbm>> -> memref<6256x8xf32, #tpu.memory_space<hbm>>
      %dma_start3A_17 = arith.constant 0 : i32
      %dma_start3A_18 = tpu.memref_slice %arg7[%mul3A_12, %dma_start3A_17] : memref<100096x8xf32, #tpu.memory_space<vmem_shared>> -> memref<6256x8xf32, #tpu.memory_space<vmem_shared>>
      tpu.enqueue_dma source(%dma_start3A_18 : memref<6256x8xf32, #tpu.memory_space<vmem_shared>>) target(%dma_start3A_16 : memref<6256x8xf32, #tpu.memory_space<hbm>>) target_semaphore(%run_scoped3A : memref<!tpu.dma_semaphore, #tpu.memory_space<semaphore_mem>>)
      %dma_wait3A = arith.constant 0 : i32
      %dma_wait3A_19 = tpu.memref_slice %arg6[%arg0, %mul3A_14, %dma_wait3A] : memref<2x100096x8xf32, #tpu.memory_space<hbm>> -> memref<1x6256x8xf32, #tpu.memory_space<hbm>>
      %dma_wait3A_20 = tpu.memref_squeeze %dma_wait3A_19 : memref<1x6256x8xf32, #tpu.memory_space<hbm>> -> memref<6256x8xf32, #tpu.memory_space<hbm>>
      %dma_wait3A_21 = arith.constant 0 : i32
      %dma_wait3A_22 = tpu.memref_slice %arg7[%mul3A_12, %dma_wait3A_21] : memref<100096x8xf32, #tpu.memory_space<vmem_shared>> -> memref<6256x8xf32, #tpu.memory_space<vmem_shared>>
      tpu.wait_dma2 semaphore(%run_scoped3A : memref<!tpu.dma_semaphore, #tpu.memory_space<semaphore_mem>>) src(%dma_wait3A_22 : memref<6256x8xf32, #tpu.memory_space<vmem_shared>>) dst(%dma_wait3A_20 : memref<6256x8xf32, #tpu.memory_space<hbm>>)
      tpu.yield
    }) : () -> ()
    return
  }
}

#map = affine_map<(d0, d1) -> (0, 0)>
#map1 = affine_map<(d0, d1) -> (0)>
#map2 = affine_map<(d0, d1) -> (0, 0, 0)>
module attributes {stable_mosaic.version = 14 : i64} {
  func.func @k(%arg0: i32, %arg1: i32, %arg2: memref<200000x8xf32, #tpu.memory_space<hbm>>, %arg3: memref<1600000xi32, #tpu.memory_space<hbm>>, %arg4: memref<1600000xi32, #tpu.memory_space<hbm>>, %arg5: memref<100096x8xf32, #tpu.memory_space<hbm>>, %arg6: memref<2x100096x8xf32, #tpu.memory_space<hbm>>, %arg7: memref<100096x8xf32, #tpu.memory_space<vmem_shared>>, %arg8: memref<80xi32, #tpu.memory_space<vmem>>, %arg9: memref<80xi32, #tpu.memory_space<vmem>>, %arg10: memref<80x8xf32, #tpu.memory_space<vmem>>, %arg11: memref<6256x8xf32, #tpu.memory_space<vmem>>, %arg12: memref<!tpu.dma_semaphore, #tpu.memory_space<semaphore_mem>>) attributes {dimension_semantics = [#tpu.dimension_semantics<core_parallel>, #tpu.dimension_semantics<subcore_parallel>], iteration_bounds = array<i64: 2, 16>, scalar_prefetch = 0 : i64, scratch_operands = 6 : i64, tpu.core_type = #tpu.core_type<sc_vector_subcore>, window_params = [{transform_indices = #map}, {transform_indices = #map1}, {transform_indices = #map1}, {transform_indices = #map}, {transform_indices = #map2}]} {
    %mul3A = arith.constant 6256 : i32
    %mul3A_0 = arith.muli %arg1, %mul3A : i32
    "tpu.region"() ({
      %run_scoped3A = tpu.sem_alloc : memref<!tpu.dma_semaphore, #tpu.memory_space<semaphore_mem>>
      %dma_start3A = arith.constant 0 : i32
      %dma_start3A_15 = tpu.memref_slice %arg5[%mul3A_0, %dma_start3A] : memref<100096x8xf32, #tpu.memory_space<hbm>> -> memref<6256x8xf32, #tpu.memory_space<hbm>>
      %dma_start3A_16 = arith.constant 0 : i32
      %dma_start3A_17 = tpu.memref_slice %arg5[%mul3A_0, %dma_start3A_16] : memref<100096x8xf32, #tpu.memory_space<hbm>> -> memref<6256x8xf32, #tpu.memory_space<hbm>>
      tpu.enqueue_dma source(%dma_start3A_17 : memref<6256x8xf32, #tpu.memory_space<hbm>>) target(%arg11 : memref<6256x8xf32, #tpu.memory_space<vmem>>) target_semaphore(%run_scoped3A : memref<!tpu.dma_semaphore, #tpu.memory_space<semaphore_mem>>)
      %dma_wait3A = arith.constant 0 : i32
      %dma_wait3A_18 = tpu.memref_slice %arg5[%mul3A_0, %dma_wait3A] : memref<100096x8xf32, #tpu.memory_space<hbm>> -> memref<6256x8xf32, #tpu.memory_space<hbm>>
      %dma_wait3A_19 = arith.constant 0 : i32
      %dma_wait3A_20 = tpu.memref_slice %arg5[%mul3A_0, %dma_wait3A_19] : memref<100096x8xf32, #tpu.memory_space<hbm>> -> memref<6256x8xf32, #tpu.memory_space<hbm>>
      tpu.wait_dma2 semaphore(%run_scoped3A : memref<!tpu.dma_semaphore, #tpu.memory_space<semaphore_mem>>) src(%dma_wait3A_20 : memref<6256x8xf32, #tpu.memory_space<hbm>>) dst(%arg11 : memref<6256x8xf32, #tpu.memory_space<vmem>>)
      tpu.yield
    }) : () -> ()
    %mul3A_1 = arith.constant 6256 : i32
    %mul3A_2 = arith.muli %arg1, %mul3A_1 : i32
    "tpu.region"() ({
      %run_scoped3A = tpu.sem_alloc : memref<!tpu.dma_semaphore, #tpu.memory_space<semaphore_mem>>
      %dma_start3A = arith.constant 0 : i32
      %dma_start3A_15 = tpu.memref_slice %arg7[%mul3A_2, %dma_start3A] : memref<100096x8xf32, #tpu.memory_space<vmem_shared>> -> memref<6256x8xf32, #tpu.memory_space<vmem_shared>>
      %dma_start3A_16 = arith.constant 0 : i32
      %dma_start3A_17 = tpu.memref_slice %arg7[%mul3A_2, %dma_start3A_16] : memref<100096x8xf32, #tpu.memory_space<vmem_shared>> -> memref<6256x8xf32, #tpu.memory_space<vmem_shared>>
      tpu.enqueue_dma source(%arg11 : memref<6256x8xf32, #tpu.memory_space<vmem>>) target(%dma_start3A_17 : memref<6256x8xf32, #tpu.memory_space<vmem_shared>>) target_semaphore(%run_scoped3A : memref<!tpu.dma_semaphore, #tpu.memory_space<semaphore_mem>>)
      %dma_wait3A = arith.constant 0 : i32
      %dma_wait3A_18 = tpu.memref_slice %arg7[%mul3A_2, %dma_wait3A] : memref<100096x8xf32, #tpu.memory_space<vmem_shared>> -> memref<6256x8xf32, #tpu.memory_space<vmem_shared>>
      %dma_wait3A_19 = arith.constant 0 : i32
      %dma_wait3A_20 = tpu.memref_slice %arg7[%mul3A_2, %dma_wait3A_19] : memref<100096x8xf32, #tpu.memory_space<vmem_shared>> -> memref<6256x8xf32, #tpu.memory_space<vmem_shared>>
      tpu.wait_dma2 semaphore(%run_scoped3A : memref<!tpu.dma_semaphore, #tpu.memory_space<semaphore_mem>>) src(%arg11 : memref<6256x8xf32, #tpu.memory_space<vmem>>) dst(%dma_wait3A_20 : memref<6256x8xf32, #tpu.memory_space<vmem_shared>>)
      tpu.yield
    }) : () -> ()
    %barrier3A = arith.constant 0 : index
    tpu.barrier barrier_id(%barrier3A)
    %mul3A_3 = arith.constant 100000 : i32
    %mul3A_4 = arith.muli %arg0, %mul3A_3 : i32
    %scan3A = arith.constant 0 : i32
    %scan3A_5 = arith.constant 0 : i32
    %scan3A_6 = arith.constant 1250 : i32
    %scan3A_7 = arith.addi %scan3A_5, %scan3A_6 : i32
    %scan3A_8 = arith.constant 1 : i32
    scf.for %scan3A_15 = %scan3A_5 to %scan3A_7 step %scan3A_8  : i32 {
      %mul3A_16 = arith.constant 100000 : i32
      %mul3A_17 = arith.muli %arg1, %mul3A_16 : i32
      %mul3A_18 = arith.constant 80 : i32
      %mul3A_19 = arith.muli %scan3A_15, %mul3A_18 : i32
      %add3A = arith.addi %mul3A_17, %mul3A_19 : i32
      "tpu.region"() ({
        %run_scoped3A = tpu.sem_alloc : memref<!tpu.dma_semaphore, #tpu.memory_space<semaphore_mem>>
        %dma_start3A_67 = tpu.memref_slice %arg3[%add3A] : memref<1600000xi32, #tpu.memory_space<hbm>> -> memref<80xi32, #tpu.memory_space<hbm>>
        %dma_start3A_68 = tpu.memref_slice %arg3[%add3A] : memref<1600000xi32, #tpu.memory_space<hbm>> -> memref<80xi32, #tpu.memory_space<hbm>>
        tpu.enqueue_dma source(%dma_start3A_68 : memref<80xi32, #tpu.memory_space<hbm>>) target(%arg8 : memref<80xi32, #tpu.memory_space<vmem>>) target_semaphore(%run_scoped3A : memref<!tpu.dma_semaphore, #tpu.memory_space<semaphore_mem>>)
        %dma_wait3A_69 = tpu.memref_slice %arg3[%add3A] : memref<1600000xi32, #tpu.memory_space<hbm>> -> memref<80xi32, #tpu.memory_space<hbm>>
        %dma_wait3A_70 = tpu.memref_slice %arg3[%add3A] : memref<1600000xi32, #tpu.memory_space<hbm>> -> memref<80xi32, #tpu.memory_space<hbm>>
        tpu.wait_dma2 semaphore(%run_scoped3A : memref<!tpu.dma_semaphore, #tpu.memory_space<semaphore_mem>>) src(%dma_wait3A_70 : memref<80xi32, #tpu.memory_space<hbm>>) dst(%arg8 : memref<80xi32, #tpu.memory_space<vmem>>)
        tpu.yield
      }) : () -> ()
      "tpu.region"() ({
        %run_scoped3A = tpu.sem_alloc : memref<!tpu.dma_semaphore, #tpu.memory_space<semaphore_mem>>
        %dma_start3A_67 = tpu.memref_slice %arg4[%add3A] : memref<1600000xi32, #tpu.memory_space<hbm>> -> memref<80xi32, #tpu.memory_space<hbm>>
        %dma_start3A_68 = tpu.memref_slice %arg4[%add3A] : memref<1600000xi32, #tpu.memory_space<hbm>> -> memref<80xi32, #tpu.memory_space<hbm>>
        tpu.enqueue_dma source(%dma_start3A_68 : memref<80xi32, #tpu.memory_space<hbm>>) target(%arg9 : memref<80xi32, #tpu.memory_space<vmem>>) target_semaphore(%run_scoped3A : memref<!tpu.dma_semaphore, #tpu.memory_space<semaphore_mem>>)
        %dma_wait3A_69 = tpu.memref_slice %arg4[%add3A] : memref<1600000xi32, #tpu.memory_space<hbm>> -> memref<80xi32, #tpu.memory_space<hbm>>
        %dma_wait3A_70 = tpu.memref_slice %arg4[%add3A] : memref<1600000xi32, #tpu.memory_space<hbm>> -> memref<80xi32, #tpu.memory_space<hbm>>
        tpu.wait_dma2 semaphore(%run_scoped3A : memref<!tpu.dma_semaphore, #tpu.memory_space<semaphore_mem>>) src(%dma_wait3A_70 : memref<80xi32, #tpu.memory_space<hbm>>) dst(%arg9 : memref<80xi32, #tpu.memory_space<vmem>>)
        tpu.yield
      }) : () -> ()
      %get3A = arith.constant 0 : index
      %get3A_20 = tpu.vector_load %arg8[%get3A] {strides = array<i32>} : memref<80xi32, #tpu.memory_space<vmem>>, vector<16xi32>,
      %get3A_21 = vector.shape_cast %get3A_20 : vector<16xi32> to vector<16xi32>
      %add3A_22 = vector.broadcast %mul3A_4 : i32 to vector<16xi32>
      %add3A_23 = arith.addi %get3A_21, %add3A_22 : vector<16xi32>
      %swap3A = arith.constant 0 : index
      %swap3A_24 = tpu.vector_load %arg8[%swap3A] {strides = array<i32>} : memref<80xi32, #tpu.memory_space<vmem>>, vector<16xi32>,
      %swap3A_25 = vector.shape_cast %swap3A_24 : vector<16xi32> to vector<16xi32>
      %swap3A_26 = vector.shape_cast %add3A_23 : vector<16xi32> to vector<16xi32>
      tpu.vector_store %arg8[%swap3A], %swap3A_26 {strides = array<i32>} : memref<80xi32, #tpu.memory_space<vmem>>, vector<16xi32>,
      %get3A_27 = arith.constant 16 : index
      %get3A_28 = tpu.vector_load %arg8[%get3A_27] {strides = array<i32>} : memref<80xi32, #tpu.memory_space<vmem>>, vector<16xi32>,
      %get3A_29 = vector.shape_cast %get3A_28 : vector<16xi32> to vector<16xi32>
      %add3A_30 = vector.broadcast %mul3A_4 : i32 to vector<16xi32>
      %add3A_31 = arith.addi %get3A_29, %add3A_30 : vector<16xi32>
      %swap3A_32 = arith.constant 16 : index
      %swap3A_33 = tpu.vector_load %arg8[%swap3A_32] {strides = array<i32>} : memref<80xi32, #tpu.memory_space<vmem>>, vector<16xi32>,
      %swap3A_34 = vector.shape_cast %swap3A_33 : vector<16xi32> to vector<16xi32>
      %swap3A_35 = vector.shape_cast %add3A_31 : vector<16xi32> to vector<16xi32>
      tpu.vector_store %arg8[%swap3A_32], %swap3A_35 {strides = array<i32>} : memref<80xi32, #tpu.memory_space<vmem>>, vector<16xi32>,
      %get3A_36 = arith.constant 32 : index
      %get3A_37 = tpu.vector_load %arg8[%get3A_36] {strides = array<i32>} : memref<80xi32, #tpu.memory_space<vmem>>, vector<16xi32>,
      %get3A_38 = vector.shape_cast %get3A_37 : vector<16xi32> to vector<16xi32>
      %add3A_39 = vector.broadcast %mul3A_4 : i32 to vector<16xi32>
      %add3A_40 = arith.addi %get3A_38, %add3A_39 : vector<16xi32>
      %swap3A_41 = arith.constant 32 : index
      %swap3A_42 = tpu.vector_load %arg8[%swap3A_41] {strides = array<i32>} : memref<80xi32, #tpu.memory_space<vmem>>, vector<16xi32>,
      %swap3A_43 = vector.shape_cast %swap3A_42 : vector<16xi32> to vector<16xi32>
      %swap3A_44 = vector.shape_cast %add3A_40 : vector<16xi32> to vector<16xi32>
      tpu.vector_store %arg8[%swap3A_41], %swap3A_44 {strides = array<i32>} : memref<80xi32, #tpu.memory_space<vmem>>, vector<16xi32>,
      %get3A_45 = arith.constant 48 : index
      %get3A_46 = tpu.vector_load %arg8[%get3A_45] {strides = array<i32>} : memref<80xi32, #tpu.memory_space<vmem>>, vector<16xi32>,
      %get3A_47 = vector.shape_cast %get3A_46 : vector<16xi32> to vector<16xi32>
      %add3A_48 = vector.broadcast %mul3A_4 : i32 to vector<16xi32>
      %add3A_49 = arith.addi %get3A_47, %add3A_48 : vector<16xi32>
      %swap3A_50 = arith.constant 48 : index
      %swap3A_51 = tpu.vector_load %arg8[%swap3A_50] {strides = array<i32>} : memref<80xi32, #tpu.memory_space<vmem>>, vector<16xi32>,
      %swap3A_52 = vector.shape_cast %swap3A_51 : vector<16xi32> to vector<16xi32>
      %swap3A_53 = vector.shape_cast %add3A_49 : vector<16xi32> to vector<16xi32>
      tpu.vector_store %arg8[%swap3A_50], %swap3A_53 {strides = array<i32>} : memref<80xi32, #tpu.memory_space<vmem>>, vector<16xi32>,
      %get3A_54 = arith.constant 64 : index
      %get3A_55 = tpu.vector_load %arg8[%get3A_54] {strides = array<i32>} : memref<80xi32, #tpu.memory_space<vmem>>, vector<16xi32>,
      %get3A_56 = vector.shape_cast %get3A_55 : vector<16xi32> to vector<16xi32>
      %add3A_57 = vector.broadcast %mul3A_4 : i32 to vector<16xi32>
      %add3A_58 = arith.addi %get3A_56, %add3A_57 : vector<16xi32>
      %swap3A_59 = arith.constant 64 : index
      %swap3A_60 = tpu.vector_load %arg8[%swap3A_59] {strides = array<i32>} : memref<80xi32, #tpu.memory_space<vmem>>, vector<16xi32>,
      %swap3A_61 = vector.shape_cast %swap3A_60 : vector<16xi32> to vector<16xi32>
      %swap3A_62 = vector.shape_cast %add3A_58 : vector<16xi32> to vector<16xi32>
      tpu.vector_store %arg8[%swap3A_59], %swap3A_62 {strides = array<i32>} : memref<80xi32, #tpu.memory_space<vmem>>, vector<16xi32>,
      %dma_start3A = arith.constant 0 : i32
      %dma_start3A_63 = arith.constant 0 : i32
      %dma_start3A_64 = tpu.memref_slice %arg2[%dma_start3A, %dma_start3A_63] : memref<200000x8xf32, #tpu.memory_space<hbm>> -> memref<200000x8xf32, #tpu.memory_space<hbm>>
      tpu.enqueue_indirect_dma source(%dma_start3A_64 : memref<200000x8xf32, #tpu.memory_space<hbm>>) target(%arg10 : memref<80x8xf32, #tpu.memory_space<vmem>>) offsets(%arg8 : memref<80xi32, #tpu.memory_space<vmem>>) semaphore(%arg12 : memref<!tpu.dma_semaphore, #tpu.memory_space<semaphore_mem>>)
      %dma_wait3A = arith.constant 0 : i32
      %dma_wait3A_65 = arith.constant 0 : i32
      %dma_wait3A_66 = tpu.memref_slice %arg2[%dma_wait3A, %dma_wait3A_65] : memref<200000x8xf32, #tpu.memory_space<hbm>> -> memref<200000x8xf32, #tpu.memory_space<hbm>>
      tpu.wait_indirect_dma semaphore(%arg12 : memref<!tpu.dma_semaphore, #tpu.memory_space<semaphore_mem>>) src(%dma_wait3A_66 : memref<200000x8xf32, #tpu.memory_space<hbm>>) dst(%arg10 : memref<80x8xf32, #tpu.memory_space<vmem>>)
      "tpu.region"() ({
        %run_scoped3A = tpu.sem_alloc : memref<!tpu.dma_semaphore, #tpu.memory_space<semaphore_mem>>
        %dma_start3A_67 = arith.constant 0 : i32
        %dma_start3A_68 = arith.constant 0 : i32
        %dma_start3A_69 = tpu.memref_slice %arg7[%dma_start3A_67, %dma_start3A_68] : memref<100096x8xf32, #tpu.memory_space<vmem_shared>> -> memref<100096x8xf32, #tpu.memory_space<vmem_shared>>
        tpu.enqueue_indirect_dma source(%arg10 : memref<80x8xf32, #tpu.memory_space<vmem>>) target(%dma_start3A_69 : memref<100096x8xf32, #tpu.memory_space<vmem_shared>>) offsets(%arg9 : memref<80xi32, #tpu.memory_space<vmem>>) semaphore(%run_scoped3A : memref<!tpu.dma_semaphore, #tpu.memory_space<semaphore_mem>>) {add = true}
        %dma_wait3A_70 = arith.constant 0 : i32
        %dma_wait3A_71 = arith.constant 0 : i32
        %dma_wait3A_72 = tpu.memref_slice %arg7[%dma_wait3A_70, %dma_wait3A_71] : memref<100096x8xf32, #tpu.memory_space<vmem_shared>> -> memref<100096x8xf32, #tpu.memory_space<vmem_shared>>
        tpu.wait_indirect_dma semaphore(%run_scoped3A : memref<!tpu.dma_semaphore, #tpu.memory_space<semaphore_mem>>) src(%arg10 : memref<80x8xf32, #tpu.memory_space<vmem>>) dst(%dma_wait3A_72 : memref<100096x8xf32, #tpu.memory_space<vmem_shared>>)
        tpu.yield
      }) : () -> ()
    }
    %scan3A_9 = arith.constant 1250 : i32
    %barrier3A_10 = arith.constant 0 : index
    tpu.barrier barrier_id(%barrier3A_10)
    %mul3A_11 = arith.constant 6256 : i32
    %mul3A_12 = arith.muli %arg1, %mul3A_11 : i32
    %mul3A_13 = arith.constant 6256 : i32
    %mul3A_14 = arith.muli %arg1, %mul3A_13 : i32
    "tpu.region"() ({
      %run_scoped3A = tpu.sem_alloc : memref<!tpu.dma_semaphore, #tpu.memory_space<semaphore_mem>>
      %dma_start3A = arith.constant 0 : i32
      %dma_start3A_15 = tpu.memref_slice %arg6[%arg0, %mul3A_14, %dma_start3A] : memref<2x100096x8xf32, #tpu.memory_space<hbm>> -> memref<1x6256x8xf32, #tpu.memory_space<hbm>>
      %dma_start3A_16 = tpu.memref_squeeze %dma_start3A_15 : memref<1x6256x8xf32, #tpu.memory_space<hbm>> -> memref<6256x8xf32, #tpu.memory_space<hbm>>
      %dma_start3A_17 = arith.constant 0 : i32
      %dma_start3A_18 = tpu.memref_slice %arg7[%mul3A_12, %dma_start3A_17] : memref<100096x8xf32, #tpu.memory_space<vmem_shared>> -> memref<6256x8xf32, #tpu.memory_space<vmem_shared>>
      tpu.enqueue_dma source(%dma_start3A_18 : memref<6256x8xf32, #tpu.memory_space<vmem_shared>>) target(%dma_start3A_16 : memref<6256x8xf32, #tpu.memory_space<hbm>>) target_semaphore(%run_scoped3A : memref<!tpu.dma_semaphore, #tpu.memory_space<semaphore_mem>>)
      %dma_wait3A = arith.constant 0 : i32
      %dma_wait3A_19 = tpu.memref_slice %arg6[%arg0, %mul3A_14, %dma_wait3A] : memref<2x100096x8xf32, #tpu.memory_space<hbm>> -> memref<1x6256x8xf32, #tpu.memory_space<hbm>>
      %dma_wait3A_20 = tpu.memref_squeeze %dma_wait3A_19 : memref<1x6256x8xf32, #tpu.memory_space<hbm>> -> memref<6256x8xf32, #tpu.memory_space<hbm>>
      %dma_wait3A_21 = arith.constant 0 : i32
      %dma_wait3A_22 = tpu.memref_slice %arg7[%mul3A_12, %dma_wait3A_21] : memref<100096x8xf32, #tpu.memory_space<vmem_shared>> -> memref<6256x8xf32, #tpu.memory_space<vmem_shared>>
      tpu.wait_dma2 semaphore(%run_scoped3A : memref<!tpu.dma_semaphore, #tpu.memory_space<semaphore_mem>>) src(%dma_wait3A_22 : memref<6256x8xf32, #tpu.memory_space<vmem_shared>>) dst(%dma_wait3A_20 : memref<6256x8xf32, #tpu.memory_space<hbm>>)
      tpu.yield
    }) : () -> ()
    return
  }
}

#map = affine_map<(d0, d1) -> (0, 0)>
#map1 = affine_map<(d0, d1) -> (0)>
#map2 = affine_map<(d0, d1) -> (0, 0, 0)>
module attributes {stable_mosaic.version = 14 : i64} {
  func.func @k(%arg0: i32, %arg1: i32, %arg2: memref<200000x8xf32, #tpu.memory_space<hbm>>, %arg3: memref<1600000xi32, #tpu.memory_space<hbm>>, %arg4: memref<1600000xi32, #tpu.memory_space<hbm>>, %arg5: memref<100096x8xf32, #tpu.memory_space<hbm>>, %arg6: memref<2x100096x8xf32, #tpu.memory_space<hbm>>, %arg7: memref<100096x8xf32, #tpu.memory_space<vmem_shared>>, %arg8: memref<80xi32, #tpu.memory_space<vmem>>, %arg9: memref<80xi32, #tpu.memory_space<vmem>>, %arg10: memref<80x8xf32, #tpu.memory_space<vmem>>, %arg11: memref<6256x8xf32, #tpu.memory_space<vmem>>, %arg12: memref<!tpu.dma_semaphore, #tpu.memory_space<semaphore_mem>>) attributes {dimension_semantics = [#tpu.dimension_semantics<core_parallel>, #tpu.dimension_semantics<subcore_parallel>], iteration_bounds = array<i64: 2, 16>, scalar_prefetch = 0 : i64, scratch_operands = 6 : i64, tpu.core_type = #tpu.core_type<sc_vector_subcore>, window_params = [{transform_indices = #map}, {transform_indices = #map1}, {transform_indices = #map1}, {transform_indices = #map}, {transform_indices = #map2}]} {
    %mul3A = arith.constant 6256 : i32
    %mul3A_0 = arith.muli %arg1, %mul3A : i32
    "tpu.region"() ({
      %run_scoped3A = tpu.sem_alloc : memref<!tpu.dma_semaphore, #tpu.memory_space<semaphore_mem>>
      %dma_start3A = arith.constant 0 : i32
      %dma_start3A_15 = tpu.memref_slice %arg5[%mul3A_0, %dma_start3A] : memref<100096x8xf32, #tpu.memory_space<hbm>> -> memref<6256x8xf32, #tpu.memory_space<hbm>>
      %dma_start3A_16 = arith.constant 0 : i32
      %dma_start3A_17 = tpu.memref_slice %arg5[%mul3A_0, %dma_start3A_16] : memref<100096x8xf32, #tpu.memory_space<hbm>> -> memref<6256x8xf32, #tpu.memory_space<hbm>>
      tpu.enqueue_dma source(%dma_start3A_17 : memref<6256x8xf32, #tpu.memory_space<hbm>>) target(%arg11 : memref<6256x8xf32, #tpu.memory_space<vmem>>) target_semaphore(%run_scoped3A : memref<!tpu.dma_semaphore, #tpu.memory_space<semaphore_mem>>)
      %dma_wait3A = arith.constant 0 : i32
      %dma_wait3A_18 = tpu.memref_slice %arg5[%mul3A_0, %dma_wait3A] : memref<100096x8xf32, #tpu.memory_space<hbm>> -> memref<6256x8xf32, #tpu.memory_space<hbm>>
      %dma_wait3A_19 = arith.constant 0 : i32
      %dma_wait3A_20 = tpu.memref_slice %arg5[%mul3A_0, %dma_wait3A_19] : memref<100096x8xf32, #tpu.memory_space<hbm>> -> memref<6256x8xf32, #tpu.memory_space<hbm>>
      tpu.wait_dma2 semaphore(%run_scoped3A : memref<!tpu.dma_semaphore, #tpu.memory_space<semaphore_mem>>) src(%dma_wait3A_20 : memref<6256x8xf32, #tpu.memory_space<hbm>>) dst(%arg11 : memref<6256x8xf32, #tpu.memory_space<vmem>>)
      tpu.yield
    }) : () -> ()
    %mul3A_1 = arith.constant 6256 : i32
    %mul3A_2 = arith.muli %arg1, %mul3A_1 : i32
    "tpu.region"() ({
      %run_scoped3A = tpu.sem_alloc : memref<!tpu.dma_semaphore, #tpu.memory_space<semaphore_mem>>
      %dma_start3A = arith.constant 0 : i32
      %dma_start3A_15 = tpu.memref_slice %arg7[%mul3A_2, %dma_start3A] : memref<100096x8xf32, #tpu.memory_space<vmem_shared>> -> memref<6256x8xf32, #tpu.memory_space<vmem_shared>>
      %dma_start3A_16 = arith.constant 0 : i32
      %dma_start3A_17 = tpu.memref_slice %arg7[%mul3A_2, %dma_start3A_16] : memref<100096x8xf32, #tpu.memory_space<vmem_shared>> -> memref<6256x8xf32, #tpu.memory_space<vmem_shared>>
      tpu.enqueue_dma source(%arg11 : memref<6256x8xf32, #tpu.memory_space<vmem>>) target(%dma_start3A_17 : memref<6256x8xf32, #tpu.memory_space<vmem_shared>>) target_semaphore(%run_scoped3A : memref<!tpu.dma_semaphore, #tpu.memory_space<semaphore_mem>>)
      %dma_wait3A = arith.constant 0 : i32
      %dma_wait3A_18 = tpu.memref_slice %arg7[%mul3A_2, %dma_wait3A] : memref<100096x8xf32, #tpu.memory_space<vmem_shared>> -> memref<6256x8xf32, #tpu.memory_space<vmem_shared>>
      %dma_wait3A_19 = arith.constant 0 : i32
      %dma_wait3A_20 = tpu.memref_slice %arg7[%mul3A_2, %dma_wait3A_19] : memref<100096x8xf32, #tpu.memory_space<vmem_shared>> -> memref<6256x8xf32, #tpu.memory_space<vmem_shared>>
      tpu.wait_dma2 semaphore(%run_scoped3A : memref<!tpu.dma_semaphore, #tpu.memory_space<semaphore_mem>>) src(%arg11 : memref<6256x8xf32, #tpu.memory_space<vmem>>) dst(%dma_wait3A_20 : memref<6256x8xf32, #tpu.memory_space<vmem_shared>>)
      tpu.yield
    }) : () -> ()
    %barrier3A = arith.constant 0 : index
    tpu.barrier barrier_id(%barrier3A)
    %mul3A_3 = arith.constant 100000 : i32
    %mul3A_4 = arith.muli %arg0, %mul3A_3 : i32
    %scan3A = arith.constant 0 : i32
    %scan3A_5 = arith.constant 0 : i32
    %scan3A_6 = arith.constant 1250 : i32
    %scan3A_7 = arith.addi %scan3A_5, %scan3A_6 : i32
    %scan3A_8 = arith.constant 1 : i32
    scf.for %scan3A_15 = %scan3A_5 to %scan3A_7 step %scan3A_8  : i32 {
      %mul3A_16 = arith.constant 100000 : i32
      %mul3A_17 = arith.muli %arg1, %mul3A_16 : i32
      %mul3A_18 = arith.constant 80 : i32
      %mul3A_19 = arith.muli %scan3A_15, %mul3A_18 : i32
      %add3A = arith.addi %mul3A_17, %mul3A_19 : i32
      "tpu.region"() ({
        %run_scoped3A = tpu.sem_alloc : memref<!tpu.dma_semaphore, #tpu.memory_space<semaphore_mem>>
        %dma_start3A_67 = tpu.memref_slice %arg3[%add3A] : memref<1600000xi32, #tpu.memory_space<hbm>> -> memref<80xi32, #tpu.memory_space<hbm>>
        %dma_start3A_68 = tpu.memref_slice %arg3[%add3A] : memref<1600000xi32, #tpu.memory_space<hbm>> -> memref<80xi32, #tpu.memory_space<hbm>>
        tpu.enqueue_dma source(%dma_start3A_68 : memref<80xi32, #tpu.memory_space<hbm>>) target(%arg8 : memref<80xi32, #tpu.memory_space<vmem>>) target_semaphore(%run_scoped3A : memref<!tpu.dma_semaphore, #tpu.memory_space<semaphore_mem>>)
        %dma_wait3A_69 = tpu.memref_slice %arg3[%add3A] : memref<1600000xi32, #tpu.memory_space<hbm>> -> memref<80xi32, #tpu.memory_space<hbm>>
        %dma_wait3A_70 = tpu.memref_slice %arg3[%add3A] : memref<1600000xi32, #tpu.memory_space<hbm>> -> memref<80xi32, #tpu.memory_space<hbm>>
        tpu.wait_dma2 semaphore(%run_scoped3A : memref<!tpu.dma_semaphore, #tpu.memory_space<semaphore_mem>>) src(%dma_wait3A_70 : memref<80xi32, #tpu.memory_space<hbm>>) dst(%arg8 : memref<80xi32, #tpu.memory_space<vmem>>)
        tpu.yield
      }) : () -> ()
      "tpu.region"() ({
        %run_scoped3A = tpu.sem_alloc : memref<!tpu.dma_semaphore, #tpu.memory_space<semaphore_mem>>
        %dma_start3A_67 = tpu.memref_slice %arg4[%add3A] : memref<1600000xi32, #tpu.memory_space<hbm>> -> memref<80xi32, #tpu.memory_space<hbm>>
        %dma_start3A_68 = tpu.memref_slice %arg4[%add3A] : memref<1600000xi32, #tpu.memory_space<hbm>> -> memref<80xi32, #tpu.memory_space<hbm>>
        tpu.enqueue_dma source(%dma_start3A_68 : memref<80xi32, #tpu.memory_space<hbm>>) target(%arg9 : memref<80xi32, #tpu.memory_space<vmem>>) target_semaphore(%run_scoped3A : memref<!tpu.dma_semaphore, #tpu.memory_space<semaphore_mem>>)
        %dma_wait3A_69 = tpu.memref_slice %arg4[%add3A] : memref<1600000xi32, #tpu.memory_space<hbm>> -> memref<80xi32, #tpu.memory_space<hbm>>
        %dma_wait3A_70 = tpu.memref_slice %arg4[%add3A] : memref<1600000xi32, #tpu.memory_space<hbm>> -> memref<80xi32, #tpu.memory_space<hbm>>
        tpu.wait_dma2 semaphore(%run_scoped3A : memref<!tpu.dma_semaphore, #tpu.memory_space<semaphore_mem>>) src(%dma_wait3A_70 : memref<80xi32, #tpu.memory_space<hbm>>) dst(%arg9 : memref<80xi32, #tpu.memory_space<vmem>>)
        tpu.yield
      }) : () -> ()
      %get3A = arith.constant 0 : index
      %get3A_20 = tpu.vector_load %arg8[%get3A] {strides = array<i32>} : memref<80xi32, #tpu.memory_space<vmem>>, vector<16xi32>,
      %get3A_21 = vector.shape_cast %get3A_20 : vector<16xi32> to vector<16xi32>
      %add3A_22 = vector.broadcast %mul3A_4 : i32 to vector<16xi32>
      %add3A_23 = arith.addi %get3A_21, %add3A_22 : vector<16xi32>
      %swap3A = arith.constant 0 : index
      %swap3A_24 = tpu.vector_load %arg8[%swap3A] {strides = array<i32>} : memref<80xi32, #tpu.memory_space<vmem>>, vector<16xi32>,
      %swap3A_25 = vector.shape_cast %swap3A_24 : vector<16xi32> to vector<16xi32>
      %swap3A_26 = vector.shape_cast %add3A_23 : vector<16xi32> to vector<16xi32>
      tpu.vector_store %arg8[%swap3A], %swap3A_26 {strides = array<i32>} : memref<80xi32, #tpu.memory_space<vmem>>, vector<16xi32>,
      %get3A_27 = arith.constant 16 : index
      %get3A_28 = tpu.vector_load %arg8[%get3A_27] {strides = array<i32>} : memref<80xi32, #tpu.memory_space<vmem>>, vector<16xi32>,
      %get3A_29 = vector.shape_cast %get3A_28 : vector<16xi32> to vector<16xi32>
      %add3A_30 = vector.broadcast %mul3A_4 : i32 to vector<16xi32>
      %add3A_31 = arith.addi %get3A_29, %add3A_30 : vector<16xi32>
      %swap3A_32 = arith.constant 16 : index
      %swap3A_33 = tpu.vector_load %arg8[%swap3A_32] {strides = array<i32>} : memref<80xi32, #tpu.memory_space<vmem>>, vector<16xi32>,
      %swap3A_34 = vector.shape_cast %swap3A_33 : vector<16xi32> to vector<16xi32>
      %swap3A_35 = vector.shape_cast %add3A_31 : vector<16xi32> to vector<16xi32>
      tpu.vector_store %arg8[%swap3A_32], %swap3A_35 {strides = array<i32>} : memref<80xi32, #tpu.memory_space<vmem>>, vector<16xi32>,
      %get3A_36 = arith.constant 32 : index
      %get3A_37 = tpu.vector_load %arg8[%get3A_36] {strides = array<i32>} : memref<80xi32, #tpu.memory_space<vmem>>, vector<16xi32>,
      %get3A_38 = vector.shape_cast %get3A_37 : vector<16xi32> to vector<16xi32>
      %add3A_39 = vector.broadcast %mul3A_4 : i32 to vector<16xi32>
      %add3A_40 = arith.addi %get3A_38, %add3A_39 : vector<16xi32>
      %swap3A_41 = arith.constant 32 : index
      %swap3A_42 = tpu.vector_load %arg8[%swap3A_41] {strides = array<i32>} : memref<80xi32, #tpu.memory_space<vmem>>, vector<16xi32>,
      %swap3A_43 = vector.shape_cast %swap3A_42 : vector<16xi32> to vector<16xi32>
      %swap3A_44 = vector.shape_cast %add3A_40 : vector<16xi32> to vector<16xi32>
      tpu.vector_store %arg8[%swap3A_41], %swap3A_44 {strides = array<i32>} : memref<80xi32, #tpu.memory_space<vmem>>, vector<16xi32>,
      %get3A_45 = arith.constant 48 : index
      %get3A_46 = tpu.vector_load %arg8[%get3A_45] {strides = array<i32>} : memref<80xi32, #tpu.memory_space<vmem>>, vector<16xi32>,
      %get3A_47 = vector.shape_cast %get3A_46 : vector<16xi32> to vector<16xi32>
      %add3A_48 = vector.broadcast %mul3A_4 : i32 to vector<16xi32>
      %add3A_49 = arith.addi %get3A_47, %add3A_48 : vector<16xi32>
      %swap3A_50 = arith.constant 48 : index
      %swap3A_51 = tpu.vector_load %arg8[%swap3A_50] {strides = array<i32>} : memref<80xi32, #tpu.memory_space<vmem>>, vector<16xi32>,
      %swap3A_52 = vector.shape_cast %swap3A_51 : vector<16xi32> to vector<16xi32>
      %swap3A_53 = vector.shape_cast %add3A_49 : vector<16xi32> to vector<16xi32>
      tpu.vector_store %arg8[%swap3A_50], %swap3A_53 {strides = array<i32>} : memref<80xi32, #tpu.memory_space<vmem>>, vector<16xi32>,
      %get3A_54 = arith.constant 64 : index
      %get3A_55 = tpu.vector_load %arg8[%get3A_54] {strides = array<i32>} : memref<80xi32, #tpu.memory_space<vmem>>, vector<16xi32>,
      %get3A_56 = vector.shape_cast %get3A_55 : vector<16xi32> to vector<16xi32>
      %add3A_57 = vector.broadcast %mul3A_4 : i32 to vector<16xi32>
      %add3A_58 = arith.addi %get3A_56, %add3A_57 : vector<16xi32>
      %swap3A_59 = arith.constant 64 : index
      %swap3A_60 = tpu.vector_load %arg8[%swap3A_59] {strides = array<i32>} : memref<80xi32, #tpu.memory_space<vmem>>, vector<16xi32>,
      %swap3A_61 = vector.shape_cast %swap3A_60 : vector<16xi32> to vector<16xi32>
      %swap3A_62 = vector.shape_cast %add3A_58 : vector<16xi32> to vector<16xi32>
      tpu.vector_store %arg8[%swap3A_59], %swap3A_62 {strides = array<i32>} : memref<80xi32, #tpu.memory_space<vmem>>, vector<16xi32>,
      %dma_start3A = arith.constant 0 : i32
      %dma_start3A_63 = arith.constant 0 : i32
      %dma_start3A_64 = tpu.memref_slice %arg2[%dma_start3A, %dma_start3A_63] : memref<200000x8xf32, #tpu.memory_space<hbm>> -> memref<200000x8xf32, #tpu.memory_space<hbm>>
      tpu.enqueue_indirect_dma source(%dma_start3A_64 : memref<200000x8xf32, #tpu.memory_space<hbm>>) target(%arg10 : memref<80x8xf32, #tpu.memory_space<vmem>>) offsets(%arg8 : memref<80xi32, #tpu.memory_space<vmem>>) semaphore(%arg12 : memref<!tpu.dma_semaphore, #tpu.memory_space<semaphore_mem>>)
      %dma_wait3A = arith.constant 0 : i32
      %dma_wait3A_65 = arith.constant 0 : i32
      %dma_wait3A_66 = tpu.memref_slice %arg2[%dma_wait3A, %dma_wait3A_65] : memref<200000x8xf32, #tpu.memory_space<hbm>> -> memref<200000x8xf32, #tpu.memory_space<hbm>>
      tpu.wait_indirect_dma semaphore(%arg12 : memref<!tpu.dma_semaphore, #tpu.memory_space<semaphore_mem>>) src(%dma_wait3A_66 : memref<200000x8xf32, #tpu.memory_space<hbm>>) dst(%arg10 : memref<80x8xf32, #tpu.memory_space<vmem>>)
      "tpu.region"() ({
        %run_scoped3A = tpu.sem_alloc : memref<!tpu.dma_semaphore, #tpu.memory_space<semaphore_mem>>
        %dma_start3A_67 = arith.constant 0 : i32
        %dma_start3A_68 = arith.constant 0 : i32
        %dma_start3A_69 = tpu.memref_slice %arg7[%dma_start3A_67, %dma_start3A_68] : memref<100096x8xf32, #tpu.memory_space<vmem_shared>> -> memref<100096x8xf32, #tpu.memory_space<vmem_shared>>
        tpu.enqueue_indirect_dma source(%arg10 : memref<80x8xf32, #tpu.memory_space<vmem>>) target(%dma_start3A_69 : memref<100096x8xf32, #tpu.memory_space<vmem_shared>>) offsets(%arg9 : memref<80xi32, #tpu.memory_space<vmem>>) semaphore(%run_scoped3A : memref<!tpu.dma_semaphore, #tpu.memory_space<semaphore_mem>>) {add = true}
        %dma_wait3A_70 = arith.constant 0 : i32
        %dma_wait3A_71 = arith.constant 0 : i32
        %dma_wait3A_72 = tpu.memref_slice %arg7[%dma_wait3A_70, %dma_wait3A_71] : memref<100096x8xf32, #tpu.memory_space<vmem_shared>> -> memref<100096x8xf32, #tpu.memory_space<vmem_shared>>
        tpu.wait_indirect_dma semaphore(%run_scoped3A : memref<!tpu.dma_semaphore, #tpu.memory_space<semaphore_mem>>) src(%arg10 : memref<80x8xf32, #tpu.memory_space<vmem>>) dst(%dma_wait3A_72 : memref<100096x8xf32, #tpu.memory_space<vmem_shared>>)
        tpu.yield
      }) : () -> ()
    }
    %scan3A_9 = arith.constant 1250 : i32
    %barrier3A_10 = arith.constant 0 : index
    tpu.barrier barrier_id(%barrier3A_10)
    %mul3A_11 = arith.constant 6256 : i32
    %mul3A_12 = arith.muli %arg1, %mul3A_11 : i32
    %mul3A_13 = arith.constant 6256 : i32
    %mul3A_14 = arith.muli %arg1, %mul3A_13 : i32
    "tpu.region"() ({
      %run_scoped3A = tpu.sem_alloc : memref<!tpu.dma_semaphore, #tpu.memory_space<semaphore_mem>>
      %dma_start3A = arith.constant 0 : i32
      %dma_start3A_15 = tpu.memref_slice %arg6[%arg0, %mul3A_14, %dma_start3A] : memref<2x100096x8xf32, #tpu.memory_space<hbm>> -> memref<1x6256x8xf32, #tpu.memory_space<hbm>>
      %dma_start3A_16 = tpu.memref_squeeze %dma_start3A_15 : memref<1x6256x8xf32, #tpu.memory_space<hbm>> -> memref<6256x8xf32, #tpu.memory_space<hbm>>
      %dma_start3A_17 = arith.constant 0 : i32
      %dma_start3A_18 = tpu.memref_slice %arg7[%mul3A_12, %dma_start3A_17] : memref<100096x8xf32, #tpu.memory_space<vmem_shared>> -> memref<6256x8xf32, #tpu.memory_space<vmem_shared>>
      tpu.enqueue_dma source(%dma_start3A_18 : memref<6256x8xf32, #tpu.memory_space<vmem_shared>>) target(%dma_start3A_16 : memref<6256x8xf32, #tpu.memory_space<hbm>>) target_semaphore(%run_scoped3A : memref<!tpu.dma_semaphore, #tpu.memory_space<semaphore_mem>>)
      %dma_wait3A = arith.constant 0 : i32
      %dma_wait3A_19 = tpu.memref_slice %arg6[%arg0, %mul3A_14, %dma_wait3A] : memref<2x100096x8xf32, #tpu.memory_space<hbm>> -> memref<1x6256x8xf32, #tpu.memory_space<hbm>>
      %dma_wait3A_20 = tpu.memref_squeeze %dma_wait3A_19 : memref<1x6256x8xf32, #tpu.memory_space<hbm>> -> memref<6256x8xf32, #tpu.memory_space<hbm>>
      %dma_wait3A_21 = arith.constant 0 : i32
      %dma_wait3A_22 = tpu.memref_slice %arg7[%mul3A_12, %dma_wait3A_21] : memref<100096x8xf32, #tpu.memory_space<vmem_shared>> -> memref<6256x8xf32, #tpu.memory_space<vmem_shared>>
      tpu.wait_dma2 semaphore(%run_scoped3A : memref<!tpu.dma_semaphore, #tpu.memory_space<semaphore_mem>>) src(%dma_wait3A_22 : memref<6256x8xf32, #tpu.memory_space<vmem_shared>>) dst(%dma_wait3A_20 : memref<6256x8xf32, #tpu.memory_space<hbm>>)
      tpu.yield
    }) : () -> ()
    return
  }
}

#map = affine_map<(d0, d1) -> (0, 0)>
#map1 = affine_map<(d0, d1) -> (0)>
#map2 = affine_map<(d0, d1) -> (0, 0, 0)>
module attributes {stable_mosaic.version = 14 : i64} {
  func.func @k(%arg0: i32, %arg1: i32, %arg2: memref<200000x8xf32, #tpu.memory_space<hbm>>, %arg3: memref<1600000xi32, #tpu.memory_space<hbm>>, %arg4: memref<1600000xi32, #tpu.memory_space<hbm>>, %arg5: memref<100096x8xf32, #tpu.memory_space<hbm>>, %arg6: memref<2x100096x8xf32, #tpu.memory_space<hbm>>, %arg7: memref<100096x8xf32, #tpu.memory_space<vmem_shared>>, %arg8: memref<80xi32, #tpu.memory_space<vmem>>, %arg9: memref<80xi32, #tpu.memory_space<vmem>>, %arg10: memref<80x8xf32, #tpu.memory_space<vmem>>, %arg11: memref<6256x8xf32, #tpu.memory_space<vmem>>, %arg12: memref<!tpu.dma_semaphore, #tpu.memory_space<semaphore_mem>>) attributes {dimension_semantics = [#tpu.dimension_semantics<core_parallel>, #tpu.dimension_semantics<subcore_parallel>], iteration_bounds = array<i64: 2, 16>, scalar_prefetch = 0 : i64, scratch_operands = 6 : i64, tpu.core_type = #tpu.core_type<sc_vector_subcore>, window_params = [{transform_indices = #map}, {transform_indices = #map1}, {transform_indices = #map1}, {transform_indices = #map}, {transform_indices = #map2}]} {
    %mul3A = arith.constant 6256 : i32
    %mul3A_0 = arith.muli %arg1, %mul3A : i32
    "tpu.region"() ({
      %run_scoped3A = tpu.sem_alloc : memref<!tpu.dma_semaphore, #tpu.memory_space<semaphore_mem>>
      %dma_start3A = arith.constant 0 : i32
      %dma_start3A_15 = tpu.memref_slice %arg5[%mul3A_0, %dma_start3A] : memref<100096x8xf32, #tpu.memory_space<hbm>> -> memref<6256x8xf32, #tpu.memory_space<hbm>>
      %dma_start3A_16 = arith.constant 0 : i32
      %dma_start3A_17 = tpu.memref_slice %arg5[%mul3A_0, %dma_start3A_16] : memref<100096x8xf32, #tpu.memory_space<hbm>> -> memref<6256x8xf32, #tpu.memory_space<hbm>>
      tpu.enqueue_dma source(%dma_start3A_17 : memref<6256x8xf32, #tpu.memory_space<hbm>>) target(%arg11 : memref<6256x8xf32, #tpu.memory_space<vmem>>) target_semaphore(%run_scoped3A : memref<!tpu.dma_semaphore, #tpu.memory_space<semaphore_mem>>)
      %dma_wait3A = arith.constant 0 : i32
      %dma_wait3A_18 = tpu.memref_slice %arg5[%mul3A_0, %dma_wait3A] : memref<100096x8xf32, #tpu.memory_space<hbm>> -> memref<6256x8xf32, #tpu.memory_space<hbm>>
      %dma_wait3A_19 = arith.constant 0 : i32
      %dma_wait3A_20 = tpu.memref_slice %arg5[%mul3A_0, %dma_wait3A_19] : memref<100096x8xf32, #tpu.memory_space<hbm>> -> memref<6256x8xf32, #tpu.memory_space<hbm>>
      tpu.wait_dma2 semaphore(%run_scoped3A : memref<!tpu.dma_semaphore, #tpu.memory_space<semaphore_mem>>) src(%dma_wait3A_20 : memref<6256x8xf32, #tpu.memory_space<hbm>>) dst(%arg11 : memref<6256x8xf32, #tpu.memory_space<vmem>>)
      tpu.yield
    }) : () -> ()
    %mul3A_1 = arith.constant 6256 : i32
    %mul3A_2 = arith.muli %arg1, %mul3A_1 : i32
    "tpu.region"() ({
      %run_scoped3A = tpu.sem_alloc : memref<!tpu.dma_semaphore, #tpu.memory_space<semaphore_mem>>
      %dma_start3A = arith.constant 0 : i32
      %dma_start3A_15 = tpu.memref_slice %arg7[%mul3A_2, %dma_start3A] : memref<100096x8xf32, #tpu.memory_space<vmem_shared>> -> memref<6256x8xf32, #tpu.memory_space<vmem_shared>>
      %dma_start3A_16 = arith.constant 0 : i32
      %dma_start3A_17 = tpu.memref_slice %arg7[%mul3A_2, %dma_start3A_16] : memref<100096x8xf32, #tpu.memory_space<vmem_shared>> -> memref<6256x8xf32, #tpu.memory_space<vmem_shared>>
      tpu.enqueue_dma source(%arg11 : memref<6256x8xf32, #tpu.memory_space<vmem>>) target(%dma_start3A_17 : memref<6256x8xf32, #tpu.memory_space<vmem_shared>>) target_semaphore(%run_scoped3A : memref<!tpu.dma_semaphore, #tpu.memory_space<semaphore_mem>>)
      %dma_wait3A = arith.constant 0 : i32
      %dma_wait3A_18 = tpu.memref_slice %arg7[%mul3A_2, %dma_wait3A] : memref<100096x8xf32, #tpu.memory_space<vmem_shared>> -> memref<6256x8xf32, #tpu.memory_space<vmem_shared>>
      %dma_wait3A_19 = arith.constant 0 : i32
      %dma_wait3A_20 = tpu.memref_slice %arg7[%mul3A_2, %dma_wait3A_19] : memref<100096x8xf32, #tpu.memory_space<vmem_shared>> -> memref<6256x8xf32, #tpu.memory_space<vmem_shared>>
      tpu.wait_dma2 semaphore(%run_scoped3A : memref<!tpu.dma_semaphore, #tpu.memory_space<semaphore_mem>>) src(%arg11 : memref<6256x8xf32, #tpu.memory_space<vmem>>) dst(%dma_wait3A_20 : memref<6256x8xf32, #tpu.memory_space<vmem_shared>>)
      tpu.yield
    }) : () -> ()
    %barrier3A = arith.constant 0 : index
    tpu.barrier barrier_id(%barrier3A)
    %mul3A_3 = arith.constant 100000 : i32
    %mul3A_4 = arith.muli %arg0, %mul3A_3 : i32
    %scan3A = arith.constant 0 : i32
    %scan3A_5 = arith.constant 0 : i32
    %scan3A_6 = arith.constant 1250 : i32
    %scan3A_7 = arith.addi %scan3A_5, %scan3A_6 : i32
    %scan3A_8 = arith.constant 1 : i32
    scf.for %scan3A_15 = %scan3A_5 to %scan3A_7 step %scan3A_8  : i32 {
      %mul3A_16 = arith.constant 100000 : i32
      %mul3A_17 = arith.muli %arg1, %mul3A_16 : i32
      %mul3A_18 = arith.constant 80 : i32
      %mul3A_19 = arith.muli %scan3A_15, %mul3A_18 : i32
      %add3A = arith.addi %mul3A_17, %mul3A_19 : i32
      "tpu.region"() ({
        %run_scoped3A = tpu.sem_alloc : memref<!tpu.dma_semaphore, #tpu.memory_space<semaphore_mem>>
        %dma_start3A_67 = tpu.memref_slice %arg3[%add3A] : memref<1600000xi32, #tpu.memory_space<hbm>> -> memref<80xi32, #tpu.memory_space<hbm>>
        %dma_start3A_68 = tpu.memref_slice %arg3[%add3A] : memref<1600000xi32, #tpu.memory_space<hbm>> -> memref<80xi32, #tpu.memory_space<hbm>>
        tpu.enqueue_dma source(%dma_start3A_68 : memref<80xi32, #tpu.memory_space<hbm>>) target(%arg8 : memref<80xi32, #tpu.memory_space<vmem>>) target_semaphore(%run_scoped3A : memref<!tpu.dma_semaphore, #tpu.memory_space<semaphore_mem>>)
        %dma_wait3A_69 = tpu.memref_slice %arg3[%add3A] : memref<1600000xi32, #tpu.memory_space<hbm>> -> memref<80xi32, #tpu.memory_space<hbm>>
        %dma_wait3A_70 = tpu.memref_slice %arg3[%add3A] : memref<1600000xi32, #tpu.memory_space<hbm>> -> memref<80xi32, #tpu.memory_space<hbm>>
        tpu.wait_dma2 semaphore(%run_scoped3A : memref<!tpu.dma_semaphore, #tpu.memory_space<semaphore_mem>>) src(%dma_wait3A_70 : memref<80xi32, #tpu.memory_space<hbm>>) dst(%arg8 : memref<80xi32, #tpu.memory_space<vmem>>)
        tpu.yield
      }) : () -> ()
      "tpu.region"() ({
        %run_scoped3A = tpu.sem_alloc : memref<!tpu.dma_semaphore, #tpu.memory_space<semaphore_mem>>
        %dma_start3A_67 = tpu.memref_slice %arg4[%add3A] : memref<1600000xi32, #tpu.memory_space<hbm>> -> memref<80xi32, #tpu.memory_space<hbm>>
        %dma_start3A_68 = tpu.memref_slice %arg4[%add3A] : memref<1600000xi32, #tpu.memory_space<hbm>> -> memref<80xi32, #tpu.memory_space<hbm>>
        tpu.enqueue_dma source(%dma_start3A_68 : memref<80xi32, #tpu.memory_space<hbm>>) target(%arg9 : memref<80xi32, #tpu.memory_space<vmem>>) target_semaphore(%run_scoped3A : memref<!tpu.dma_semaphore, #tpu.memory_space<semaphore_mem>>)
        %dma_wait3A_69 = tpu.memref_slice %arg4[%add3A] : memref<1600000xi32, #tpu.memory_space<hbm>> -> memref<80xi32, #tpu.memory_space<hbm>>
        %dma_wait3A_70 = tpu.memref_slice %arg4[%add3A] : memref<1600000xi32, #tpu.memory_space<hbm>> -> memref<80xi32, #tpu.memory_space<hbm>>
        tpu.wait_dma2 semaphore(%run_scoped3A : memref<!tpu.dma_semaphore, #tpu.memory_space<semaphore_mem>>) src(%dma_wait3A_70 : memref<80xi32, #tpu.memory_space<hbm>>) dst(%arg9 : memref<80xi32, #tpu.memory_space<vmem>>)
        tpu.yield
      }) : () -> ()
      %get3A = arith.constant 0 : index
      %get3A_20 = tpu.vector_load %arg8[%get3A] {strides = array<i32>} : memref<80xi32, #tpu.memory_space<vmem>>, vector<16xi32>,
      %get3A_21 = vector.shape_cast %get3A_20 : vector<16xi32> to vector<16xi32>
      %add3A_22 = vector.broadcast %mul3A_4 : i32 to vector<16xi32>
      %add3A_23 = arith.addi %get3A_21, %add3A_22 : vector<16xi32>
      %swap3A = arith.constant 0 : index
      %swap3A_24 = tpu.vector_load %arg8[%swap3A] {strides = array<i32>} : memref<80xi32, #tpu.memory_space<vmem>>, vector<16xi32>,
      %swap3A_25 = vector.shape_cast %swap3A_24 : vector<16xi32> to vector<16xi32>
      %swap3A_26 = vector.shape_cast %add3A_23 : vector<16xi32> to vector<16xi32>
      tpu.vector_store %arg8[%swap3A], %swap3A_26 {strides = array<i32>} : memref<80xi32, #tpu.memory_space<vmem>>, vector<16xi32>,
      %get3A_27 = arith.constant 16 : index
      %get3A_28 = tpu.vector_load %arg8[%get3A_27] {strides = array<i32>} : memref<80xi32, #tpu.memory_space<vmem>>, vector<16xi32>,
      %get3A_29 = vector.shape_cast %get3A_28 : vector<16xi32> to vector<16xi32>
      %add3A_30 = vector.broadcast %mul3A_4 : i32 to vector<16xi32>
      %add3A_31 = arith.addi %get3A_29, %add3A_30 : vector<16xi32>
      %swap3A_32 = arith.constant 16 : index
      %swap3A_33 = tpu.vector_load %arg8[%swap3A_32] {strides = array<i32>} : memref<80xi32, #tpu.memory_space<vmem>>, vector<16xi32>,
      %swap3A_34 = vector.shape_cast %swap3A_33 : vector<16xi32> to vector<16xi32>
      %swap3A_35 = vector.shape_cast %add3A_31 : vector<16xi32> to vector<16xi32>
      tpu.vector_store %arg8[%swap3A_32], %swap3A_35 {strides = array<i32>} : memref<80xi32, #tpu.memory_space<vmem>>, vector<16xi32>,
      %get3A_36 = arith.constant 32 : index
      %get3A_37 = tpu.vector_load %arg8[%get3A_36] {strides = array<i32>} : memref<80xi32, #tpu.memory_space<vmem>>, vector<16xi32>,
      %get3A_38 = vector.shape_cast %get3A_37 : vector<16xi32> to vector<16xi32>
      %add3A_39 = vector.broadcast %mul3A_4 : i32 to vector<16xi32>
      %add3A_40 = arith.addi %get3A_38, %add3A_39 : vector<16xi32>
      %swap3A_41 = arith.constant 32 : index
      %swap3A_42 = tpu.vector_load %arg8[%swap3A_41] {strides = array<i32>} : memref<80xi32, #tpu.memory_space<vmem>>, vector<16xi32>,
      %swap3A_43 = vector.shape_cast %swap3A_42 : vector<16xi32> to vector<16xi32>
      %swap3A_44 = vector.shape_cast %add3A_40 : vector<16xi32> to vector<16xi32>
      tpu.vector_store %arg8[%swap3A_41], %swap3A_44 {strides = array<i32>} : memref<80xi32, #tpu.memory_space<vmem>>, vector<16xi32>,
      %get3A_45 = arith.constant 48 : index
      %get3A_46 = tpu.vector_load %arg8[%get3A_45] {strides = array<i32>} : memref<80xi32, #tpu.memory_space<vmem>>, vector<16xi32>,
      %get3A_47 = vector.shape_cast %get3A_46 : vector<16xi32> to vector<16xi32>
      %add3A_48 = vector.broadcast %mul3A_4 : i32 to vector<16xi32>
      %add3A_49 = arith.addi %get3A_47, %add3A_48 : vector<16xi32>
      %swap3A_50 = arith.constant 48 : index
      %swap3A_51 = tpu.vector_load %arg8[%swap3A_50] {strides = array<i32>} : memref<80xi32, #tpu.memory_space<vmem>>, vector<16xi32>,
      %swap3A_52 = vector.shape_cast %swap3A_51 : vector<16xi32> to vector<16xi32>
      %swap3A_53 = vector.shape_cast %add3A_49 : vector<16xi32> to vector<16xi32>
      tpu.vector_store %arg8[%swap3A_50], %swap3A_53 {strides = array<i32>} : memref<80xi32, #tpu.memory_space<vmem>>, vector<16xi32>,
      %get3A_54 = arith.constant 64 : index
      %get3A_55 = tpu.vector_load %arg8[%get3A_54] {strides = array<i32>} : memref<80xi32, #tpu.memory_space<vmem>>, vector<16xi32>,
      %get3A_56 = vector.shape_cast %get3A_55 : vector<16xi32> to vector<16xi32>
      %add3A_57 = vector.broadcast %mul3A_4 : i32 to vector<16xi32>
      %add3A_58 = arith.addi %get3A_56, %add3A_57 : vector<16xi32>
      %swap3A_59 = arith.constant 64 : index
      %swap3A_60 = tpu.vector_load %arg8[%swap3A_59] {strides = array<i32>} : memref<80xi32, #tpu.memory_space<vmem>>, vector<16xi32>,
      %swap3A_61 = vector.shape_cast %swap3A_60 : vector<16xi32> to vector<16xi32>
      %swap3A_62 = vector.shape_cast %add3A_58 : vector<16xi32> to vector<16xi32>
      tpu.vector_store %arg8[%swap3A_59], %swap3A_62 {strides = array<i32>} : memref<80xi32, #tpu.memory_space<vmem>>, vector<16xi32>,
      %dma_start3A = arith.constant 0 : i32
      %dma_start3A_63 = arith.constant 0 : i32
      %dma_start3A_64 = tpu.memref_slice %arg2[%dma_start3A, %dma_start3A_63] : memref<200000x8xf32, #tpu.memory_space<hbm>> -> memref<200000x8xf32, #tpu.memory_space<hbm>>
      tpu.enqueue_indirect_dma source(%dma_start3A_64 : memref<200000x8xf32, #tpu.memory_space<hbm>>) target(%arg10 : memref<80x8xf32, #tpu.memory_space<vmem>>) offsets(%arg8 : memref<80xi32, #tpu.memory_space<vmem>>) semaphore(%arg12 : memref<!tpu.dma_semaphore, #tpu.memory_space<semaphore_mem>>)
      %dma_wait3A = arith.constant 0 : i32
      %dma_wait3A_65 = arith.constant 0 : i32
      %dma_wait3A_66 = tpu.memref_slice %arg2[%dma_wait3A, %dma_wait3A_65] : memref<200000x8xf32, #tpu.memory_space<hbm>> -> memref<200000x8xf32, #tpu.memory_space<hbm>>
      tpu.wait_indirect_dma semaphore(%arg12 : memref<!tpu.dma_semaphore, #tpu.memory_space<semaphore_mem>>) src(%dma_wait3A_66 : memref<200000x8xf32, #tpu.memory_space<hbm>>) dst(%arg10 : memref<80x8xf32, #tpu.memory_space<vmem>>)
      "tpu.region"() ({
        %run_scoped3A = tpu.sem_alloc : memref<!tpu.dma_semaphore, #tpu.memory_space<semaphore_mem>>
        %dma_start3A_67 = arith.constant 0 : i32
        %dma_start3A_68 = arith.constant 0 : i32
        %dma_start3A_69 = tpu.memref_slice %arg7[%dma_start3A_67, %dma_start3A_68] : memref<100096x8xf32, #tpu.memory_space<vmem_shared>> -> memref<100096x8xf32, #tpu.memory_space<vmem_shared>>
        tpu.enqueue_indirect_dma source(%arg10 : memref<80x8xf32, #tpu.memory_space<vmem>>) target(%dma_start3A_69 : memref<100096x8xf32, #tpu.memory_space<vmem_shared>>) offsets(%arg9 : memref<80xi32, #tpu.memory_space<vmem>>) semaphore(%run_scoped3A : memref<!tpu.dma_semaphore, #tpu.memory_space<semaphore_mem>>) {add = true}
        %dma_wait3A_70 = arith.constant 0 : i32
        %dma_wait3A_71 = arith.constant 0 : i32
        %dma_wait3A_72 = tpu.memref_slice %arg7[%dma_wait3A_70, %dma_wait3A_71] : memref<100096x8xf32, #tpu.memory_space<vmem_shared>> -> memref<100096x8xf32, #tpu.memory_space<vmem_shared>>
        tpu.wait_indirect_dma semaphore(%run_scoped3A : memref<!tpu.dma_semaphore, #tpu.memory_space<semaphore_mem>>) src(%arg10 : memref<80x8xf32, #tpu.memory_space<vmem>>) dst(%dma_wait3A_72 : memref<100096x8xf32, #tpu.memory_space<vmem_shared>>)
        tpu.yield
      }) : () -> ()
    }
    %scan3A_9 = arith.constant 1250 : i32
    %barrier3A_10 = arith.constant 0 : index
    tpu.barrier barrier_id(%barrier3A_10)
    %mul3A_11 = arith.constant 6256 : i32
    %mul3A_12 = arith.muli %arg1, %mul3A_11 : i32
    %mul3A_13 = arith.constant 6256 : i32
    %mul3A_14 = arith.muli %arg1, %mul3A_13 : i32
    "tpu.region"() ({
      %run_scoped3A = tpu.sem_alloc : memref<!tpu.dma_semaphore, #tpu.memory_space<semaphore_mem>>
      %dma_start3A = arith.constant 0 : i32
      %dma_start3A_15 = tpu.memref_slice %arg6[%arg0, %mul3A_14, %dma_start3A] : memref<2x100096x8xf32, #tpu.memory_space<hbm>> -> memref<1x6256x8xf32, #tpu.memory_space<hbm>>
      %dma_start3A_16 = tpu.memref_squeeze %dma_start3A_15 : memref<1x6256x8xf32, #tpu.memory_space<hbm>> -> memref<6256x8xf32, #tpu.memory_space<hbm>>
      %dma_start3A_17 = arith.constant 0 : i32
      %dma_start3A_18 = tpu.memref_slice %arg7[%mul3A_12, %dma_start3A_17] : memref<100096x8xf32, #tpu.memory_space<vmem_shared>> -> memref<6256x8xf32, #tpu.memory_space<vmem_shared>>
      tpu.enqueue_dma source(%dma_start3A_18 : memref<6256x8xf32, #tpu.memory_space<vmem_shared>>) target(%dma_start3A_16 : memref<6256x8xf32, #tpu.memory_space<hbm>>) target_semaphore(%run_scoped3A : memref<!tpu.dma_semaphore, #tpu.memory_space<semaphore_mem>>)
      %dma_wait3A = arith.constant 0 : i32
      %dma_wait3A_19 = tpu.memref_slice %arg6[%arg0, %mul3A_14, %dma_wait3A] : memref<2x100096x8xf32, #tpu.memory_space<hbm>> -> memref<1x6256x8xf32, #tpu.memory_space<hbm>>
      %dma_wait3A_20 = tpu.memref_squeeze %dma_wait3A_19 : memref<1x6256x8xf32, #tpu.memory_space<hbm>> -> memref<6256x8xf32, #tpu.memory_space<hbm>>
      %dma_wait3A_21 = arith.constant 0 : i32
      %dma_wait3A_22 = tpu.memref_slice %arg7[%mul3A_12, %dma_wait3A_21] : memref<100096x8xf32, #tpu.memory_space<vmem_shared>> -> memref<6256x8xf32, #tpu.memory_space<vmem_shared>>
      tpu.wait_dma2 semaphore(%run_scoped3A : memref<!tpu.dma_semaphore, #tpu.memory_space<semaphore_mem>>) src(%dma_wait3A_22 : memref<6256x8xf32, #tpu.memory_space<vmem_shared>>) dst(%dma_wait3A_20 : memref<6256x8xf32, #tpu.memory_space<hbm>>)
      tpu.yield
    }) : () -> ()
    return
  }
}

</mosaic_0001>

<sc_bundles>
// kernel: kernel.12.cloned.1.call-start
scs
__scs_entry_jumppad:
0x0: {  	(pc) =	sbr.rel $0x88, $3  }
0x1: {  	(tag) =	ssettag $0x0;
	lr =	simm.s32 $0x1  }
0x2: {  	[smem:$0x3F90] =	sst lr;
	_ =	strace $0xD0000000  }
0x3: {  	_ = 	snop  }
0x4: {  	_ = 	snop  }
0x5: {  	_ = 	snop  }
0x6: {  	_ = 	snop  }
0x7: {  	_ = 	snop  }
__scs_overlays_trampoline_lowered:
0x8: {  	[smem:$0x3F9F] =	sst s0  }
0x9: {  	[smem:$0x3FA0] =	sst s1  }
0xa: {  	[smem:$0x3FA1] =	sst s2  }
0xb: {  	[smem:$0x3FA2] =	sst s3  }
0xc: {  	[smem:$0x3FA3] =	sst s4  }
0xd: {  	[smem:$0x3FA4] =	sst s5  }
0xe: {  	[smem:$0x3FA5] =	sst s6  }
0xf: {  	[smem:$0x3FA6] =	sst s7  }
0x10: {  	[smem:$0x3FA7] =	sst s8  }
0x11: {  	[smem:$0x3FA8] =	sst s9;
	s0 =	simm.s32 @!p0 $0x0  }
0x12: {  	s1 =	sld [smem:$0x3F8E];
	s0 =	simm.s32 @p0 $0x1  }
0x13: {  	[smem:$0x3FA9] =	sst s0;
	s0 =	simm.s32 @!p1 $0x0  }
0x14: {  	s2 =	sld [smem:$0x3F8D];
	s0 =	simm.s32 @p1 $0x1  }
0x15: {  	[smem:$0x3FAA] =	sst s0;
	s0 =	simm.s32 @!p2 $0x0  }
0x16: {  	s3 =	sld [smem:$0x3FDB];
	s0 =	simm.s32 @p2 $0x1  }
0x17: {  	s4 =	simm.s32 $0x1BF5;
	[smem:$0x3FAC] =	sst s0  }
0x18: {  	s0 =	sld [smem:$0x3F8F];
	_ =	swait.ge [sflag:s4], $0x0  }
0x19: {  	s7 =	sld [smem:$0x3F90]  }
0x1a: {  	s8 =	sadd.s32 $0xFFFFE003, lr  }
0x1b: {  	s9 =	sadd.s32 $0xFFFFFEF7, lr;
	s5 =	simm.s32 $0xFFFFFFFF;
	p2 =	slt.u32 s8, $0xFFFFF086  }
0x1c: {  	p1 =	slt.u32 s9, $0xF7A;
	s5 =	simm.s32 @!p2 $0x0  }
0x1d: {  	s5 =	simm.s32 @p1 $0x1;
	p0 =	seq.s32 s7, s2  }
0x1e: {  	s7 =	smul.u32 @!p0 $0xF7A, s2;
	p2 =	seq.s32 @!p0 s5, $0x0  }
0x1f: {  	s9 =	smul.u32 $0xF7A, s1;
	s8 =	simm.s32 @!p0 $0x1BF5;
	p2 =	por !p2, p0  }
0x20: {  	[sflag:s8] =	ssyncset.s32 @!p0 $0xFFFFF086;
	s6 =	sadd.s32 @!p0 s3, s7;
	s7 =	simm.s32 @!p0 $0x108  }
0x21: {  	s3 =	sadd.s32 s3, s9;
	s6 =	sadd.s32 @!p0 $0x88, s6;
	s7 =	simm.s32 @p2 $0x1082  }
0x22: {  	[simem:s7], [sflag:s8] =	dma.local @!p0 [hbm:s6], $0xF7A  }
0x23: {  	s9 =	sor.u32 $0xD0000000, s2;
	s6 =	simm.s32 $0x108;
	_ =	swait.ge @!p0 [sflag:s8], $0x0  }
0x24: {  	s3 =	sadd.s32 $0x88, s3;
	s6 =	simm.s32 @!p1 $0x1082;
	[sflag:s4] =	ssyncset.s32 $0xFFFFF086  }
0x25: {  	[simem:s6], [sflag:s4] =	dma.local [hbm:s3], $0xF7A  }
0x26: {  	[smem:$0x3F90] =	sst s1;
	(tag) =	ssettag s2;
	_ =	strace s9  }
0x27: {  	s1 =	sld [smem:$0x3FA0]  }
0x28: {  	s2 =	sld [smem:$0x3FA1]  }
0x29: {  	s4 =	sld [smem:$0x3FA3]  }
0x2a: {  	p0 =	seq.s32 s5, $0x0;
	s5 =	sld [smem:$0x3FA4]  }
0x2b: {  	s6 =	sld [smem:$0x3FA5]  }
0x2c: {  	s7 =	sld [smem:$0x3FA6]  }
0x2d: {  	s3 =	simm.s32 $0x108;
	s8 =	sld [smem:$0x3FA7]  }
0x2e: {  	s3 =	simm.s32 @!p0 $0x1082;
	s9 =	sld [smem:$0x3FA8]  }
0x2f: {  	lr =	sadd.s32 s0, s3;
	s0 =	sld [smem:$0x3F9F]  }
0x30: {  	s3 =	sld [smem:$0x3FA2]  }
0x31: {  	[smem:$0x3FAB] =	sst s10  }
0x32: {  	s10 =	sld [smem:$0x3FA9];
	_ =	sdelay $0x3  }
0x33: {  	p0 =	seq.s32 s10, $0x1;
	s10 =	sld [smem:$0x3FAB];
	_ =	sdelay $0x3  }
0x34: {  	[smem:$0x3FAB] =	sst s10  }
0x35: {  	s10 =	sld [smem:$0x3FAA];
	_ =	sdelay $0x3  }
0x36: {  	p1 =	seq.s32 s10, $0x1;
	s10 =	sld [smem:$0x3FAB];
	_ =	sdelay $0x3  }
0x37: {  	[smem:$0x3FAB] =	sst s10  }
0x38: {  	s10 =	sld [smem:$0x3FAC]  }
0x39: {  	_ = 	snop;
	(pc) =	sbr.ind lr, $3  }
0x3a: {  	_ = 	snop  }
0x3b: {  	_ = 	snop  }
0x3c: {  	p2 =	seq.s32 s10, $0x1;
	s10 =	sld [smem:$0x3FAB]  }
0x3d: {  	_ =	shalt  }
0x3e: {  	_ =	shalt  }
0x3f: {  	_ =	shalt  }
0x40: {  	_ =	shalt  }
0x41: {  	_ =	shalt  }
0x42: {  	_ =	shalt  }
0x43: {  	_ =	shalt  }
0x44: {  	_ =	shalt  }
0x45: {  	_ =	shalt  }
0x46: {  	_ =	shalt  }
0x47: {  	_ =	shalt  }
0x48: {  	_ =	shalt  }
0x49: {  	_ =	shalt  }
0x4a: {  	_ =	shalt  }
0x4b: {  	_ =	shalt  }
0x4c: {  	_ =	shalt  }
0x4d: {  	_ =	shalt  }
0x4e: {  	_ =	shalt  }
0x4f: {  	_ =	shalt  }
0x50: {  	_ =	shalt  }
0x51: {  	_ =	shalt  }
0x52: {  	_ =	shalt  }
0x53: {  	_ =	shalt  }
0x54: {  	_ =	shalt  }
0x55: {  	_ =	shalt  }
0x56: {  	_ =	shalt  }
0x57: {  	_ =	shalt  }
0x58: {  	_ =	shalt  }
0x59: {  	_ =	shalt  }
0x5a: {  	_ =	shalt  }
0x5b: {  	_ =	shalt  }
0x5c: {  	_ =	shalt  }
0x5d: {  	_ =	shalt  }
0x5e: {  	_ =	shalt  }
0x5f: {  	_ =	shalt  }
0x60: {  	_ =	shalt  }
0x61: {  	_ =	shalt  }
0x62: {  	_ =	shalt  }
0x63: {  	_ =	shalt  }
0x64: {  	_ =	shalt  }
0x65: {  	_ =	shalt  }
0x66: {  	_ =	shalt  }
0x67: {  	_ =	shalt  }
0x68: {  	_ =	shalt  }
0x69: {  	_ =	shalt  }
0x6a: {  	_ =	shalt  }
0x6b: {  	_ =	shalt  }
0x6c: {  	_ =	shalt  }
0x6d: {  	_ =	shalt  }
0x6e: {  	_ =	shalt  }
0x6f: {  	_ =	shalt  }
0x70: {  	_ =	shalt  }
0x71: {  	_ =	shalt  }
0x72: {  	_ =	shalt  }
0x73: {  	_ =	shalt  }
0x74: {  	_ =	shalt  }
0x75: {  	_ =	shalt  }
0x76: {  	_ =	shalt  }
0x77: {  	_ =	shalt  }
0x78: {  	_ =	shalt  }
0x79: {  	_ =	shalt  }
0x7a: {  	_ =	shalt  }
0x7b: {  	_ =	shalt  }
0x7c: {  	_ =	shalt  }
0x7d: {  	_ =	shalt  }
0x7e: {  	_ =	shalt  }
0x7f: {  	_ =	shalt  }
0x80: {  	_ =	shalt  }
0x81: {  	_ =	shalt  }
0x82: {  	_ =	shalt  }
0x83: {  	_ =	shalt  }
0x84: {  	_ =	shalt  }
0x85: {  	_ =	shalt  }
0x86: {  	_ =	shalt  }
0x87: {  	_ =	shalt  }
.Lfunc_end0:
.L_simem_size_0:
called_computation.1_lowered:
.L_overlay_start_0:
0x88: {  	s2 =	sld [smem:$0x3FD9]  }
0x89: {  	s3 =	sld [smem:$0x3FFE];
	_ =	sdelay $0x1  }
0x8a: {  	s1 =	srdreg.scid  }
0x8b: {  	s0 =	sand.u32 $0x1, s1  }
0x8c: {  	s16 =	sshll.u32 s0, $0xA;
	s2 =	sadd.s32 s3, s2  }
0x8d: {  	s2 =	sadd.s32 s2, s16  }
0x8e: {  	[smem:$0x3FB7] =	sst s2  }
0x8f: {  	_ = 	snop  }
0x90: {  	(tm) =	ssettm $0x1  }
0x91: {  	s17 =	sld [smem:$0x3FFB];
	_ =	sdelay $0x3  }
0x92: {  	_ =	strace s17  }
0x93: {  	s2 =	sld [smem:$0x3FFC];
	_ =	sdelay $0x3  }
0x94: {  	_ =	strace s2  }
0x95: {  	s2 =	sld [smem:$0x3FFD];
	_ =	sdelay $0x3  }
0x96: {  	_ =	strace s2  }
0x97: {  	_ =	strace $0x8FFFFFFF  }
0x98: {  	s18 =	sld [smem:$0x3FDB];
	_ =	sdelay $0x1  }
0x99: {  	s19 =	simm.s32 $_scs_section_size  }
0x9a: {  	s4 =	simm.s32 $_size__tile_overlayer_lowered;
	s5 =	simm.s32 $_tile_overlayer_lowered  }
0x9b: {  	s22 =	simm.s32 $0x1BFF;
	s21 =	sshll.u32 s5, $0x1;
	s2 =	sadd.s32 s19, s18  }
0x9c: {  	s6 =	simm.s32 $0x0;
	s20 =	sshll.u32 s4, $0x1;
	s4 =	sadd.s32 s21, s2  }
0x9d: {  	[timem:s6], [sflag:s22] =	dma.local [hbm:s4], s20  }
0x9e: {  	_ =	swait.ge [sflag:s22], s20  }
0x9f: {  	s3 =	ssub.s32 $0x0, s20;
	[sflag:s22] =	ssyncset.done $0x0  }
0xa0: {  	[sflag:s22] =	ssyncadd.s32 s3;
	_ =	sdelay $0x1  }
0xa1: {  	s23 =	simm.s32 $0x1B8B  }
0xa2: {  	_ =	swait.ge [sflag:s23], $0x1  }
0xa3: {  	[sflag:s23] =	ssyncset.done $0x0  }
0xa4: {  	s25 =	simm.s32 $0x1B8E;
	s24 =	sld [smem:$0x3FFE];
	[sflag:s23] =	ssyncadd.s32 $0xFFFFFFFF  }
0xa5: {  	s26 =	simm.s32 $execute0_lowered;
	[smem:$0x3FD2] =	sst s25  }
0xa6: {  	s4 =	sshll.u32 s26, $0x1;
	_ =	strace $0x80000049;
	[dreg:$0x1] =	wrdreg $0xFFFFFFFF  }
0xa7: {  	s28 =	simm.s32 $_size_execute0_lowered;
	s2 =	sadd.s32 s2, s4;
	[dreg:$0x0] =	wrdreg $0x0  }
0xa8: {  	s4 =	sshll.u32 s28, $0x1;
	[dreg:$0x2] =	wrdreg s2  }
0xa9: {  	[dreg:$0x3] =	wrdreg s4  }
0xaa: {  	[dreg:$0x4] =	wrdreg $0xC0  }
0xab: {  	_ =	task [dreg:s6], $0x5FFFF  }
0xac: {  	[dreg:$0x1] =	wrdreg $0xFFFFFFFF  }
0xad: {  	[dreg:$0x0] =	wrdreg $0x60  }
0xae: {  	[dreg:$0x2] =	wrdreg s24  }
0xaf: {  	[dreg:$0x3] =	wrdreg $0x0  }
0xb0: {  	[dreg:$0x4] =	wrdreg $0x9  }
0xb1: {  	_ =	task.clear_ibuf [dreg:s6], $0x5FFFF;
	_ =	strace $0x90000049  }
0xb2: {  	s29 =	simm.s32 $0x9;
	_ =	strace $0x8000004B  }
0xb3: {  	_ =	swait.ge [sflag:s29], $0x1  }
0xb4: {  	[sflag:s29] =	ssyncadd.s32 $0xFFFFFFFF  }
0xb5: {  	_ =	strace $0x9000004B  }
0xb6: {  	_ =	sfence  }
0xb7: {  	s30 =	sld [smem:$0x0];
	_ =	sdelay $0x2  }
0xb8: {  	s31 =	sshll.u32 s1, $0xD;
	s1 =	sshrl.u32 s1, $0x2  }
0xb9: {  	s3 =	sand.u32 $0x4000, s31;
	s1 =	sadd.s32 s1, s30  }
0xba: {  	s0 =	sor.u32 s3, s0;
	s1 =	sshll.u32 s1, $0x11  }
0xbb: {  	s0 =	sor.u32 s1, s0  }
0xbc: {  	s0 =	sadd.s32 $0x8F2B, s0  }
0xbd: {  	[sflag:s0] =	ssyncadd.remote.s32 $0x1  }
0xbe: {  	_ =	sfence.sel $0xFFFF  }
0xbf: {  	[dreg:$0x0] =	wrdreg $0xFFFFFFFF;
	(pc) =	sbr.abs _section_cstart, $3  }
0xc0: {  	[dreg:$0x1] =	wrdreg $0xFFFFFFFF  }
0xc1: {  	_ =	task.clear_ibuf [dreg:s6], $0x2FFFF;
	_ =	strace $0x9FFFFFFF  }
0xc2: {  	(tm) =	ssettm $0x7FFFFFFF  }
0xc3: {  	_ =	shalt  }
tec
execute0_lowered:
.L_overlay_start_1:
0x0: {  	(tag) =	ssettag $0x1  }
0x1: {  	s5 =	rddreg [dreg:$0x0]  }
0x2: {  	s2 =	rddreg [dreg:$0x1]  }
0x3: {  	s0 =	rddreg [dreg:$0x2];
	s1 =	stileid.u32  }
0x4: {  	s4 =	srdreg.scid;
	s3 =	simm.s32 $0x0;
	s14 =	simm.s32 $0xC3D0  }
0x5: {  	s15 =	simm.s32 $0x50;
	s16 =	simm.s32 $0xC420;
	s6 =	smul.u32 $0x30D4, s1  }
0x6: {  	s17 =	simm.s32 $0x1;
	s20 =	simm.s32 $0x0;
	s7 =	smul.u32 $0xC380, s1  }
0x7: {  	s8 =	sand.u32 $0x1, s4;
	[smem:$0x7FF] =	sst s3;
	s4 =	sadd.s32 $0x3F2400, s5  }
0x8: {  	s19 =	sshll.u32 s1, $0x6;
	s9 =	smul.u32 $0xC3800, s8;
	_ =	strace $0x8000004A  }
0x9: {  	s31 =	ssub.s32 $0x2, s8;
	s18 =	smul.u32 $0x186A0, s8;
	s10 =	sadd.s32 s6, s5  }
0xa: {  	s11 =	sshrl.u32 s7, $0x3;
	s12 =	sshrl.u32 s31, $0x1;
	s30 =	sadd.s32 s7, s9  }
0xb: {  	s11 =	sadd.s32 s11, s5;
	s9 =	ssub.s32 s31, s12;
	s12 =	simm.s32 $0x2  }
0xc: {  	v0 =	vmov s18;
	s18 =	sor.u32 $0x1C02, s19;
	s6 =	sshrl.u32 s30, $0x3;
	s8 =	smax.u32 s9, $0x1  }
0xd: {  	s9 =	sadd.s32 $0x5E00, s10;
	s10 =	sadd.s32 $0x36C00, s10;
	s13 =	sadd.s32 s6, s5  }
0xe: {  	s5 =	sadd.s32 $0x67A00, s11;
	s6 =	sadd.s32 s7, s2;
	s11 =	simm.s32 $0xC6A0  }
0xf: {  	s7 =	sadd.s32 $0xE5000, s13;
	s13 =	simm.s32 $0xC380;
	s19 =	sshrl.u32 s6, $0x3  }
.LBB2_1:
0x10: {  	[tilespmem:s11], [sflag:$0x2] =	stream.linear.gather [hbm4b:s5+s3], $0xC380, $0x38;
	[tilespmem:$0x18A20] =	vst v63  }
0x11: {  	_ =	swait.ge [sflag:s12], $0xC380  }
0x12: {  	[sflag:s12] =	ssyncset.done $0x0  }
0x13: {  	[sflag:s12] =	ssyncadd.s32 $0xFFFF3C80  }
0x14: {  	[spmem:s6] =	stream.linear.scatter [tilespmem:s11], [sflag:$0x2], $0xC380, $0x38;
	[tilespmem:$0x18A20] =	vst v63  }
0x15: {  	_ =	swait.ge [sflag:s12], $0xC380  }
0x16: {  	[sflag:s12] =	ssyncset.done $0x0  }
0x17: {  	[sflag:s12] =	ssyncadd.s32 $0xFFFF3C80  }
0x18: {  	s21 =	sadd.s32 $0x0, s10;
	[bflag:$0x0] =	sbarrier.arrive $0xFFFF  }
0x19: {  	[tilespmem:s13], [sflag:$0x2] =	stream.linear.gather [hbm4b:s21+s3], $0x50, $0x38;
	[tilespmem:$0x18A20] =	vst v63  }
0x1a: {  	_ =	swait.ge [sflag:s12], $0x50  }
0x1b: {  	[sflag:s12] =	ssyncset.done $0x0  }
0x1c: {  	s31 =	sadd.s32 $0x0, s9;
	[sflag:s12] =	ssyncadd.s32 $0xFFFFFFB0  }
0x1d: {  	[tilespmem:s14], [sflag:$0x2] =	stream.linear.gather [hbm4b:s31+s3], $0x50, $0x38;
	[tilespmem:$0x18A20] =	vst v63  }
0x1e: {  	_ =	swait.ge [sflag:s12], $0x50  }
0x1f: {  	[sflag:s12] =	ssyncset.done $0x0  }
0x20: {  	[sflag:s12] =	ssyncadd.s32 $0xFFFFFFB0  }
0x21: {  	v1 =	vld [tilespmem:$0xC3C0]  }
0x22: {  	v2 =	vld [tilespmem:$0xC3A0]  }
0x23: {  	v3 =	vld [tilespmem:$0xC3B0]  }
0x24: {  	v4 =	vld [tilespmem:$0xC390]  }
0x25: {  	v5 =	vld [tilespmem:$0xC380]  }
0x26: {  	v1 =	vadd.s32 v0, v1  }
0x27: {  	v2 =	vadd.s32 v0, v2;
	[tilespmem:$0xC3C0] =	vst v1  }
0x28: {  	[tilespmem:$0xC3A0] =	vst v2;
	v1 =	vadd.s32 v0, v3  }
0x29: {  	v2 =	vadd.s32 v0, v4;
	[tilespmem:$0xC3B0] =	vst v1  }
0x2a: {  	v1 =	vadd.s32 v0, v5;
	[tilespmem:$0xC390] =	vst v2  }
0x2b: {  	[tilespmem:$0xC380] =	vst v1  }
0x2c: {  	[tilespmem:s16], [sflag:$0x1] =	stream.indirect.gather [hbm4b:s4+s15], $0x8, s13, s15, $0xb8;
	[tilespmem:$0x18A20] =	vst v63  }
0x2d: {  	_ =	swait.ge [sflag:s17], $0x280  }
0x2e: {  	s21 =	simm.s32 $0xA;
	[sflag:s17] =	ssyncset.done $0x0  }
.LBB2_2:
0x2f: {  	p0 =	sne.s32 s21, $0x30CA  }
0x30: {  	[sflag:s17] =	ssyncadd.s32 $0xFFFFFD80;
	s22 =	smov.u32 s21;
	s21 =	sadd.s32 $0xA, s21  }
0x31: {  	[spmem:s2] =	stream.indirect.scatter.add.f32 [tilespmem:s16], [sflag:$0x2], $0x8, s14, s15, $0xb8;
	[tilespmem:$0x18A20] =	vst v63  }
0x32: {  	_ =	swait.ge [sflag:s12], $0x280  }
0x33: {  	[sflag:s12] =	ssyncset.done $0x0  }
0x34: {  	s23 =	sadd.s32 s22, s10;
	[sflag:s12] =	ssyncadd.s32 $0xFFFFFD80  }
0x35: {  	[tilespmem:s13], [sflag:$0x2] =	stream.linear.gather [hbm4b:s23+s3], $0x50, $0x38;
	[tilespmem:$0x18A20] =	vst v63  }
0x36: {  	_ =	swait.ge [sflag:s12], $0x50  }
0x37: {  	[sflag:s12] =	ssyncset.done $0x0  }
0x38: {  	s22 =	sadd.s32 s22, s9;
	[sflag:s12] =	ssyncadd.s32 $0xFFFFFFB0  }
0x39: {  	[tilespmem:s14], [sflag:$0x2] =	stream.linear.gather [hbm4b:s22+s3], $0x50, $0x38;
	[tilespmem:$0x18A20] =	vst v63  }
0x3a: {  	_ =	swait.ge [sflag:s12], $0x50  }
0x3b: {  	[sflag:s12] =	ssyncset.done $0x0  }
0x3c: {  	[sflag:s12] =	ssyncadd.s32 $0xFFFFFFB0  }
0x3d: {  	v1 =	vld [tilespmem:$0xC3C0]  }
0x3e: {  	v2 =	vld [tilespmem:$0xC3A0]  }
0x3f: {  	v3 =	vld [tilespmem:$0xC3B0]  }
0x40: {  	v4 =	vld [tilespmem:$0xC390]  }
0x41: {  	v5 =	vld [tilespmem:$0xC380]  }
0x42: {  	v1 =	vadd.s32 v0, v1  }
0x43: {  	v2 =	vadd.s32 v0, v2;
	[tilespmem:$0xC3C0] =	vst v1  }
0x44: {  	[tilespmem:$0xC3A0] =	vst v2;
	v1 =	vadd.s32 v0, v3  }
0x45: {  	v2 =	vadd.s32 v0, v4;
	[tilespmem:$0xC3B0] =	vst v1  }
.Ltmp0:
0x46: {  	v1 =	vadd.s32 v0, v5;
	[tilespmem:$0xC390] =	vst v2;
	(pc) =	sbr.rel @p0 .LBB2_2-.Ltmp0, $4  }
0x47: {  	[tilespmem:$0xC380] =	vst v1  }
0x48: {  	[tilespmem:s16], [sflag:$0x1] =	stream.indirect.gather [hbm4b:s4+s15], $0x8, s13, s15, $0xb8;
	[tilespmem:$0x18A20] =	vst v63  }
0x49: {  	_ =	swait.ge [sflag:s17], $0x280  }
0x4a: {  	[sflag:s17] =	ssyncset.done $0x0  }
0x4b: {  	[sflag:s17] =	ssyncadd.s32 $0xFFFFFD80  }
0x4c: {  	[spmem:s2] =	stream.indirect.scatter.add.f32 [tilespmem:s16], [sflag:$0x2], $0x8, s14, s15, $0xb8;
	[tilespmem:$0x18A20] =	vst v63  }
0x4d: {  	_ =	swait.ge [sflag:s12], $0x280  }
0x4e: {  	s20 =	sadd.s32 $0x1, s20;
	[sflag:s12] =	ssyncset.done $0x0  }
0x4f: {  	p0 =	sne.s32 s20, s8;
	[sflag:s12] =	ssyncadd.s32 $0xFFFFFD80  }
.Ltmp1:
0x50: {  	[bflag:$0x0] =	sbarrier.arrive $0xFFFF;
	(pc) =	sbr.rel @p0 .LBB2_1-.Ltmp1, $4  }
0x51: {  	[hbm:s7], [sflag:s18] =	dma.local [spmem:s19], $0x1870  }
0x52: {  	_ =	swait.ge [sflag:s12], $0x1870  }
0x53: {  	[sflag:s12] =	ssyncset.done $0x0  }
0x54: {  	[sflag:s12] =	ssyncadd.s32 $0xFFFFE790  }
0x55: {  	_ =	sfence.sel $0x180000  }
0x56: {  	[bflag:$0x0] =	sbarrier.arrive $0xFFFF  }
0x57: {  	p0 =	sne.s32 s1, $0x0;
	_ =	strace $0x9000004A  }
0x58: {  	s0 =	sadd.s32 @!p0 $0x100000, s0;
	[bflag:$0x2] =	sbarrier.arrive $0xFFFF  }
0x59: {  	[sflag:s0] =	ssyncadd.tile.s32 @!p0 $0x1;
	_ =	shalt  }
.Lfunc_end2:
_tile_overlayer_lowered:
.L_overlay_start_2:
0x5a: {  	(tag) =	ssettag $0x2  }
0x5b: {  	s0 =	rddreg [dreg:$0x0];
	s2 =	stileid.u32  }
0x5c: {  	s1 =	rddreg [dreg:$0x1];
	p0 =	sne.s32 s2, $0x0  }
0x5d: {  	s3 =	rddreg [dreg:$0x2];
	[bflag:$0x3] =	sbarrier.arrive $0xFFFF;
	s2 =	simm.s32 @!p0 $0x1C02  }
0x5e: {  	[timem:s3], [sflag:s2] =	dma.local @!p0 [hbm:s0], s1  }
0x5f: {  	s0 =	simm.s32 @!p0 $0x2  }
0x60: {  	_ =	swait.ge @!p0 [sflag:s0], s1  }
0x61: {  	s1 =	ssub.s32 @!p0 $0x0, s1;
	[sflag:s0] =	ssyncset.done @!p0 $0x0  }
0x62: {  	[sflag:s0] =	ssyncadd.s32 @!p0 s1  }
0x63: {  	[bflag:$0x3] =	sbarrier.arrive $0xFFFF  }
0x64: {  	_ =	shalt  }

// kernel: kernel.15.cloned.1.call-start
scs
__scs_entry_jumppad:
0x0: {  	(pc) =	sbr.rel $0x88, $3  }
0x1: {  	(tag) =	ssettag $0x0;
	lr =	simm.s32 $0x1  }
0x2: {  	[smem:$0x3F90] =	sst lr;
	_ =	strace $0xD0000000  }
0x3: {  	_ = 	snop  }
0x4: {  	_ = 	snop  }
0x5: {  	_ = 	snop  }
0x6: {  	_ = 	snop  }
0x7: {  	_ = 	snop  }
__scs_overlays_trampoline_lowered:
0x8: {  	[smem:$0x3F9F] =	sst s0  }
0x9: {  	[smem:$0x3FA0] =	sst s1  }
0xa: {  	[smem:$0x3FA1] =	sst s2  }
0xb: {  	[smem:$0x3FA2] =	sst s3  }
0xc: {  	[smem:$0x3FA3] =	sst s4  }
0xd: {  	[smem:$0x3FA4] =	sst s5  }
0xe: {  	[smem:$0x3FA5] =	sst s6  }
0xf: {  	[smem:$0x3FA6] =	sst s7  }
0x10: {  	[smem:$0x3FA7] =	sst s8  }
0x11: {  	[smem:$0x3FA8] =	sst s9;
	s0 =	simm.s32 @!p0 $0x0  }
0x12: {  	s1 =	sld [smem:$0x3F8E];
	s0 =	simm.s32 @p0 $0x1  }
0x13: {  	[smem:$0x3FA9] =	sst s0;
	s0 =	simm.s32 @!p1 $0x0  }
0x14: {  	s2 =	sld [smem:$0x3F8D];
	s0 =	simm.s32 @p1 $0x1  }
0x15: {  	[smem:$0x3FAA] =	sst s0;
	s0 =	simm.s32 @!p2 $0x0  }
0x16: {  	s3 =	sld [smem:$0x3FDB];
	s0 =	simm.s32 @p2 $0x1  }
0x17: {  	s4 =	simm.s32 $0x1BF5;
	[smem:$0x3FAC] =	sst s0  }
0x18: {  	s0 =	sld [smem:$0x3F8F];
	_ =	swait.ge [sflag:s4], $0x0  }
0x19: {  	s7 =	sld [smem:$0x3F90]  }
0x1a: {  	s8 =	sadd.s32 $0xFFFFE003, lr  }
0x1b: {  	s9 =	sadd.s32 $0xFFFFFEF7, lr;
	s5 =	simm.s32 $0xFFFFFFFF;
	p2 =	slt.u32 s8, $0xFFFFF086  }
0x1c: {  	p1 =	slt.u32 s9, $0xF7A;
	s5 =	simm.s32 @!p2 $0x0  }
0x1d: {  	s5 =	simm.s32 @p1 $0x1;
	p0 =	seq.s32 s7, s2  }
0x1e: {  	s7 =	smul.u32 @!p0 $0xF7A, s2;
	p2 =	seq.s32 @!p0 s5, $0x0  }
0x1f: {  	s9 =	smul.u32 $0xF7A, s1;
	s8 =	simm.s32 @!p0 $0x1BF5;
	p2 =	por !p2, p0  }
0x20: {  	[sflag:s8] =	ssyncset.s32 @!p0 $0xFFFFF086;
	s6 =	sadd.s32 @!p0 s3, s7;
	s7 =	simm.s32 @!p0 $0x108  }
0x21: {  	s3 =	sadd.s32 s3, s9;
	s6 =	sadd.s32 @!p0 $0x88, s6;
	s7 =	simm.s32 @p2 $0x1082  }
0x22: {  	[simem:s7], [sflag:s8] =	dma.local @!p0 [hbm:s6], $0xF7A  }
0x23: {  	s9 =	sor.u32 $0xD0000000, s2;
	s6 =	simm.s32 $0x108;
	_ =	swait.ge @!p0 [sflag:s8], $0x0  }
0x24: {  	s3 =	sadd.s32 $0x88, s3;
	s6 =	simm.s32 @!p1 $0x1082;
	[sflag:s4] =	ssyncset.s32 $0xFFFFF086  }
0x25: {  	[simem:s6], [sflag:s4] =	dma.local [hbm:s3], $0xF7A  }
0x26: {  	[smem:$0x3F90] =	sst s1;
	(tag) =	ssettag s2;
	_ =	strace s9  }
0x27: {  	s1 =	sld [smem:$0x3FA0]  }
0x28: {  	s2 =	sld [smem:$0x3FA1]  }
0x29: {  	s4 =	sld [smem:$0x3FA3]  }
0x2a: {  	p0 =	seq.s32 s5, $0x0;
	s5 =	sld [smem:$0x3FA4]  }
0x2b: {  	s6 =	sld [smem:$0x3FA5]  }
0x2c: {  	s7 =	sld [smem:$0x3FA6]  }
0x2d: {  	s3 =	simm.s32 $0x108;
	s8 =	sld [smem:$0x3FA7]  }
0x2e: {  	s3 =	simm.s32 @!p0 $0x1082;
	s9 =	sld [smem:$0x3FA8]  }
0x2f: {  	lr =	sadd.s32 s0, s3;
	s0 =	sld [smem:$0x3F9F]  }
0x30: {  	s3 =	sld [smem:$0x3FA2]  }
0x31: {  	[smem:$0x3FAB] =	sst s10  }
0x32: {  	s10 =	sld [smem:$0x3FA9];
	_ =	sdelay $0x3  }
0x33: {  	p0 =	seq.s32 s10, $0x1;
	s10 =	sld [smem:$0x3FAB];
	_ =	sdelay $0x3  }
0x34: {  	[smem:$0x3FAB] =	sst s10  }
0x35: {  	s10 =	sld [smem:$0x3FAA];
	_ =	sdelay $0x3  }
0x36: {  	p1 =	seq.s32 s10, $0x1;
	s10 =	sld [smem:$0x3FAB];
	_ =	sdelay $0x3  }
0x37: {  	[smem:$0x3FAB] =	sst s10  }
0x38: {  	s10 =	sld [smem:$0x3FAC]  }
0x39: {  	_ = 	snop;
	(pc) =	sbr.ind lr, $3  }
0x3a: {  	_ = 	snop  }
0x3b: {  	_ = 	snop  }
0x3c: {  	p2 =	seq.s32 s10, $0x1;
	s10 =	sld [smem:$0x3FAB]  }
0x3d: {  	_ =	shalt  }
0x3e: {  	_ =	shalt  }
0x3f: {  	_ =	shalt  }
0x40: {  	_ =	shalt  }
0x41: {  	_ =	shalt  }
0x42: {  	_ =	shalt  }
0x43: {  	_ =	shalt  }
0x44: {  	_ =	shalt  }
0x45: {  	_ =	shalt  }
0x46: {  	_ =	shalt  }
0x47: {  	_ =	shalt  }
0x48: {  	_ =	shalt  }
0x49: {  	_ =	shalt  }
0x4a: {  	_ =	shalt  }
0x4b: {  	_ =	shalt  }
0x4c: {  	_ =	shalt  }
0x4d: {  	_ =	shalt  }
0x4e: {  	_ =	shalt  }
0x4f: {  	_ =	shalt  }
0x50: {  	_ =	shalt  }
0x51: {  	_ =	shalt  }
0x52: {  	_ =	shalt  }
0x53: {  	_ =	shalt  }
0x54: {  	_ =	shalt  }
0x55: {  	_ =	shalt  }
0x56: {  	_ =	shalt  }
0x57: {  	_ =	shalt  }
0x58: {  	_ =	shalt  }
0x59: {  	_ =	shalt  }
0x5a: {  	_ =	shalt  }
0x5b: {  	_ =	shalt  }
0x5c: {  	_ =	shalt  }
0x5d: {  	_ =	shalt  }
0x5e: {  	_ =	shalt  }
0x5f: {  	_ =	shalt  }
0x60: {  	_ =	shalt  }
0x61: {  	_ =	shalt  }
0x62: {  	_ =	shalt  }
0x63: {  	_ =	shalt  }
0x64: {  	_ =	shalt  }
0x65: {  	_ =	shalt  }
0x66: {  	_ =	shalt  }
0x67: {  	_ =	shalt  }
0x68: {  	_ =	shalt  }
0x69: {  	_ =	shalt  }
0x6a: {  	_ =	shalt  }
0x6b: {  	_ =	shalt  }
0x6c: {  	_ =	shalt  }
0x6d: {  	_ =	shalt  }
0x6e: {  	_ =	shalt  }
0x6f: {  	_ =	shalt  }
0x70: {  	_ =	shalt  }
0x71: {  	_ =	shalt  }
0x72: {  	_ =	shalt  }
0x73: {  	_ =	shalt  }
0x74: {  	_ =	shalt  }
0x75: {  	_ =	shalt  }
0x76: {  	_ =	shalt  }
0x77: {  	_ =	shalt  }
0x78: {  	_ =	shalt  }
0x79: {  	_ =	shalt  }
0x7a: {  	_ =	shalt  }
0x7b: {  	_ =	shalt  }
0x7c: {  	_ =	shalt  }
0x7d: {  	_ =	shalt  }
0x7e: {  	_ =	shalt  }
0x7f: {  	_ =	shalt  }
0x80: {  	_ =	shalt  }
0x81: {  	_ =	shalt  }
0x82: {  	_ =	shalt  }
0x83: {  	_ =	shalt  }
0x84: {  	_ =	shalt  }
0x85: {  	_ =	shalt  }
0x86: {  	_ =	shalt  }
0x87: {  	_ =	shalt  }
.Lfunc_end0:
.L_simem_size_0:
called_computation.2_lowered:
.L_overlay_start_0:
0x88: {  	s2 =	sld [smem:$0x3FD9]  }
0x89: {  	s3 =	sld [smem:$0x3FFE];
	_ =	sdelay $0x1  }
0x8a: {  	s1 =	srdreg.scid  }
0x8b: {  	s0 =	sand.u32 $0x1, s1  }
0x8c: {  	s17 =	sshll.u32 s0, $0xA;
	s2 =	sadd.s32 s3, s2  }
0x8d: {  	s2 =	sadd.s32 s2, s17  }
0x8e: {  	[smem:$0x3FB7] =	sst s2  }
0x8f: {  	_ = 	snop  }
0x90: {  	(tm) =	ssettm $0x1  }
0x91: {  	s18 =	sld [smem:$0x3FFB];
	_ =	sdelay $0x3  }
0x92: {  	_ =	strace s18  }
0x93: {  	s2 =	sld [smem:$0x3FFC];
	_ =	sdelay $0x3  }
0x94: {  	_ =	strace s2  }
0x95: {  	s2 =	sld [smem:$0x3FFD];
	_ =	sdelay $0x3  }
0x96: {  	_ =	strace s2  }
0x97: {  	_ =	strace $0x8FFFFFFF  }
0x98: {  	s19 =	sld [smem:$0x3FDB];
	_ =	sdelay $0x1  }
0x99: {  	s20 =	simm.s32 $_scs_section_size  }
0x9a: {  	s4 =	simm.s32 $_size__tile_overlayer_lowered;
	s5 =	simm.s32 $_tile_overlayer_lowered  }
0x9b: {  	s6 =	simm.s32 $0x1BFF;
	s21 =	sshll.u32 s5, $0x1;
	s3 =	sadd.s32 s20, s19  }
0x9c: {  	s22 =	simm.s32 $0x0;
	s4 =	sshll.u32 s4, $0x1;
	s5 =	sadd.s32 s21, s3  }
0x9d: {  	[timem:s22], [sflag:s6] =	dma.local [hbm:s5], s4  }
0x9e: {  	_ =	swait.ge [sflag:s6], s4  }
0x9f: {  	s4 =	ssub.s32 $0x0, s4;
	[sflag:s6] =	ssyncset.done $0x0  }
0xa0: {  	[sflag:s6] =	ssyncadd.s32 s4;
	_ =	sdelay $0x1  }
0xa1: {  	s23 =	simm.s32 $0x1B8B  }
0xa2: {  	_ =	swait.ge [sflag:s23], $0x1  }
0xa3: {  	[sflag:s23] =	ssyncset.done $0x0  }
0xa4: {  	[sflag:s23] =	ssyncadd.s32 $0xFFFFFFFF  }
0xa5: {  	s4 =	sld [smem:$0x0]  }
0xa6: {  	s5 =	sand.u32 $0xFFFFFFFE, s1  }
0xa7: {  	p0 =	sne.s32 s1, s5  }
0xa8: {  	s5 =	sshll.u32 @p0 s5, $0xE  }
0xa9: {  	s5 =	sadd.s32 @p0 $0x11B8D, s5;
	s6 =	sshll.u32 @p0 s4, $0x11  }
0xaa: {  	s5 =	sor.u32 @p0 s6, s5  }
0xab: {  	[sflag:s5] =	ssyncadd.remote.s32 @p0 $0x1;
	_ =	sdelay $0x1  }
0xac: {  	s5 =	simm.s32 @p0 $0x1B8D  }
0xad: {  	_ =	swait.eq @p0 [sflag:s5], $0x1  }
0xae: {  	[sflag:s5] =	ssyncadd.s32 @p0 $0xFFFFFFFF  }
0xaf: {  	s6 =	sshll.u32 @!p0 s1, $0xE  }
0xb0: {  	s6 =	sor.u32 @!p0 $0x4000, s6;
	s5 =	simm.s32 @!p0 $0x1B8D  }
0xb1: {  	s4 =	sshll.u32 @!p0 s4, $0x11;
	s6 =	sadd.s32 @!p0 $0x11B8D, s6;
	_ =	swait.eq @!p0 [sflag:s5], $0x1  }
0xb2: {  	s4 =	sor.u32 @!p0 s4, s6;
	[sflag:s5] =	ssyncadd.s32 @!p0 $0xFFFFFFFF  }
0xb3: {  	s25 =	simm.s32 $0x1B8E;
	s24 =	sld [smem:$0x3FFE];
	[sflag:s4] =	ssyncadd.remote.s32 @!p0 $0x1  }
0xb4: {  	s26 =	simm.s32 $execute0_lowered;
	[smem:$0x3FD2] =	sst s25  }
0xb5: {  	s5 =	sshll.u32 s26, $0x1;
	_ =	strace $0x8000004C;
	[dreg:$0x1] =	wrdreg $0xFFFFFFFF  }
0xb6: {  	s28 =	simm.s32 $_size_execute0_lowered;
	s3 =	sadd.s32 s3, s5;
	[dreg:$0x0] =	wrdreg $0x0  }
0xb7: {  	s5 =	sshll.u32 s28, $0x1;
	[dreg:$0x2] =	wrdreg s3  }
0xb8: {  	[dreg:$0x3] =	wrdreg s5  }
0xb9: {  	[dreg:$0x4] =	wrdreg $0xC0  }
0xba: {  	_ =	task [dreg:s22], $0x5FFFF  }
0xbb: {  	[dreg:$0x1] =	wrdreg $0xFFFFFFFF  }
0xbc: {  	[dreg:$0x0] =	wrdreg $0x60  }
0xbd: {  	[dreg:$0x2] =	wrdreg s24  }
0xbe: {  	[dreg:$0x3] =	wrdreg $0x0  }
0xbf: {  	[dreg:$0x4] =	wrdreg $0xA  }
0xc0: {  	_ =	task.clear_ibuf [dreg:s22], $0x5FFFF;
	_ =	strace $0x9000004C  }
0xc1: {  	s29 =	simm.s32 $0xA;
	_ =	strace $0x8000004E  }
0xc2: {  	_ =	swait.ge [sflag:s29], $0x1  }
0xc3: {  	[sflag:s29] =	ssyncadd.s32 $0xFFFFFFFF  }
0xc4: {  	_ =	strace $0x9000004E  }
0xc5: {  	_ =	sfence  }
0xc6: {  	s30 =	sld [smem:$0x0];
	_ =	sdelay $0x2  }
0xc7: {  	s31 =	sshll.u32 s1, $0xD;
	s1 =	sshrl.u32 s1, $0x2  }
0xc8: {  	s4 =	sand.u32 $0x4000, s31;
	s1 =	sadd.s32 s1, s30  }
0xc9: {  	s0 =	sor.u32 s4, s0;
	s1 =	sshll.u32 s1, $0x11  }
0xca: {  	s0 =	sor.u32 s1, s0  }
0xcb: {  	s0 =	sadd.s32 $0x8F2B, s0  }
0xcc: {  	[sflag:s0] =	ssyncadd.remote.s32 $0x1  }
0xcd: {  	_ =	sfence.sel $0xFFFF  }
0xce: {  	[dreg:$0x0] =	wrdreg $0xFFFFFFFF;
	(pc) =	sbr.abs _section_cstart, $3  }
0xcf: {  	[dreg:$0x1] =	wrdreg $0xFFFFFFFF  }
0xd0: {  	_ =	task.clear_ibuf [dreg:s22], $0x2FFFF;
	_ =	strace $0x9FFFFFFF  }
0xd1: {  	(tm) =	ssettm $0x7FFFFFFF  }
tec
execute0_lowered:
.L_overlay_start_1:
0x0: {  	(tag) =	ssettag $0x1  }
0x1: {  	s5 =	rddreg [dreg:$0x0]  }
0x2: {  	s2 =	rddreg [dreg:$0x1]  }
0x3: {  	s0 =	rddreg [dreg:$0x2];
	s1 =	stileid.u32  }
0x4: {  	s4 =	srdreg.scid;
	s3 =	simm.s32 $0x0;
	s14 =	simm.s32 $0xC3D0  }
0x5: {  	s15 =	simm.s32 $0x50;
	s16 =	simm.s32 $0xC420;
	s6 =	smul.u32 $0x30D4, s1  }
0x6: {  	s17 =	simm.s32 $0x1;
	s20 =	simm.s32 $0x0;
	s7 =	smul.u32 $0xC380, s1  }
0x7: {  	s8 =	sand.u32 $0x1, s4;
	[smem:$0x7FF] =	sst s3;
	s4 =	sadd.s32 $0x115E00, s5  }
0x8: {  	s19 =	sshll.u32 s1, $0x6;
	s9 =	smul.u32 $0xC3800, s8;
	_ =	strace $0x8000004D  }
0x9: {  	s31 =	ssub.s32 $0x2, s8;
	s18 =	smul.u32 $0x186A0, s8;
	s10 =	sadd.s32 s6, s5  }
0xa: {  	s11 =	sshrl.u32 s7, $0x3;
	s12 =	sshrl.u32 s31, $0x1;
	s30 =	sadd.s32 s7, s9  }
0xb: {  	s11 =	sadd.s32 s11, s5;
	s9 =	ssub.s32 s31, s12;
	s12 =	simm.s32 $0x2  }
0xc: {  	v0 =	vmov s18;
	s18 =	sor.u32 $0x1C02, s19;
	s6 =	sshrl.u32 s30, $0x3;
	s8 =	smax.u32 s9, $0x1  }
0xd: {  	s9 =	sadd.s32 $0x5E00, s10;
	s10 =	sadd.s32 $0x36C00, s10;
	s13 =	sadd.s32 s6, s5  }
0xe: {  	s5 =	sadd.s32 $0x67A00, s11;
	s6 =	sadd.s32 s7, s2;
	s11 =	simm.s32 $0xC6A0  }
0xf: {  	s7 =	sadd.s32 $0x146C00, s13;
	s13 =	simm.s32 $0xC380;
	s19 =	sshrl.u32 s6, $0x3  }
.LBB2_1:
0x10: {  	[tilespmem:s11], [sflag:$0x2] =	stream.linear.gather [hbm4b:s5+s3], $0xC380, $0x38;
	[tilespmem:$0x18A20] =	vst v63  }
0x11: {  	_ =	swait.ge [sflag:s12], $0xC380  }
0x12: {  	[sflag:s12] =	ssyncset.done $0x0  }
0x13: {  	[sflag:s12] =	ssyncadd.s32 $0xFFFF3C80  }
0x14: {  	[spmem:s6] =	stream.linear.scatter [tilespmem:s11], [sflag:$0x2], $0xC380, $0x38;
	[tilespmem:$0x18A20] =	vst v63  }
0x15: {  	_ =	swait.ge [sflag:s12], $0xC380  }
0x16: {  	[sflag:s12] =	ssyncset.done $0x0  }
0x17: {  	[sflag:s12] =	ssyncadd.s32 $0xFFFF3C80  }
0x18: {  	s21 =	sadd.s32 $0x0, s10;
	[bflag:$0x0] =	sbarrier.arrive $0xFFFF  }
0x19: {  	[tilespmem:s13], [sflag:$0x2] =	stream.linear.gather [hbm4b:s21+s3], $0x50, $0x38;
	[tilespmem:$0x18A20] =	vst v63  }
0x1a: {  	_ =	swait.ge [sflag:s12], $0x50  }
0x1b: {  	[sflag:s12] =	ssyncset.done $0x0  }
0x1c: {  	s31 =	sadd.s32 $0x0, s9;
	[sflag:s12] =	ssyncadd.s32 $0xFFFFFFB0  }
0x1d: {  	[tilespmem:s14], [sflag:$0x2] =	stream.linear.gather [hbm4b:s31+s3], $0x50, $0x38;
	[tilespmem:$0x18A20] =	vst v63  }
0x1e: {  	_ =	swait.ge [sflag:s12], $0x50  }
0x1f: {  	[sflag:s12] =	ssyncset.done $0x0  }
0x20: {  	[sflag:s12] =	ssyncadd.s32 $0xFFFFFFB0  }
0x21: {  	v1 =	vld [tilespmem:$0xC3C0]  }
0x22: {  	v2 =	vld [tilespmem:$0xC3A0]  }
0x23: {  	v3 =	vld [tilespmem:$0xC3B0]  }
0x24: {  	v4 =	vld [tilespmem:$0xC390]  }
0x25: {  	v5 =	vld [tilespmem:$0xC380]  }
0x26: {  	v1 =	vadd.s32 v0, v1  }
0x27: {  	v2 =	vadd.s32 v0, v2;
	[tilespmem:$0xC3C0] =	vst v1  }
0x28: {  	[tilespmem:$0xC3A0] =	vst v2;
	v1 =	vadd.s32 v0, v3  }
0x29: {  	v2 =	vadd.s32 v0, v4;
	[tilespmem:$0xC3B0] =	vst v1  }
0x2a: {  	v1 =	vadd.s32 v0, v5;
	[tilespmem:$0xC390] =	vst v2  }
0x2b: {  	[tilespmem:$0xC380] =	vst v1  }
0x2c: {  	[tilespmem:s16], [sflag:$0x1] =	stream.indirect.gather [hbm4b:s4+s15], $0x8, s13, s15, $0xb8;
	[tilespmem:$0x18A20] =	vst v63  }
0x2d: {  	_ =	swait.ge [sflag:s17], $0x280  }
0x2e: {  	s21 =	simm.s32 $0xA;
	[sflag:s17] =	ssyncset.done $0x0  }
.LBB2_2:
0x2f: {  	p0 =	sne.s32 s21, $0x30CA  }
0x30: {  	[sflag:s17] =	ssyncadd.s32 $0xFFFFFD80;
	s22 =	smov.u32 s21;
	s21 =	sadd.s32 $0xA, s21  }
0x31: {  	[spmem:s2] =	stream.indirect.scatter.add.f32 [tilespmem:s16], [sflag:$0x2], $0x8, s14, s15, $0xb8;
	[tilespmem:$0x18A20] =	vst v63  }
0x32: {  	_ =	swait.ge [sflag:s12], $0x280  }
0x33: {  	[sflag:s12] =	ssyncset.done $0x0  }
0x34: {  	s23 =	sadd.s32 s22, s10;
	[sflag:s12] =	ssyncadd.s32 $0xFFFFFD80  }
0x35: {  	[tilespmem:s13], [sflag:$0x2] =	stream.linear.gather [hbm4b:s23+s3], $0x50, $0x38;
	[tilespmem:$0x18A20] =	vst v63  }
0x36: {  	_ =	swait.ge [sflag:s12], $0x50  }
0x37: {  	[sflag:s12] =	ssyncset.done $0x0  }
0x38: {  	s22 =	sadd.s32 s22, s9;
	[sflag:s12] =	ssyncadd.s32 $0xFFFFFFB0  }
0x39: {  	[tilespmem:s14], [sflag:$0x2] =	stream.linear.gather [hbm4b:s22+s3], $0x50, $0x38;
	[tilespmem:$0x18A20] =	vst v63  }
0x3a: {  	_ =	swait.ge [sflag:s12], $0x50  }
0x3b: {  	[sflag:s12] =	ssyncset.done $0x0  }
0x3c: {  	[sflag:s12] =	ssyncadd.s32 $0xFFFFFFB0  }
0x3d: {  	v1 =	vld [tilespmem:$0xC3C0]  }
0x3e: {  	v2 =	vld [tilespmem:$0xC3A0]  }
0x3f: {  	v3 =	vld [tilespmem:$0xC3B0]  }
0x40: {  	v4 =	vld [tilespmem:$0xC390]  }
0x41: {  	v5 =	vld [tilespmem:$0xC380]  }
0x42: {  	v1 =	vadd.s32 v0, v1  }
0x43: {  	v2 =	vadd.s32 v0, v2;
	[tilespmem:$0xC3C0] =	vst v1  }
0x44: {  	[tilespmem:$0xC3A0] =	vst v2;
	v1 =	vadd.s32 v0, v3  }
0x45: {  	v2 =	vadd.s32 v0, v4;
	[tilespmem:$0xC3B0] =	vst v1  }
.Ltmp0:
0x46: {  	v1 =	vadd.s32 v0, v5;
	[tilespmem:$0xC390] =	vst v2;
	(pc) =	sbr.rel @p0 .LBB2_2-.Ltmp0, $4  }
0x47: {  	[tilespmem:$0xC380] =	vst v1  }
0x48: {  	[tilespmem:s16], [sflag:$0x1] =	stream.indirect.gather [hbm4b:s4+s15], $0x8, s13, s15, $0xb8;
	[tilespmem:$0x18A20] =	vst v63  }
0x49: {  	_ =	swait.ge [sflag:s17], $0x280  }
0x4a: {  	[sflag:s17] =	ssyncset.done $0x0  }
0x4b: {  	[sflag:s17] =	ssyncadd.s32 $0xFFFFFD80  }
0x4c: {  	[spmem:s2] =	stream.indirect.scatter.add.f32 [tilespmem:s16], [sflag:$0x2], $0x8, s14, s15, $0xb8;
	[tilespmem:$0x18A20] =	vst v63  }
0x4d: {  	_ =	swait.ge [sflag:s12], $0x280  }
0x4e: {  	s20 =	sadd.s32 $0x1, s20;
	[sflag:s12] =	ssyncset.done $0x0  }
0x4f: {  	p0 =	sne.s32 s20, s8;
	[sflag:s12] =	ssyncadd.s32 $0xFFFFFD80  }
.Ltmp1:
0x50: {  	[bflag:$0x0] =	sbarrier.arrive $0xFFFF;
	(pc) =	sbr.rel @p0 .LBB2_1-.Ltmp1, $4  }
0x51: {  	[hbm:s7], [sflag:s18] =	dma.local [spmem:s19], $0x1870  }
0x52: {  	_ =	swait.ge [sflag:s12], $0x1870  }
0x53: {  	[sflag:s12] =	ssyncset.done $0x0  }
0x54: {  	[sflag:s12] =	ssyncadd.s32 $0xFFFFE790  }
0x55: {  	_ =	sfence.sel $0x180000  }
0x56: {  	[bflag:$0x0] =	sbarrier.arrive $0xFFFF  }
0x57: {  	p0 =	sne.s32 s1, $0x0;
	_ =	strace $0x9000004D  }
0x58: {  	s0 =	sadd.s32 @!p0 $0x100000, s0;
	[bflag:$0x2] =	sbarrier.arrive $0xFFFF  }
0x59: {  	[sflag:s0] =	ssyncadd.tile.s32 @!p0 $0x1;
	_ =	shalt  }
.Lfunc_end2:
_tile_overlayer_lowered:
.L_overlay_start_2:
0x5a: {  	(tag) =	ssettag $0x2  }
0x5b: {  	s0 =	rddreg [dreg:$0x0];
	s2 =	stileid.u32  }
0x5c: {  	s1 =	rddreg [dreg:$0x1];
	p0 =	sne.s32 s2, $0x0  }
0x5d: {  	s3 =	rddreg [dreg:$0x2];
	[bflag:$0x3] =	sbarrier.arrive $0xFFFF;
	s2 =	simm.s32 @!p0 $0x1C02  }
0x5e: {  	[timem:s3], [sflag:s2] =	dma.local @!p0 [hbm:s0], s1  }
0x5f: {  	s0 =	simm.s32 @!p0 $0x2  }
0x60: {  	_ =	swait.ge @!p0 [sflag:s0], s1  }
0x61: {  	s1 =	ssub.s32 @!p0 $0x0, s1;
	[sflag:s0] =	ssyncset.done @!p0 $0x0  }
0x62: {  	[sflag:s0] =	ssyncadd.s32 @!p0 s1  }
0x63: {  	[bflag:$0x3] =	sbarrier.arrive $0xFFFF  }
0x64: {  	_ =	shalt  }

// kernel: kernel.18.cloned.1.call-start
scs
__scs_entry_jumppad:
0x0: {  	(pc) =	sbr.rel $0x88, $3  }
0x1: {  	(tag) =	ssettag $0x0;
	lr =	simm.s32 $0x1  }
0x2: {  	[smem:$0x3F90] =	sst lr;
	_ =	strace $0xD0000000  }
0x3: {  	_ = 	snop  }
0x4: {  	_ = 	snop  }
0x5: {  	_ = 	snop  }
0x6: {  	_ = 	snop  }
0x7: {  	_ = 	snop  }
__scs_overlays_trampoline_lowered:
0x8: {  	[smem:$0x3F9F] =	sst s0  }
0x9: {  	[smem:$0x3FA0] =	sst s1  }
0xa: {  	[smem:$0x3FA1] =	sst s2  }
0xb: {  	[smem:$0x3FA2] =	sst s3  }
0xc: {  	[smem:$0x3FA3] =	sst s4  }
0xd: {  	[smem:$0x3FA4] =	sst s5  }
0xe: {  	[smem:$0x3FA5] =	sst s6  }
0xf: {  	[smem:$0x3FA6] =	sst s7  }
0x10: {  	[smem:$0x3FA7] =	sst s8  }
0x11: {  	[smem:$0x3FA8] =	sst s9;
	s0 =	simm.s32 @!p0 $0x0  }
0x12: {  	s1 =	sld [smem:$0x3F8E];
	s0 =	simm.s32 @p0 $0x1  }
0x13: {  	[smem:$0x3FA9] =	sst s0;
	s0 =	simm.s32 @!p1 $0x0  }
0x14: {  	s2 =	sld [smem:$0x3F8D];
	s0 =	simm.s32 @p1 $0x1  }
0x15: {  	[smem:$0x3FAA] =	sst s0;
	s0 =	simm.s32 @!p2 $0x0  }
0x16: {  	s3 =	sld [smem:$0x3FDB];
	s0 =	simm.s32 @p2 $0x1  }
0x17: {  	s4 =	simm.s32 $0x1BF5;
	[smem:$0x3FAC] =	sst s0  }
0x18: {  	s0 =	sld [smem:$0x3F8F];
	_ =	swait.ge [sflag:s4], $0x0  }
0x19: {  	s7 =	sld [smem:$0x3F90]  }
0x1a: {  	s8 =	sadd.s32 $0xFFFFE003, lr  }
0x1b: {  	s9 =	sadd.s32 $0xFFFFFEF7, lr;
	s5 =	simm.s32 $0xFFFFFFFF;
	p2 =	slt.u32 s8, $0xFFFFF086  }
0x1c: {  	p1 =	slt.u32 s9, $0xF7A;
	s5 =	simm.s32 @!p2 $0x0  }
0x1d: {  	s5 =	simm.s32 @p1 $0x1;
	p0 =	seq.s32 s7, s2  }
0x1e: {  	s7 =	smul.u32 @!p0 $0xF7A, s2;
	p2 =	seq.s32 @!p0 s5, $0x0  }
0x1f: {  	s9 =	smul.u32 $0xF7A, s1;
	s8 =	simm.s32 @!p0 $0x1BF5;
	p2 =	por !p2, p0  }
0x20: {  	[sflag:s8] =	ssyncset.s32 @!p0 $0xFFFFF086;
	s6 =	sadd.s32 @!p0 s3, s7;
	s7 =	simm.s32 @!p0 $0x108  }
0x21: {  	s3 =	sadd.s32 s3, s9;
	s6 =	sadd.s32 @!p0 $0x88, s6;
	s7 =	simm.s32 @p2 $0x1082  }
0x22: {  	[simem:s7], [sflag:s8] =	dma.local @!p0 [hbm:s6], $0xF7A  }
0x23: {  	s9 =	sor.u32 $0xD0000000, s2;
	s6 =	simm.s32 $0x108;
	_ =	swait.ge @!p0 [sflag:s8], $0x0  }
0x24: {  	s3 =	sadd.s32 $0x88, s3;
	s6 =	simm.s32 @!p1 $0x1082;
	[sflag:s4] =	ssyncset.s32 $0xFFFFF086  }
0x25: {  	[simem:s6], [sflag:s4] =	dma.local [hbm:s3], $0xF7A  }
0x26: {  	[smem:$0x3F90] =	sst s1;
	(tag) =	ssettag s2;
	_ =	strace s9  }
0x27: {  	s1 =	sld [smem:$0x3FA0]  }
0x28: {  	s2 =	sld [smem:$0x3FA1]  }
0x29: {  	s4 =	sld [smem:$0x3FA3]  }
0x2a: {  	p0 =	seq.s32 s5, $0x0;
	s5 =	sld [smem:$0x3FA4]  }
0x2b: {  	s6 =	sld [smem:$0x3FA5]  }
0x2c: {  	s7 =	sld [smem:$0x3FA6]  }
0x2d: {  	s3 =	simm.s32 $0x108;
	s8 =	sld [smem:$0x3FA7]  }
0x2e: {  	s3 =	simm.s32 @!p0 $0x1082;
	s9 =	sld [smem:$0x3FA8]  }
0x2f: {  	lr =	sadd.s32 s0, s3;
	s0 =	sld [smem:$0x3F9F]  }
0x30: {  	s3 =	sld [smem:$0x3FA2]  }
0x31: {  	[smem:$0x3FAB] =	sst s10  }
0x32: {  	s10 =	sld [smem:$0x3FA9];
	_ =	sdelay $0x3  }
0x33: {  	p0 =	seq.s32 s10, $0x1;
	s10 =	sld [smem:$0x3FAB];
	_ =	sdelay $0x3  }
0x34: {  	[smem:$0x3FAB] =	sst s10  }
0x35: {  	s10 =	sld [smem:$0x3FAA];
	_ =	sdelay $0x3  }
0x36: {  	p1 =	seq.s32 s10, $0x1;
	s10 =	sld [smem:$0x3FAB];
	_ =	sdelay $0x3  }
0x37: {  	[smem:$0x3FAB] =	sst s10  }
0x38: {  	s10 =	sld [smem:$0x3FAC]  }
0x39: {  	_ = 	snop;
	(pc) =	sbr.ind lr, $3  }
0x3a: {  	_ = 	snop  }
0x3b: {  	_ = 	snop  }
0x3c: {  	p2 =	seq.s32 s10, $0x1;
	s10 =	sld [smem:$0x3FAB]  }
0x3d: {  	_ =	shalt  }
0x3e: {  	_ =	shalt  }
0x3f: {  	_ =	shalt  }
0x40: {  	_ =	shalt  }
0x41: {  	_ =	shalt  }
0x42: {  	_ =	shalt  }
0x43: {  	_ =	shalt  }
0x44: {  	_ =	shalt  }
0x45: {  	_ =	shalt  }
0x46: {  	_ =	shalt  }
0x47: {  	_ =	shalt  }
0x48: {  	_ =	shalt  }
0x49: {  	_ =	shalt  }
0x4a: {  	_ =	shalt  }
0x4b: {  	_ =	shalt  }
0x4c: {  	_ =	shalt  }
0x4d: {  	_ =	shalt  }
0x4e: {  	_ =	shalt  }
0x4f: {  	_ =	shalt  }
0x50: {  	_ =	shalt  }
0x51: {  	_ =	shalt  }
0x52: {  	_ =	shalt  }
0x53: {  	_ =	shalt  }
0x54: {  	_ =	shalt  }
0x55: {  	_ =	shalt  }
0x56: {  	_ =	shalt  }
0x57: {  	_ =	shalt  }
0x58: {  	_ =	shalt  }
0x59: {  	_ =	shalt  }
0x5a: {  	_ =	shalt  }
0x5b: {  	_ =	shalt  }
0x5c: {  	_ =	shalt  }
0x5d: {  	_ =	shalt  }
0x5e: {  	_ =	shalt  }
0x5f: {  	_ =	shalt  }
0x60: {  	_ =	shalt  }
0x61: {  	_ =	shalt  }
0x62: {  	_ =	shalt  }
0x63: {  	_ =	shalt  }
0x64: {  	_ =	shalt  }
0x65: {  	_ =	shalt  }
0x66: {  	_ =	shalt  }
0x67: {  	_ =	shalt  }
0x68: {  	_ =	shalt  }
0x69: {  	_ =	shalt  }
0x6a: {  	_ =	shalt  }
0x6b: {  	_ =	shalt  }
0x6c: {  	_ =	shalt  }
0x6d: {  	_ =	shalt  }
0x6e: {  	_ =	shalt  }
0x6f: {  	_ =	shalt  }
0x70: {  	_ =	shalt  }
0x71: {  	_ =	shalt  }
0x72: {  	_ =	shalt  }
0x73: {  	_ =	shalt  }
0x74: {  	_ =	shalt  }
0x75: {  	_ =	shalt  }
0x76: {  	_ =	shalt  }
0x77: {  	_ =	shalt  }
0x78: {  	_ =	shalt  }
0x79: {  	_ =	shalt  }
0x7a: {  	_ =	shalt  }
0x7b: {  	_ =	shalt  }
0x7c: {  	_ =	shalt  }
0x7d: {  	_ =	shalt  }
0x7e: {  	_ =	shalt  }
0x7f: {  	_ =	shalt  }
0x80: {  	_ =	shalt  }
0x81: {  	_ =	shalt  }
0x82: {  	_ =	shalt  }
0x83: {  	_ =	shalt  }
0x84: {  	_ =	shalt  }
0x85: {  	_ =	shalt  }
0x86: {  	_ =	shalt  }
0x87: {  	_ =	shalt  }
.Lfunc_end0:
.L_simem_size_0:
called_computation.3_lowered:
.L_overlay_start_0:
0x88: {  	s2 =	sld [smem:$0x3FD9]  }
0x89: {  	s3 =	sld [smem:$0x3FFE];
	_ =	sdelay $0x1  }
0x8a: {  	s1 =	srdreg.scid  }
0x8b: {  	s0 =	sand.u32 $0x1, s1  }
0x8c: {  	s16 =	sshll.u32 s0, $0xA;
	s2 =	sadd.s32 s3, s2  }
0x8d: {  	s2 =	sadd.s32 s2, s16  }
0x8e: {  	[smem:$0x3FB7] =	sst s2  }
0x8f: {  	_ = 	snop  }
0x90: {  	(tm) =	ssettm $0x1  }
0x91: {  	s17 =	sld [smem:$0x3FFB];
	_ =	sdelay $0x3  }
0x92: {  	_ =	strace s17  }
0x93: {  	s2 =	sld [smem:$0x3FFC];
	_ =	sdelay $0x3  }
0x94: {  	_ =	strace s2  }
0x95: {  	s2 =	sld [smem:$0x3FFD];
	_ =	sdelay $0x3  }
0x96: {  	_ =	strace s2  }
0x97: {  	_ =	strace $0x8FFFFFFF  }
0x98: {  	s18 =	sld [smem:$0x3FDB];
	_ =	sdelay $0x1  }
0x99: {  	s19 =	simm.s32 $_scs_section_size  }
0x9a: {  	s4 =	simm.s32 $_size__tile_overlayer_lowered;
	s5 =	simm.s32 $_tile_overlayer_lowered  }
0x9b: {  	s22 =	simm.s32 $0x1BFF;
	s21 =	sshll.u32 s5, $0x1;
	s2 =	sadd.s32 s19, s18  }
0x9c: {  	s6 =	simm.s32 $0x0;
	s20 =	sshll.u32 s4, $0x1;
	s4 =	sadd.s32 s21, s2  }
0x9d: {  	[timem:s6], [sflag:s22] =	dma.local [hbm:s4], s20  }
0x9e: {  	_ =	swait.ge [sflag:s22], s20  }
0x9f: {  	s3 =	ssub.s32 $0x0, s20;
	[sflag:s22] =	ssyncset.done $0x0  }
0xa0: {  	[sflag:s22] =	ssyncadd.s32 s3;
	_ =	sdelay $0x1  }
0xa1: {  	s23 =	simm.s32 $0x1B8B  }
0xa2: {  	_ =	swait.ge [sflag:s23], $0x1  }
0xa3: {  	[sflag:s23] =	ssyncset.done $0x0  }
0xa4: {  	s25 =	simm.s32 $0x1B8E;
	s24 =	sld [smem:$0x3FFE];
	[sflag:s23] =	ssyncadd.s32 $0xFFFFFFFF  }
0xa5: {  	s26 =	simm.s32 $execute0_lowered;
	[smem:$0x3FD2] =	sst s25  }
0xa6: {  	s4 =	sshll.u32 s26, $0x1;
	_ =	strace $0x8000004F;
	[dreg:$0x1] =	wrdreg $0xFFFFFFFF  }
0xa7: {  	s28 =	simm.s32 $_size_execute0_lowered;
	s2 =	sadd.s32 s2, s4;
	[dreg:$0x0] =	wrdreg $0x0  }
0xa8: {  	s4 =	sshll.u32 s28, $0x1;
	[dreg:$0x2] =	wrdreg s2  }
0xa9: {  	[dreg:$0x3] =	wrdreg s4  }
0xaa: {  	[dreg:$0x4] =	wrdreg $0xC0  }
0xab: {  	_ =	task [dreg:s6], $0x5FFFF  }
0xac: {  	[dreg:$0x1] =	wrdreg $0xFFFFFFFF  }
0xad: {  	[dreg:$0x0] =	wrdreg $0x60  }
0xae: {  	[dreg:$0x2] =	wrdreg s24  }
0xaf: {  	[dreg:$0x3] =	wrdreg $0x0  }
0xb0: {  	[dreg:$0x4] =	wrdreg $0x9  }
0xb1: {  	_ =	task.clear_ibuf [dreg:s6], $0x5FFFF;
	_ =	strace $0x9000004F  }
0xb2: {  	s29 =	simm.s32 $0x9;
	_ =	strace $0x80000051  }
0xb3: {  	_ =	swait.ge [sflag:s29], $0x1  }
0xb4: {  	[sflag:s29] =	ssyncadd.s32 $0xFFFFFFFF  }
0xb5: {  	_ =	strace $0x90000051  }
0xb6: {  	_ =	sfence  }
0xb7: {  	s30 =	sld [smem:$0x0];
	_ =	sdelay $0x2  }
0xb8: {  	s31 =	sshll.u32 s1, $0xD;
	s1 =	sshrl.u32 s1, $0x2  }
0xb9: {  	s3 =	sand.u32 $0x4000, s31;
	s1 =	sadd.s32 s1, s30  }
0xba: {  	s0 =	sor.u32 s3, s0;
	s1 =	sshll.u32 s1, $0x11  }
0xbb: {  	s0 =	sor.u32 s1, s0  }
0xbc: {  	s0 =	sadd.s32 $0x8F2B, s0  }
0xbd: {  	[sflag:s0] =	ssyncadd.remote.s32 $0x1  }
0xbe: {  	_ =	sfence.sel $0xFFFF  }
0xbf: {  	[dreg:$0x0] =	wrdreg $0xFFFFFFFF;
	(pc) =	sbr.abs _section_cstart, $3  }
0xc0: {  	[dreg:$0x1] =	wrdreg $0xFFFFFFFF  }
0xc1: {  	_ =	task.clear_ibuf [dreg:s6], $0x2FFFF;
	_ =	strace $0x9FFFFFFF  }
0xc2: {  	(tm) =	ssettm $0x7FFFFFFF  }
0xc3: {  	_ =	shalt  }
tec
execute0_lowered:
.L_overlay_start_1:
0x0: {  	(tag) =	ssettag $0x1  }
0x1: {  	s5 =	rddreg [dreg:$0x0]  }
0x2: {  	s2 =	rddreg [dreg:$0x1]  }
0x3: {  	s0 =	rddreg [dreg:$0x2];
	s1 =	stileid.u32  }
0x4: {  	s4 =	srdreg.scid;
	s3 =	simm.s32 $0x0;
	s14 =	simm.s32 $0xC3D0  }
0x5: {  	s15 =	simm.s32 $0x50;
	s16 =	simm.s32 $0xC420;
	s6 =	smul.u32 $0x30D4, s1  }
0x6: {  	s17 =	simm.s32 $0x1;
	s20 =	simm.s32 $0x0;
	s7 =	smul.u32 $0xC380, s1  }
0x7: {  	s8 =	sand.u32 $0x1, s4;
	[smem:$0x7FF] =	sst s3;
	s4 =	sadd.s32 $0x3F2400, s5  }
0x8: {  	s19 =	sshll.u32 s1, $0x6;
	s9 =	smul.u32 $0xC3800, s8;
	_ =	strace $0x80000050  }
0x9: {  	s31 =	ssub.s32 $0x2, s8;
	s18 =	smul.u32 $0x186A0, s8;
	s10 =	sadd.s32 s6, s5  }
0xa: {  	s11 =	sshrl.u32 s7, $0x3;
	s12 =	sshrl.u32 s31, $0x1;
	s30 =	sadd.s32 s7, s9  }
0xb: {  	s11 =	sadd.s32 s11, s5;
	s9 =	ssub.s32 s31, s12;
	s12 =	simm.s32 $0x2  }
0xc: {  	v0 =	vmov s18;
	s18 =	sor.u32 $0x1C02, s19;
	s6 =	sshrl.u32 s30, $0x3;
	s8 =	smax.u32 s9, $0x1  }
0xd: {  	s9 =	sadd.s32 $0x5E00, s10;
	s10 =	sadd.s32 $0x36C00, s10;
	s13 =	sadd.s32 s6, s5  }
0xe: {  	s5 =	sadd.s32 $0x67A00, s11;
	s6 =	sadd.s32 s7, s2;
	s11 =	simm.s32 $0xC6A0  }
0xf: {  	s7 =	sadd.s32 $0xE5000, s13;
	s13 =	simm.s32 $0xC380;
	s19 =	sshrl.u32 s6, $0x3  }
.LBB2_1:
0x10: {  	[tilespmem:s11], [sflag:$0x2] =	stream.linear.gather [hbm4b:s5+s3], $0xC380, $0x38;
	[tilespmem:$0x18A20] =	vst v63  }
0x11: {  	_ =	swait.ge [sflag:s12], $0xC380  }
0x12: {  	[sflag:s12] =	ssyncset.done $0x0  }
0x13: {  	[sflag:s12] =	ssyncadd.s32 $0xFFFF3C80  }
0x14: {  	[spmem:s6] =	stream.linear.scatter [tilespmem:s11], [sflag:$0x2], $0xC380, $0x38;
	[tilespmem:$0x18A20] =	vst v63  }
0x15: {  	_ =	swait.ge [sflag:s12], $0xC380  }
0x16: {  	[sflag:s12] =	ssyncset.done $0x0  }
0x17: {  	[sflag:s12] =	ssyncadd.s32 $0xFFFF3C80  }
0x18: {  	s21 =	sadd.s32 $0x0, s10;
	[bflag:$0x0] =	sbarrier.arrive $0xFFFF  }
0x19: {  	[tilespmem:s13], [sflag:$0x2] =	stream.linear.gather [hbm4b:s21+s3], $0x50, $0x38;
	[tilespmem:$0x18A20] =	vst v63  }
0x1a: {  	_ =	swait.ge [sflag:s12], $0x50  }
0x1b: {  	[sflag:s12] =	ssyncset.done $0x0  }
0x1c: {  	s31 =	sadd.s32 $0x0, s9;
	[sflag:s12] =	ssyncadd.s32 $0xFFFFFFB0  }
0x1d: {  	[tilespmem:s14], [sflag:$0x2] =	stream.linear.gather [hbm4b:s31+s3], $0x50, $0x38;
	[tilespmem:$0x18A20] =	vst v63  }
0x1e: {  	_ =	swait.ge [sflag:s12], $0x50  }
0x1f: {  	[sflag:s12] =	ssyncset.done $0x0  }
0x20: {  	[sflag:s12] =	ssyncadd.s32 $0xFFFFFFB0  }
0x21: {  	v1 =	vld [tilespmem:$0xC3C0]  }
0x22: {  	v2 =	vld [tilespmem:$0xC3A0]  }
0x23: {  	v3 =	vld [tilespmem:$0xC3B0]  }
0x24: {  	v4 =	vld [tilespmem:$0xC390]  }
0x25: {  	v5 =	vld [tilespmem:$0xC380]  }
0x26: {  	v1 =	vadd.s32 v0, v1  }
0x27: {  	v2 =	vadd.s32 v0, v2;
	[tilespmem:$0xC3C0] =	vst v1  }
0x28: {  	[tilespmem:$0xC3A0] =	vst v2;
	v1 =	vadd.s32 v0, v3  }
0x29: {  	v2 =	vadd.s32 v0, v4;
	[tilespmem:$0xC3B0] =	vst v1  }
0x2a: {  	v1 =	vadd.s32 v0, v5;
	[tilespmem:$0xC390] =	vst v2  }
0x2b: {  	[tilespmem:$0xC380] =	vst v1  }
0x2c: {  	[tilespmem:s16], [sflag:$0x1] =	stream.indirect.gather [hbm4b:s4+s15], $0x8, s13, s15, $0xb8;
	[tilespmem:$0x18A20] =	vst v63  }
0x2d: {  	_ =	swait.ge [sflag:s17], $0x280  }
0x2e: {  	s21 =	simm.s32 $0xA;
	[sflag:s17] =	ssyncset.done $0x0  }
.LBB2_2:
0x2f: {  	p0 =	sne.s32 s21, $0x30CA  }
0x30: {  	[sflag:s17] =	ssyncadd.s32 $0xFFFFFD80;
	s22 =	smov.u32 s21;
	s21 =	sadd.s32 $0xA, s21  }
0x31: {  	[spmem:s2] =	stream.indirect.scatter.add.f32 [tilespmem:s16], [sflag:$0x2], $0x8, s14, s15, $0xb8;
	[tilespmem:$0x18A20] =	vst v63  }
0x32: {  	_ =	swait.ge [sflag:s12], $0x280  }
0x33: {  	[sflag:s12] =	ssyncset.done $0x0  }
0x34: {  	s23 =	sadd.s32 s22, s10;
	[sflag:s12] =	ssyncadd.s32 $0xFFFFFD80  }
0x35: {  	[tilespmem:s13], [sflag:$0x2] =	stream.linear.gather [hbm4b:s23+s3], $0x50, $0x38;
	[tilespmem:$0x18A20] =	vst v63  }
0x36: {  	_ =	swait.ge [sflag:s12], $0x50  }
0x37: {  	[sflag:s12] =	ssyncset.done $0x0  }
0x38: {  	s22 =	sadd.s32 s22, s9;
	[sflag:s12] =	ssyncadd.s32 $0xFFFFFFB0  }
0x39: {  	[tilespmem:s14], [sflag:$0x2] =	stream.linear.gather [hbm4b:s22+s3], $0x50, $0x38;
	[tilespmem:$0x18A20] =	vst v63  }
0x3a: {  	_ =	swait.ge [sflag:s12], $0x50  }
0x3b: {  	[sflag:s12] =	ssyncset.done $0x0  }
0x3c: {  	[sflag:s12] =	ssyncadd.s32 $0xFFFFFFB0  }
0x3d: {  	v1 =	vld [tilespmem:$0xC3C0]  }
0x3e: {  	v2 =	vld [tilespmem:$0xC3A0]  }
0x3f: {  	v3 =	vld [tilespmem:$0xC3B0]  }
0x40: {  	v4 =	vld [tilespmem:$0xC390]  }
0x41: {  	v5 =	vld [tilespmem:$0xC380]  }
0x42: {  	v1 =	vadd.s32 v0, v1  }
0x43: {  	v2 =	vadd.s32 v0, v2;
	[tilespmem:$0xC3C0] =	vst v1  }
0x44: {  	[tilespmem:$0xC3A0] =	vst v2;
	v1 =	vadd.s32 v0, v3  }
0x45: {  	v2 =	vadd.s32 v0, v4;
	[tilespmem:$0xC3B0] =	vst v1  }
.Ltmp0:
0x46: {  	v1 =	vadd.s32 v0, v5;
	[tilespmem:$0xC390] =	vst v2;
	(pc) =	sbr.rel @p0 .LBB2_2-.Ltmp0, $4  }
0x47: {  	[tilespmem:$0xC380] =	vst v1  }
0x48: {  	[tilespmem:s16], [sflag:$0x1] =	stream.indirect.gather [hbm4b:s4+s15], $0x8, s13, s15, $0xb8;
	[tilespmem:$0x18A20] =	vst v63  }
0x49: {  	_ =	swait.ge [sflag:s17], $0x280  }
0x4a: {  	[sflag:s17] =	ssyncset.done $0x0  }
0x4b: {  	[sflag:s17] =	ssyncadd.s32 $0xFFFFFD80  }
0x4c: {  	[spmem:s2] =	stream.indirect.scatter.add.f32 [tilespmem:s16], [sflag:$0x2], $0x8, s14, s15, $0xb8;
	[tilespmem:$0x18A20] =	vst v63  }
0x4d: {  	_ =	swait.ge [sflag:s12], $0x280  }
0x4e: {  	s20 =	sadd.s32 $0x1, s20;
	[sflag:s12] =	ssyncset.done $0x0  }
0x4f: {  	p0 =	sne.s32 s20, s8;
	[sflag:s12] =	ssyncadd.s32 $0xFFFFFD80  }
.Ltmp1:
0x50: {  	[bflag:$0x0] =	sbarrier.arrive $0xFFFF;
	(pc) =	sbr.rel @p0 .LBB2_1-.Ltmp1, $4  }
0x51: {  	[hbm:s7], [sflag:s18] =	dma.local [spmem:s19], $0x1870  }
0x52: {  	_ =	swait.ge [sflag:s12], $0x1870  }
0x53: {  	[sflag:s12] =	ssyncset.done $0x0  }
0x54: {  	[sflag:s12] =	ssyncadd.s32 $0xFFFFE790  }
0x55: {  	_ =	sfence.sel $0x180000  }
0x56: {  	[bflag:$0x0] =	sbarrier.arrive $0xFFFF  }
0x57: {  	p0 =	sne.s32 s1, $0x0;
	_ =	strace $0x90000050  }
0x58: {  	s0 =	sadd.s32 @!p0 $0x100000, s0;
	[bflag:$0x2] =	sbarrier.arrive $0xFFFF  }
0x59: {  	[sflag:s0] =	ssyncadd.tile.s32 @!p0 $0x1;
	_ =	shalt  }
.Lfunc_end2:
_tile_overlayer_lowered:
.L_overlay_start_2:
0x5a: {  	(tag) =	ssettag $0x2  }
0x5b: {  	s0 =	rddreg [dreg:$0x0];
	s2 =	stileid.u32  }
0x5c: {  	s1 =	rddreg [dreg:$0x1];
	p0 =	sne.s32 s2, $0x0  }
0x5d: {  	s3 =	rddreg [dreg:$0x2];
	[bflag:$0x3] =	sbarrier.arrive $0xFFFF;
	s2 =	simm.s32 @!p0 $0x1C02  }
0x5e: {  	[timem:s3], [sflag:s2] =	dma.local @!p0 [hbm:s0], s1  }
0x5f: {  	s0 =	simm.s32 @!p0 $0x2  }
0x60: {  	_ =	swait.ge @!p0 [sflag:s0], s1  }
0x61: {  	s1 =	ssub.s32 @!p0 $0x0, s1;
	[sflag:s0] =	ssyncset.done @!p0 $0x0  }
0x62: {  	[sflag:s0] =	ssyncadd.s32 @!p0 s1  }
0x63: {  	[bflag:$0x3] =	sbarrier.arrive $0xFFFF  }
0x64: {  	_ =	shalt  }

// kernel: kernel.21.cloned.1.call-start
scs
__scs_entry_jumppad:
0x0: {  	(pc) =	sbr.rel $0x88, $3  }
0x1: {  	(tag) =	ssettag $0x0;
	lr =	simm.s32 $0x1  }
0x2: {  	[smem:$0x3F90] =	sst lr;
	_ =	strace $0xD0000000  }
0x3: {  	_ = 	snop  }
0x4: {  	_ = 	snop  }
0x5: {  	_ = 	snop  }
0x6: {  	_ = 	snop  }
0x7: {  	_ = 	snop  }
__scs_overlays_trampoline_lowered:
0x8: {  	[smem:$0x3F9F] =	sst s0  }
0x9: {  	[smem:$0x3FA0] =	sst s1  }
0xa: {  	[smem:$0x3FA1] =	sst s2  }
0xb: {  	[smem:$0x3FA2] =	sst s3  }
0xc: {  	[smem:$0x3FA3] =	sst s4  }
0xd: {  	[smem:$0x3FA4] =	sst s5  }
0xe: {  	[smem:$0x3FA5] =	sst s6  }
0xf: {  	[smem:$0x3FA6] =	sst s7  }
0x10: {  	[smem:$0x3FA7] =	sst s8  }
0x11: {  	[smem:$0x3FA8] =	sst s9;
	s0 =	simm.s32 @!p0 $0x0  }
0x12: {  	s1 =	sld [smem:$0x3F8E];
	s0 =	simm.s32 @p0 $0x1  }
0x13: {  	[smem:$0x3FA9] =	sst s0;
	s0 =	simm.s32 @!p1 $0x0  }
0x14: {  	s2 =	sld [smem:$0x3F8D];
	s0 =	simm.s32 @p1 $0x1  }
0x15: {  	[smem:$0x3FAA] =	sst s0;
	s0 =	simm.s32 @!p2 $0x0  }
0x16: {  	s3 =	sld [smem:$0x3FDB];
	s0 =	simm.s32 @p2 $0x1  }
0x17: {  	s4 =	simm.s32 $0x1BF5;
	[smem:$0x3FAC] =	sst s0  }
0x18: {  	s0 =	sld [smem:$0x3F8F];
	_ =	swait.ge [sflag:s4], $0x0  }
0x19: {  	s7 =	sld [smem:$0x3F90]  }
0x1a: {  	s8 =	sadd.s32 $0xFFFFE003, lr  }
0x1b: {  	s9 =	sadd.s32 $0xFFFFFEF7, lr;
	s5 =	simm.s32 $0xFFFFFFFF;
	p2 =	slt.u32 s8, $0xFFFFF086  }
0x1c: {  	p1 =	slt.u32 s9, $0xF7A;
	s5 =	simm.s32 @!p2 $0x0  }
0x1d: {  	s5 =	simm.s32 @p1 $0x1;
	p0 =	seq.s32 s7, s2  }
0x1e: {  	s7 =	smul.u32 @!p0 $0xF7A, s2;
	p2 =	seq.s32 @!p0 s5, $0x0  }
0x1f: {  	s9 =	smul.u32 $0xF7A, s1;
	s8 =	simm.s32 @!p0 $0x1BF5;
	p2 =	por !p2, p0  }
0x20: {  	[sflag:s8] =	ssyncset.s32 @!p0 $0xFFFFF086;
	s6 =	sadd.s32 @!p0 s3, s7;
	s7 =	simm.s32 @!p0 $0x108  }
0x21: {  	s3 =	sadd.s32 s3, s9;
	s6 =	sadd.s32 @!p0 $0x88, s6;
	s7 =	simm.s32 @p2 $0x1082  }
0x22: {  	[simem:s7], [sflag:s8] =	dma.local @!p0 [hbm:s6], $0xF7A  }
0x23: {  	s9 =	sor.u32 $0xD0000000, s2;
	s6 =	simm.s32 $0x108;
	_ =	swait.ge @!p0 [sflag:s8], $0x0  }
0x24: {  	s3 =	sadd.s32 $0x88, s3;
	s6 =	simm.s32 @!p1 $0x1082;
	[sflag:s4] =	ssyncset.s32 $0xFFFFF086  }
0x25: {  	[simem:s6], [sflag:s4] =	dma.local [hbm:s3], $0xF7A  }
0x26: {  	[smem:$0x3F90] =	sst s1;
	(tag) =	ssettag s2;
	_ =	strace s9  }
0x27: {  	s1 =	sld [smem:$0x3FA0]  }
0x28: {  	s2 =	sld [smem:$0x3FA1]  }
0x29: {  	s4 =	sld [smem:$0x3FA3]  }
0x2a: {  	p0 =	seq.s32 s5, $0x0;
	s5 =	sld [smem:$0x3FA4]  }
0x2b: {  	s6 =	sld [smem:$0x3FA5]  }
0x2c: {  	s7 =	sld [smem:$0x3FA6]  }
0x2d: {  	s3 =	simm.s32 $0x108;
	s8 =	sld [smem:$0x3FA7]  }
0x2e: {  	s3 =	simm.s32 @!p0 $0x1082;
	s9 =	sld [smem:$0x3FA8]  }
0x2f: {  	lr =	sadd.s32 s0, s3;
	s0 =	sld [smem:$0x3F9F]  }
0x30: {  	s3 =	sld [smem:$0x3FA2]  }
0x31: {  	[smem:$0x3FAB] =	sst s10  }
0x32: {  	s10 =	sld [smem:$0x3FA9];
	_ =	sdelay $0x3  }
0x33: {  	p0 =	seq.s32 s10, $0x1;
	s10 =	sld [smem:$0x3FAB];
	_ =	sdelay $0x3  }
0x34: {  	[smem:$0x3FAB] =	sst s10  }
0x35: {  	s10 =	sld [smem:$0x3FAA];
	_ =	sdelay $0x3  }
0x36: {  	p1 =	seq.s32 s10, $0x1;
	s10 =	sld [smem:$0x3FAB];
	_ =	sdelay $0x3  }
0x37: {  	[smem:$0x3FAB] =	sst s10  }
0x38: {  	s10 =	sld [smem:$0x3FAC]  }
0x39: {  	_ = 	snop;
	(pc) =	sbr.ind lr, $3  }
0x3a: {  	_ = 	snop  }
0x3b: {  	_ = 	snop  }
0x3c: {  	p2 =	seq.s32 s10, $0x1;
	s10 =	sld [smem:$0x3FAB]  }
0x3d: {  	_ =	shalt  }
0x3e: {  	_ =	shalt  }
0x3f: {  	_ =	shalt  }
0x40: {  	_ =	shalt  }
0x41: {  	_ =	shalt  }
0x42: {  	_ =	shalt  }
0x43: {  	_ =	shalt  }
0x44: {  	_ =	shalt  }
0x45: {  	_ =	shalt  }
0x46: {  	_ =	shalt  }
0x47: {  	_ =	shalt  }
0x48: {  	_ =	shalt  }
0x49: {  	_ =	shalt  }
0x4a: {  	_ =	shalt  }
0x4b: {  	_ =	shalt  }
0x4c: {  	_ =	shalt  }
0x4d: {  	_ =	shalt  }
0x4e: {  	_ =	shalt  }
0x4f: {  	_ =	shalt  }
0x50: {  	_ =	shalt  }
0x51: {  	_ =	shalt  }
0x52: {  	_ =	shalt  }
0x53: {  	_ =	shalt  }
0x54: {  	_ =	shalt  }
0x55: {  	_ =	shalt  }
0x56: {  	_ =	shalt  }
0x57: {  	_ =	shalt  }
0x58: {  	_ =	shalt  }
0x59: {  	_ =	shalt  }
0x5a: {  	_ =	shalt  }
0x5b: {  	_ =	shalt  }
0x5c: {  	_ =	shalt  }
0x5d: {  	_ =	shalt  }
0x5e: {  	_ =	shalt  }
0x5f: {  	_ =	shalt  }
0x60: {  	_ =	shalt  }
0x61: {  	_ =	shalt  }
0x62: {  	_ =	shalt  }
0x63: {  	_ =	shalt  }
0x64: {  	_ =	shalt  }
0x65: {  	_ =	shalt  }
0x66: {  	_ =	shalt  }
0x67: {  	_ =	shalt  }
0x68: {  	_ =	shalt  }
0x69: {  	_ =	shalt  }
0x6a: {  	_ =	shalt  }
0x6b: {  	_ =	shalt  }
0x6c: {  	_ =	shalt  }
0x6d: {  	_ =	shalt  }
0x6e: {  	_ =	shalt  }
0x6f: {  	_ =	shalt  }
0x70: {  	_ =	shalt  }
0x71: {  	_ =	shalt  }
0x72: {  	_ =	shalt  }
0x73: {  	_ =	shalt  }
0x74: {  	_ =	shalt  }
0x75: {  	_ =	shalt  }
0x76: {  	_ =	shalt  }
0x77: {  	_ =	shalt  }
0x78: {  	_ =	shalt  }
0x79: {  	_ =	shalt  }
0x7a: {  	_ =	shalt  }
0x7b: {  	_ =	shalt  }
0x7c: {  	_ =	shalt  }
0x7d: {  	_ =	shalt  }
0x7e: {  	_ =	shalt  }
0x7f: {  	_ =	shalt  }
0x80: {  	_ =	shalt  }
0x81: {  	_ =	shalt  }
0x82: {  	_ =	shalt  }
0x83: {  	_ =	shalt  }
0x84: {  	_ =	shalt  }
0x85: {  	_ =	shalt  }
0x86: {  	_ =	shalt  }
0x87: {  	_ =	shalt  }
.Lfunc_end0:
.L_simem_size_0:
called_computation.4_lowered:
.L_overlay_start_0:
0x88: {  	s2 =	sld [smem:$0x3FD9]  }
0x89: {  	s3 =	sld [smem:$0x3FFE];
	_ =	sdelay $0x1  }
0x8a: {  	s1 =	srdreg.scid  }
0x8b: {  	s0 =	sand.u32 $0x1, s1  }
0x8c: {  	s17 =	sshll.u32 s0, $0xA;
	s2 =	sadd.s32 s3, s2  }
0x8d: {  	s2 =	sadd.s32 s2, s17  }
0x8e: {  	[smem:$0x3FB7] =	sst s2  }
0x8f: {  	_ = 	snop  }
0x90: {  	(tm) =	ssettm $0x1  }
0x91: {  	s18 =	sld [smem:$0x3FFB];
	_ =	sdelay $0x3  }
0x92: {  	_ =	strace s18  }
0x93: {  	s2 =	sld [smem:$0x3FFC];
	_ =	sdelay $0x3  }
0x94: {  	_ =	strace s2  }
0x95: {  	s2 =	sld [smem:$0x3FFD];
	_ =	sdelay $0x3  }
0x96: {  	_ =	strace s2  }
0x97: {  	_ =	strace $0x8FFFFFFF  }
0x98: {  	s19 =	sld [smem:$0x3FDB];
	_ =	sdelay $0x1  }
0x99: {  	s20 =	simm.s32 $_scs_section_size  }
0x9a: {  	s4 =	simm.s32 $_size__tile_overlayer_lowered;
	s5 =	simm.s32 $_tile_overlayer_lowered  }
0x9b: {  	s6 =	simm.s32 $0x1BFF;
	s21 =	sshll.u32 s5, $0x1;
	s3 =	sadd.s32 s20, s19  }
0x9c: {  	s22 =	simm.s32 $0x0;
	s4 =	sshll.u32 s4, $0x1;
	s5 =	sadd.s32 s21, s3  }
0x9d: {  	[timem:s22], [sflag:s6] =	dma.local [hbm:s5], s4  }
0x9e: {  	_ =	swait.ge [sflag:s6], s4  }
0x9f: {  	s4 =	ssub.s32 $0x0, s4;
	[sflag:s6] =	ssyncset.done $0x0  }
0xa0: {  	[sflag:s6] =	ssyncadd.s32 s4;
	_ =	sdelay $0x1  }
0xa1: {  	s23 =	simm.s32 $0x1B8B  }
0xa2: {  	_ =	swait.ge [sflag:s23], $0x1  }
0xa3: {  	[sflag:s23] =	ssyncset.done $0x0  }
0xa4: {  	[sflag:s23] =	ssyncadd.s32 $0xFFFFFFFF  }
0xa5: {  	s4 =	sld [smem:$0x0]  }
0xa6: {  	s5 =	sand.u32 $0xFFFFFFFE, s1  }
0xa7: {  	p0 =	sne.s32 s1, s5  }
0xa8: {  	s5 =	sshll.u32 @p0 s5, $0xE  }
0xa9: {  	s5 =	sadd.s32 @p0 $0x11B8D, s5;
	s6 =	sshll.u32 @p0 s4, $0x11  }
0xaa: {  	s5 =	sor.u32 @p0 s6, s5  }
0xab: {  	[sflag:s5] =	ssyncadd.remote.s32 @p0 $0x1;
	_ =	sdelay $0x1  }
0xac: {  	s5 =	simm.s32 @p0 $0x1B8D  }
0xad: {  	_ =	swait.eq @p0 [sflag:s5], $0x1  }
0xae: {  	[sflag:s5] =	ssyncadd.s32 @p0 $0xFFFFFFFF  }
0xaf: {  	s6 =	sshll.u32 @!p0 s1, $0xE  }
0xb0: {  	s6 =	sor.u32 @!p0 $0x4000, s6;
	s5 =	simm.s32 @!p0 $0x1B8D  }
0xb1: {  	s4 =	sshll.u32 @!p0 s4, $0x11;
	s6 =	sadd.s32 @!p0 $0x11B8D, s6;
	_ =	swait.eq @!p0 [sflag:s5], $0x1  }
0xb2: {  	s4 =	sor.u32 @!p0 s4, s6;
	[sflag:s5] =	ssyncadd.s32 @!p0 $0xFFFFFFFF  }
0xb3: {  	s25 =	simm.s32 $0x1B8E;
	s24 =	sld [smem:$0x3FFE];
	[sflag:s4] =	ssyncadd.remote.s32 @!p0 $0x1  }
0xb4: {  	s26 =	simm.s32 $execute0_lowered;
	[smem:$0x3FD2] =	sst s25  }
0xb5: {  	s5 =	sshll.u32 s26, $0x1;
	_ =	strace $0x80000052;
	[dreg:$0x1] =	wrdreg $0xFFFFFFFF  }
0xb6: {  	s28 =	simm.s32 $_size_execute0_lowered;
	s3 =	sadd.s32 s3, s5;
	[dreg:$0x0] =	wrdreg $0x0  }
0xb7: {  	s5 =	sshll.u32 s28, $0x1;
	[dreg:$0x2] =	wrdreg s3  }
0xb8: {  	[dreg:$0x3] =	wrdreg s5  }
0xb9: {  	[dreg:$0x4] =	wrdreg $0xC0  }
0xba: {  	_ =	task [dreg:s22], $0x5FFFF  }
0xbb: {  	[dreg:$0x1] =	wrdreg $0xFFFFFFFF  }
0xbc: {  	[dreg:$0x0] =	wrdreg $0x60  }
0xbd: {  	[dreg:$0x2] =	wrdreg s24  }
0xbe: {  	[dreg:$0x3] =	wrdreg $0x0  }
0xbf: {  	[dreg:$0x4] =	wrdreg $0xA  }
0xc0: {  	_ =	task.clear_ibuf [dreg:s22], $0x5FFFF;
	_ =	strace $0x90000052  }
0xc1: {  	s29 =	simm.s32 $0xA;
	_ =	strace $0x80000054  }
0xc2: {  	_ =	swait.ge [sflag:s29], $0x1  }
0xc3: {  	[sflag:s29] =	ssyncadd.s32 $0xFFFFFFFF  }
0xc4: {  	_ =	strace $0x90000054  }
0xc5: {  	_ =	sfence  }
0xc6: {  	s30 =	sld [smem:$0x0];
	_ =	sdelay $0x2  }
0xc7: {  	s31 =	sshll.u32 s1, $0xD;
	s1 =	sshrl.u32 s1, $0x2  }
0xc8: {  	s4 =	sand.u32 $0x4000, s31;
	s1 =	sadd.s32 s1, s30  }
0xc9: {  	s0 =	sor.u32 s4, s0;
	s1 =	sshll.u32 s1, $0x11  }
0xca: {  	s0 =	sor.u32 s1, s0  }
0xcb: {  	s0 =	sadd.s32 $0x8F2B, s0  }
0xcc: {  	[sflag:s0] =	ssyncadd.remote.s32 $0x1  }
0xcd: {  	_ =	sfence.sel $0xFFFF  }
0xce: {  	[dreg:$0x0] =	wrdreg $0xFFFFFFFF;
	(pc) =	sbr.abs _section_cstart, $3  }
0xcf: {  	[dreg:$0x1] =	wrdreg $0xFFFFFFFF  }
0xd0: {  	_ =	task.clear_ibuf [dreg:s22], $0x2FFFF;
	_ =	strace $0x9FFFFFFF  }
0xd1: {  	(tm) =	ssettm $0x7FFFFFFF  }
tec
execute0_lowered:
.L_overlay_start_1:
0x0: {  	(tag) =	ssettag $0x1  }
0x1: {  	s5 =	rddreg [dreg:$0x0]  }
0x2: {  	s2 =	rddreg [dreg:$0x1]  }
0x3: {  	s0 =	rddreg [dreg:$0x2];
	s1 =	stileid.u32  }
0x4: {  	s4 =	srdreg.scid;
	s3 =	simm.s32 $0x0;
	s14 =	simm.s32 $0xC3D0  }
0x5: {  	s15 =	simm.s32 $0x50;
	s16 =	simm.s32 $0xC420;
	s6 =	smul.u32 $0x30D4, s1  }
0x6: {  	s17 =	simm.s32 $0x1;
	s20 =	simm.s32 $0x0;
	s7 =	smul.u32 $0xC380, s1  }
0x7: {  	s8 =	sand.u32 $0x1, s4;
	[smem:$0x7FF] =	sst s3;
	s4 =	sadd.s32 $0x115E00, s5  }
0x8: {  	s19 =	sshll.u32 s1, $0x6;
	s9 =	smul.u32 $0xC3800, s8;
	_ =	strace $0x80000053  }
0x9: {  	s31 =	ssub.s32 $0x2, s8;
	s18 =	smul.u32 $0x186A0, s8;
	s10 =	sadd.s32 s6, s5  }
0xa: {  	s11 =	sshrl.u32 s7, $0x3;
	s12 =	sshrl.u32 s31, $0x1;
	s30 =	sadd.s32 s7, s9  }
0xb: {  	s11 =	sadd.s32 s11, s5;
	s9 =	ssub.s32 s31, s12;
	s12 =	simm.s32 $0x2  }
0xc: {  	v0 =	vmov s18;
	s18 =	sor.u32 $0x1C02, s19;
	s6 =	sshrl.u32 s30, $0x3;
	s8 =	smax.u32 s9, $0x1  }
0xd: {  	s9 =	sadd.s32 $0x5E00, s10;
	s10 =	sadd.s32 $0x36C00, s10;
	s13 =	sadd.s32 s6, s5  }
0xe: {  	s5 =	sadd.s32 $0x67A00, s11;
	s6 =	sadd.s32 s7, s2;
	s11 =	simm.s32 $0xC6A0  }
0xf: {  	s7 =	sadd.s32 $0x146C00, s13;
	s13 =	simm.s32 $0xC380;
	s19 =	sshrl.u32 s6, $0x3  }
.LBB2_1:
0x10: {  	[tilespmem:s11], [sflag:$0x2] =	stream.linear.gather [hbm4b:s5+s3], $0xC380, $0x38;
	[tilespmem:$0x18A20] =	vst v63  }
0x11: {  	_ =	swait.ge [sflag:s12], $0xC380  }
0x12: {  	[sflag:s12] =	ssyncset.done $0x0  }
0x13: {  	[sflag:s12] =	ssyncadd.s32 $0xFFFF3C80  }
0x14: {  	[spmem:s6] =	stream.linear.scatter [tilespmem:s11], [sflag:$0x2], $0xC380, $0x38;
	[tilespmem:$0x18A20] =	vst v63  }
0x15: {  	_ =	swait.ge [sflag:s12], $0xC380  }
0x16: {  	[sflag:s12] =	ssyncset.done $0x0  }
0x17: {  	[sflag:s12] =	ssyncadd.s32 $0xFFFF3C80  }
0x18: {  	s21 =	sadd.s32 $0x0, s10;
	[bflag:$0x0] =	sbarrier.arrive $0xFFFF  }
0x19: {  	[tilespmem:s13], [sflag:$0x2] =	stream.linear.gather [hbm4b:s21+s3], $0x50, $0x38;
	[tilespmem:$0x18A20] =	vst v63  }
0x1a: {  	_ =	swait.ge [sflag:s12], $0x50  }
0x1b: {  	[sflag:s12] =	ssyncset.done $0x0  }
0x1c: {  	s31 =	sadd.s32 $0x0, s9;
	[sflag:s12] =	ssyncadd.s32 $0xFFFFFFB0  }
0x1d: {  	[tilespmem:s14], [sflag:$0x2] =	stream.linear.gather [hbm4b:s31+s3], $0x50, $0x38;
	[tilespmem:$0x18A20] =	vst v63  }
0x1e: {  	_ =	swait.ge [sflag:s12], $0x50  }
0x1f: {  	[sflag:s12] =	ssyncset.done $0x0  }
0x20: {  	[sflag:s12] =	ssyncadd.s32 $0xFFFFFFB0  }
0x21: {  	v1 =	vld [tilespmem:$0xC3C0]  }
0x22: {  	v2 =	vld [tilespmem:$0xC3A0]  }
0x23: {  	v3 =	vld [tilespmem:$0xC3B0]  }
0x24: {  	v4 =	vld [tilespmem:$0xC390]  }
0x25: {  	v5 =	vld [tilespmem:$0xC380]  }
0x26: {  	v1 =	vadd.s32 v0, v1  }
0x27: {  	v2 =	vadd.s32 v0, v2;
	[tilespmem:$0xC3C0] =	vst v1  }
0x28: {  	[tilespmem:$0xC3A0] =	vst v2;
	v1 =	vadd.s32 v0, v3  }
0x29: {  	v2 =	vadd.s32 v0, v4;
	[tilespmem:$0xC3B0] =	vst v1  }
0x2a: {  	v1 =	vadd.s32 v0, v5;
	[tilespmem:$0xC390] =	vst v2  }
0x2b: {  	[tilespmem:$0xC380] =	vst v1  }
0x2c: {  	[tilespmem:s16], [sflag:$0x1] =	stream.indirect.gather [hbm4b:s4+s15], $0x8, s13, s15, $0xb8;
	[tilespmem:$0x18A20] =	vst v63  }
0x2d: {  	_ =	swait.ge [sflag:s17], $0x280  }
0x2e: {  	s21 =	simm.s32 $0xA;
	[sflag:s17] =	ssyncset.done $0x0  }
.LBB2_2:
0x2f: {  	p0 =	sne.s32 s21, $0x30CA  }
0x30: {  	[sflag:s17] =	ssyncadd.s32 $0xFFFFFD80;
	s22 =	smov.u32 s21;
	s21 =	sadd.s32 $0xA, s21  }
0x31: {  	[spmem:s2] =	stream.indirect.scatter.add.f32 [tilespmem:s16], [sflag:$0x2], $0x8, s14, s15, $0xb8;
	[tilespmem:$0x18A20] =	vst v63  }
0x32: {  	_ =	swait.ge [sflag:s12], $0x280  }
0x33: {  	[sflag:s12] =	ssyncset.done $0x0  }
0x34: {  	s23 =	sadd.s32 s22, s10;
	[sflag:s12] =	ssyncadd.s32 $0xFFFFFD80  }
0x35: {  	[tilespmem:s13], [sflag:$0x2] =	stream.linear.gather [hbm4b:s23+s3], $0x50, $0x38;
	[tilespmem:$0x18A20] =	vst v63  }
0x36: {  	_ =	swait.ge [sflag:s12], $0x50  }
0x37: {  	[sflag:s12] =	ssyncset.done $0x0  }
0x38: {  	s22 =	sadd.s32 s22, s9;
	[sflag:s12] =	ssyncadd.s32 $0xFFFFFFB0  }
0x39: {  	[tilespmem:s14], [sflag:$0x2] =	stream.linear.gather [hbm4b:s22+s3], $0x50, $0x38;
	[tilespmem:$0x18A20] =	vst v63  }
0x3a: {  	_ =	swait.ge [sflag:s12], $0x50  }
0x3b: {  	[sflag:s12] =	ssyncset.done $0x0  }
0x3c: {  	[sflag:s12] =	ssyncadd.s32 $0xFFFFFFB0  }
0x3d: {  	v1 =	vld [tilespmem:$0xC3C0]  }
0x3e: {  	v2 =	vld [tilespmem:$0xC3A0]  }
0x3f: {  	v3 =	vld [tilespmem:$0xC3B0]  }
0x40: {  	v4 =	vld [tilespmem:$0xC390]  }
0x41: {  	v5 =	vld [tilespmem:$0xC380]  }
0x42: {  	v1 =	vadd.s32 v0, v1  }
0x43: {  	v2 =	vadd.s32 v0, v2;
	[tilespmem:$0xC3C0] =	vst v1  }
0x44: {  	[tilespmem:$0xC3A0] =	vst v2;
	v1 =	vadd.s32 v0, v3  }
0x45: {  	v2 =	vadd.s32 v0, v4;
	[tilespmem:$0xC3B0] =	vst v1  }
.Ltmp0:
0x46: {  	v1 =	vadd.s32 v0, v5;
	[tilespmem:$0xC390] =	vst v2;
	(pc) =	sbr.rel @p0 .LBB2_2-.Ltmp0, $4  }
0x47: {  	[tilespmem:$0xC380] =	vst v1  }
0x48: {  	[tilespmem:s16], [sflag:$0x1] =	stream.indirect.gather [hbm4b:s4+s15], $0x8, s13, s15, $0xb8;
	[tilespmem:$0x18A20] =	vst v63  }
0x49: {  	_ =	swait.ge [sflag:s17], $0x280  }
0x4a: {  	[sflag:s17] =	ssyncset.done $0x0  }
0x4b: {  	[sflag:s17] =	ssyncadd.s32 $0xFFFFFD80  }
0x4c: {  	[spmem:s2] =	stream.indirect.scatter.add.f32 [tilespmem:s16], [sflag:$0x2], $0x8, s14, s15, $0xb8;
	[tilespmem:$0x18A20] =	vst v63  }
0x4d: {  	_ =	swait.ge [sflag:s12], $0x280  }
0x4e: {  	s20 =	sadd.s32 $0x1, s20;
	[sflag:s12] =	ssyncset.done $0x0  }
0x4f: {  	p0 =	sne.s32 s20, s8;
	[sflag:s12] =	ssyncadd.s32 $0xFFFFFD80  }
.Ltmp1:
0x50: {  	[bflag:$0x0] =	sbarrier.arrive $0xFFFF;
	(pc) =	sbr.rel @p0 .LBB2_1-.Ltmp1, $4  }
0x51: {  	[hbm:s7], [sflag:s18] =	dma.local [spmem:s19], $0x1870  }
0x52: {  	_ =	swait.ge [sflag:s12], $0x1870  }
0x53: {  	[sflag:s12] =	ssyncset.done $0x0  }
0x54: {  	[sflag:s12] =	ssyncadd.s32 $0xFFFFE790  }
0x55: {  	_ =	sfence.sel $0x180000  }
0x56: {  	[bflag:$0x0] =	sbarrier.arrive $0xFFFF  }
0x57: {  	p0 =	sne.s32 s1, $0x0;
	_ =	strace $0x90000053  }
0x58: {  	s0 =	sadd.s32 @!p0 $0x100000, s0;
	[bflag:$0x2] =	sbarrier.arrive $0xFFFF  }
0x59: {  	[sflag:s0] =	ssyncadd.tile.s32 @!p0 $0x1;
	_ =	shalt  }
.Lfunc_end2:
_tile_overlayer_lowered:
.L_overlay_start_2:
0x5a: {  	(tag) =	ssettag $0x2  }
0x5b: {  	s0 =	rddreg [dreg:$0x0];
	s2 =	stileid.u32  }
0x5c: {  	s1 =	rddreg [dreg:$0x1];
	p0 =	sne.s32 s2, $0x0  }
0x5d: {  	s3 =	rddreg [dreg:$0x2];
	[bflag:$0x3] =	sbarrier.arrive $0xFFFF;
	s2 =	simm.s32 @!p0 $0x1C02  }
0x5e: {  	[timem:s3], [sflag:s2] =	dma.local @!p0 [hbm:s0], s1  }
0x5f: {  	s0 =	simm.s32 @!p0 $0x2  }
0x60: {  	_ =	swait.ge @!p0 [sflag:s0], s1  }
0x61: {  	s1 =	ssub.s32 @!p0 $0x0, s1;
	[sflag:s0] =	ssyncset.done @!p0 $0x0  }
0x62: {  	[sflag:s0] =	ssyncadd.s32 @!p0 s1  }
0x63: {  	[bflag:$0x3] =	sbarrier.arrive $0xFFFF  }
0x64: {  	_ =	shalt  }

// kernel: kernel.24.cloned.1.call-start
scs
__scs_entry_jumppad:
0x0: {  	(pc) =	sbr.rel $0x88, $3  }
0x1: {  	(tag) =	ssettag $0x0;
	lr =	simm.s32 $0x1  }
0x2: {  	[smem:$0x3F90] =	sst lr;
	_ =	strace $0xD0000000  }
0x3: {  	_ = 	snop  }
0x4: {  	_ = 	snop  }
0x5: {  	_ = 	snop  }
0x6: {  	_ = 	snop  }
0x7: {  	_ = 	snop  }
__scs_overlays_trampoline_lowered:
0x8: {  	[smem:$0x3F9F] =	sst s0  }
0x9: {  	[smem:$0x3FA0] =	sst s1  }
0xa: {  	[smem:$0x3FA1] =	sst s2  }
0xb: {  	[smem:$0x3FA2] =	sst s3  }
0xc: {  	[smem:$0x3FA3] =	sst s4  }
0xd: {  	[smem:$0x3FA4] =	sst s5  }
0xe: {  	[smem:$0x3FA5] =	sst s6  }
0xf: {  	[smem:$0x3FA6] =	sst s7  }
0x10: {  	[smem:$0x3FA7] =	sst s8  }
0x11: {  	[smem:$0x3FA8] =	sst s9;
	s0 =	simm.s32 @!p0 $0x0  }
0x12: {  	s1 =	sld [smem:$0x3F8E];
	s0 =	simm.s32 @p0 $0x1  }
0x13: {  	[smem:$0x3FA9] =	sst s0;
	s0 =	simm.s32 @!p1 $0x0  }
0x14: {  	s2 =	sld [smem:$0x3F8D];
	s0 =	simm.s32 @p1 $0x1  }
0x15: {  	[smem:$0x3FAA] =	sst s0;
	s0 =	simm.s32 @!p2 $0x0  }
0x16: {  	s3 =	sld [smem:$0x3FDB];
	s0 =	simm.s32 @p2 $0x1  }
0x17: {  	s4 =	simm.s32 $0x1BF5;
	[smem:$0x3FAC] =	sst s0  }
0x18: {  	s0 =	sld [smem:$0x3F8F];
	_ =	swait.ge [sflag:s4], $0x0  }
0x19: {  	s7 =	sld [smem:$0x3F90]  }
0x1a: {  	s8 =	sadd.s32 $0xFFFFE003, lr  }
0x1b: {  	s9 =	sadd.s32 $0xFFFFFEF7, lr;
	s5 =	simm.s32 $0xFFFFFFFF;
	p2 =	slt.u32 s8, $0xFFFFF086  }
0x1c: {  	p1 =	slt.u32 s9, $0xF7A;
	s5 =	simm.s32 @!p2 $0x0  }
0x1d: {  	s5 =	simm.s32 @p1 $0x1;
	p0 =	seq.s32 s7, s2  }
0x1e: {  	s7 =	smul.u32 @!p0 $0xF7A, s2;
	p2 =	seq.s32 @!p0 s5, $0x0  }
0x1f: {  	s9 =	smul.u32 $0xF7A, s1;
	s8 =	simm.s32 @!p0 $0x1BF5;
	p2 =	por !p2, p0  }
0x20: {  	[sflag:s8] =	ssyncset.s32 @!p0 $0xFFFFF086;
	s6 =	sadd.s32 @!p0 s3, s7;
	s7 =	simm.s32 @!p0 $0x108  }
0x21: {  	s3 =	sadd.s32 s3, s9;
	s6 =	sadd.s32 @!p0 $0x88, s6;
	s7 =	simm.s32 @p2 $0x1082  }
0x22: {  	[simem:s7], [sflag:s8] =	dma.local @!p0 [hbm:s6], $0xF7A  }
0x23: {  	s9 =	sor.u32 $0xD0000000, s2;
	s6 =	simm.s32 $0x108;
	_ =	swait.ge @!p0 [sflag:s8], $0x0  }
0x24: {  	s3 =	sadd.s32 $0x88, s3;
	s6 =	simm.s32 @!p1 $0x1082;
	[sflag:s4] =	ssyncset.s32 $0xFFFFF086  }
0x25: {  	[simem:s6], [sflag:s4] =	dma.local [hbm:s3], $0xF7A  }
0x26: {  	[smem:$0x3F90] =	sst s1;
	(tag) =	ssettag s2;
	_ =	strace s9  }
0x27: {  	s1 =	sld [smem:$0x3FA0]  }
0x28: {  	s2 =	sld [smem:$0x3FA1]  }
0x29: {  	s4 =	sld [smem:$0x3FA3]  }
0x2a: {  	p0 =	seq.s32 s5, $0x0;
	s5 =	sld [smem:$0x3FA4]  }
0x2b: {  	s6 =	sld [smem:$0x3FA5]  }
0x2c: {  	s7 =	sld [smem:$0x3FA6]  }
0x2d: {  	s3 =	simm.s32 $0x108;
	s8 =	sld [smem:$0x3FA7]  }
0x2e: {  	s3 =	simm.s32 @!p0 $0x1082;
	s9 =	sld [smem:$0x3FA8]  }
0x2f: {  	lr =	sadd.s32 s0, s3;
	s0 =	sld [smem:$0x3F9F]  }
0x30: {  	s3 =	sld [smem:$0x3FA2]  }
0x31: {  	[smem:$0x3FAB] =	sst s10  }
0x32: {  	s10 =	sld [smem:$0x3FA9];
	_ =	sdelay $0x3  }
0x33: {  	p0 =	seq.s32 s10, $0x1;
	s10 =	sld [smem:$0x3FAB];
	_ =	sdelay $0x3  }
0x34: {  	[smem:$0x3FAB] =	sst s10  }
0x35: {  	s10 =	sld [smem:$0x3FAA];
	_ =	sdelay $0x3  }
0x36: {  	p1 =	seq.s32 s10, $0x1;
	s10 =	sld [smem:$0x3FAB];
	_ =	sdelay $0x3  }
0x37: {  	[smem:$0x3FAB] =	sst s10  }
0x38: {  	s10 =	sld [smem:$0x3FAC]  }
0x39: {  	_ = 	snop;
	(pc) =	sbr.ind lr, $3  }
0x3a: {  	_ = 	snop  }
0x3b: {  	_ = 	snop  }
0x3c: {  	p2 =	seq.s32 s10, $0x1;
	s10 =	sld [smem:$0x3FAB]  }
0x3d: {  	_ =	shalt  }
0x3e: {  	_ =	shalt  }
0x3f: {  	_ =	shalt  }
0x40: {  	_ =	shalt  }
0x41: {  	_ =	shalt  }
0x42: {  	_ =	shalt  }
0x43: {  	_ =	shalt  }
0x44: {  	_ =	shalt  }
0x45: {  	_ =	shalt  }
0x46: {  	_ =	shalt  }
0x47: {  	_ =	shalt  }
0x48: {  	_ =	shalt  }
0x49: {  	_ =	shalt  }
0x4a: {  	_ =	shalt  }
0x4b: {  	_ =	shalt  }
0x4c: {  	_ =	shalt  }
0x4d: {  	_ =	shalt  }
0x4e: {  	_ =	shalt  }
0x4f: {  	_ =	shalt  }
0x50: {  	_ =	shalt  }
0x51: {  	_ =	shalt  }
0x52: {  	_ =	shalt  }
0x53: {  	_ =	shalt  }
0x54: {  	_ =	shalt  }
0x55: {  	_ =	shalt  }
0x56: {  	_ =	shalt  }
0x57: {  	_ =	shalt  }
0x58: {  	_ =	shalt  }
0x59: {  	_ =	shalt  }
0x5a: {  	_ =	shalt  }
0x5b: {  	_ =	shalt  }
0x5c: {  	_ =	shalt  }
0x5d: {  	_ =	shalt  }
0x5e: {  	_ =	shalt  }
0x5f: {  	_ =	shalt  }
0x60: {  	_ =	shalt  }
0x61: {  	_ =	shalt  }
0x62: {  	_ =	shalt  }
0x63: {  	_ =	shalt  }
0x64: {  	_ =	shalt  }
0x65: {  	_ =	shalt  }
0x66: {  	_ =	shalt  }
0x67: {  	_ =	shalt  }
0x68: {  	_ =	shalt  }
0x69: {  	_ =	shalt  }
0x6a: {  	_ =	shalt  }
0x6b: {  	_ =	shalt  }
0x6c: {  	_ =	shalt  }
0x6d: {  	_ =	shalt  }
0x6e: {  	_ =	shalt  }
0x6f: {  	_ =	shalt  }
0x70: {  	_ =	shalt  }
0x71: {  	_ =	shalt  }
0x72: {  	_ =	shalt  }
0x73: {  	_ =	shalt  }
0x74: {  	_ =	shalt  }
0x75: {  	_ =	shalt  }
0x76: {  	_ =	shalt  }
0x77: {  	_ =	shalt  }
0x78: {  	_ =	shalt  }
0x79: {  	_ =	shalt  }
0x7a: {  	_ =	shalt  }
0x7b: {  	_ =	shalt  }
0x7c: {  	_ =	shalt  }
0x7d: {  	_ =	shalt  }
0x7e: {  	_ =	shalt  }
0x7f: {  	_ =	shalt  }
0x80: {  	_ =	shalt  }
0x81: {  	_ =	shalt  }
0x82: {  	_ =	shalt  }
0x83: {  	_ =	shalt  }
0x84: {  	_ =	shalt  }
0x85: {  	_ =	shalt  }
0x86: {  	_ =	shalt  }
0x87: {  	_ =	shalt  }
.Lfunc_end0:
.L_simem_size_0:
called_computation.5_lowered:
.L_overlay_start_0:
0x88: {  	s2 =	sld [smem:$0x3FD9]  }
0x89: {  	s3 =	sld [smem:$0x3FFE];
	_ =	sdelay $0x1  }
0x8a: {  	s1 =	srdreg.scid  }
0x8b: {  	s0 =	sand.u32 $0x1, s1  }
0x8c: {  	s16 =	sshll.u32 s0, $0xA;
	s2 =	sadd.s32 s3, s2  }
0x8d: {  	s2 =	sadd.s32 s2, s16  }
0x8e: {  	[smem:$0x3FB7] =	sst s2  }
0x8f: {  	_ = 	snop  }
0x90: {  	(tm) =	ssettm $0x1  }
0x91: {  	s17 =	sld [smem:$0x3FFB];
	_ =	sdelay $0x3  }
0x92: {  	_ =	strace s17  }
0x93: {  	s2 =	sld [smem:$0x3FFC];
	_ =	sdelay $0x3  }
0x94: {  	_ =	strace s2  }
0x95: {  	s2 =	sld [smem:$0x3FFD];
	_ =	sdelay $0x3  }
0x96: {  	_ =	strace s2  }
0x97: {  	_ =	strace $0x8FFFFFFF  }
0x98: {  	s18 =	sld [smem:$0x3FDB];
	_ =	sdelay $0x1  }
0x99: {  	s19 =	simm.s32 $_scs_section_size  }
0x9a: {  	s4 =	simm.s32 $_size__tile_overlayer_lowered;
	s5 =	simm.s32 $_tile_overlayer_lowered  }
0x9b: {  	s22 =	simm.s32 $0x1BFF;
	s21 =	sshll.u32 s5, $0x1;
	s2 =	sadd.s32 s19, s18  }
0x9c: {  	s6 =	simm.s32 $0x0;
	s20 =	sshll.u32 s4, $0x1;
	s4 =	sadd.s32 s21, s2  }
0x9d: {  	[timem:s6], [sflag:s22] =	dma.local [hbm:s4], s20  }
0x9e: {  	_ =	swait.ge [sflag:s22], s20  }
0x9f: {  	s3 =	ssub.s32 $0x0, s20;
	[sflag:s22] =	ssyncset.done $0x0  }
0xa0: {  	[sflag:s22] =	ssyncadd.s32 s3;
	_ =	sdelay $0x1  }
0xa1: {  	s23 =	simm.s32 $0x1B8B  }
0xa2: {  	_ =	swait.ge [sflag:s23], $0x1  }
0xa3: {  	[sflag:s23] =	ssyncset.done $0x0  }
0xa4: {  	s25 =	simm.s32 $0x1B8E;
	s24 =	sld [smem:$0x3FFE];
	[sflag:s23] =	ssyncadd.s32 $0xFFFFFFFF  }
0xa5: {  	s26 =	simm.s32 $execute0_lowered;
	[smem:$0x3FD2] =	sst s25  }
0xa6: {  	s4 =	sshll.u32 s26, $0x1;
	_ =	strace $0x80000055;
	[dreg:$0x1] =	wrdreg $0xFFFFFFFF  }
0xa7: {  	s28 =	simm.s32 $_size_execute0_lowered;
	s2 =	sadd.s32 s2, s4;
	[dreg:$0x0] =	wrdreg $0x0  }
0xa8: {  	s4 =	sshll.u32 s28, $0x1;
	[dreg:$0x2] =	wrdreg s2  }
0xa9: {  	[dreg:$0x3] =	wrdreg s4  }
0xaa: {  	[dreg:$0x4] =	wrdreg $0xC0  }
0xab: {  	_ =	task [dreg:s6], $0x5FFFF  }
0xac: {  	[dreg:$0x1] =	wrdreg $0xFFFFFFFF  }
0xad: {  	[dreg:$0x0] =	wrdreg $0x60  }
0xae: {  	[dreg:$0x2] =	wrdreg s24  }
0xaf: {  	[dreg:$0x3] =	wrdreg $0x0  }
0xb0: {  	[dreg:$0x4] =	wrdreg $0x9  }
0xb1: {  	_ =	task.clear_ibuf [dreg:s6], $0x5FFFF;
	_ =	strace $0x90000055  }
0xb2: {  	s29 =	simm.s32 $0x9;
	_ =	strace $0x80000057  }
0xb3: {  	_ =	swait.ge [sflag:s29], $0x1  }
0xb4: {  	[sflag:s29] =	ssyncadd.s32 $0xFFFFFFFF  }
0xb5: {  	_ =	strace $0x90000057  }
0xb6: {  	_ =	sfence  }
0xb7: {  	s30 =	sld [smem:$0x0];
	_ =	sdelay $0x2  }
0xb8: {  	s31 =	sshll.u32 s1, $0xD;
	s1 =	sshrl.u32 s1, $0x2  }
0xb9: {  	s3 =	sand.u32 $0x4000, s31;
	s1 =	sadd.s32 s1, s30  }
0xba: {  	s0 =	sor.u32 s3, s0;
	s1 =	sshll.u32 s1, $0x11  }
0xbb: {  	s0 =	sor.u32 s1, s0  }
0xbc: {  	s0 =	sadd.s32 $0x8F2B, s0  }
0xbd: {  	[sflag:s0] =	ssyncadd.remote.s32 $0x1  }
0xbe: {  	_ =	sfence.sel $0xFFFF  }
0xbf: {  	[dreg:$0x0] =	wrdreg $0xFFFFFFFF;
	(pc) =	sbr.abs _section_cstart, $3  }
0xc0: {  	[dreg:$0x1] =	wrdreg $0xFFFFFFFF  }
0xc1: {  	_ =	task.clear_ibuf [dreg:s6], $0x2FFFF;
	_ =	strace $0x9FFFFFFF  }
0xc2: {  	(tm) =	ssettm $0x7FFFFFFF  }
0xc3: {  	_ =	shalt  }
tec
execute0_lowered:
.L_overlay_start_1:
0x0: {  	(tag) =	ssettag $0x1  }
0x1: {  	s5 =	rddreg [dreg:$0x0]  }
0x2: {  	s2 =	rddreg [dreg:$0x1]  }
0x3: {  	s0 =	rddreg [dreg:$0x2];
	s1 =	stileid.u32  }
0x4: {  	s4 =	srdreg.scid;
	s3 =	simm.s32 $0x0;
	s14 =	simm.s32 $0xC3D0  }
0x5: {  	s15 =	simm.s32 $0x50;
	s16 =	simm.s32 $0xC420;
	s6 =	smul.u32 $0x30D4, s1  }
0x6: {  	s17 =	simm.s32 $0x1;
	s20 =	simm.s32 $0x0;
	s7 =	smul.u32 $0xC380, s1  }
0x7: {  	s8 =	sand.u32 $0x1, s4;
	[smem:$0x7FF] =	sst s3;
	s4 =	sadd.s32 $0x3F2400, s5  }
0x8: {  	s19 =	sshll.u32 s1, $0x6;
	s9 =	smul.u32 $0xC3800, s8;
	_ =	strace $0x80000056  }
0x9: {  	s31 =	ssub.s32 $0x2, s8;
	s18 =	smul.u32 $0x186A0, s8;
	s10 =	sadd.s32 s6, s5  }
0xa: {  	s11 =	sshrl.u32 s7, $0x3;
	s12 =	sshrl.u32 s31, $0x1;
	s30 =	sadd.s32 s7, s9  }
0xb: {  	s11 =	sadd.s32 s11, s5;
	s9 =	ssub.s32 s31, s12;
	s12 =	simm.s32 $0x2  }
0xc: {  	v0 =	vmov s18;
	s18 =	sor.u32 $0x1C02, s19;
	s6 =	sshrl.u32 s30, $0x3;
	s8 =	smax.u32 s9, $0x1  }
0xd: {  	s9 =	sadd.s32 $0x5E00, s10;
	s10 =	sadd.s32 $0x36C00, s10;
	s13 =	sadd.s32 s6, s5  }
0xe: {  	s5 =	sadd.s32 $0x67A00, s11;
	s6 =	sadd.s32 s7, s2;
	s11 =	simm.s32 $0xC6A0  }
0xf: {  	s7 =	sadd.s32 $0xE5000, s13;
	s13 =	simm.s32 $0xC380;
	s19 =	sshrl.u32 s6, $0x3  }
.LBB2_1:
0x10: {  	[tilespmem:s11], [sflag:$0x2] =	stream.linear.gather [hbm4b:s5+s3], $0xC380, $0x38;
	[tilespmem:$0x18A20] =	vst v63  }
0x11: {  	_ =	swait.ge [sflag:s12], $0xC380  }
0x12: {  	[sflag:s12] =	ssyncset.done $0x0  }
0x13: {  	[sflag:s12] =	ssyncadd.s32 $0xFFFF3C80  }
0x14: {  	[spmem:s6] =	stream.linear.scatter [tilespmem:s11], [sflag:$0x2], $0xC380, $0x38;
	[tilespmem:$0x18A20] =	vst v63  }
0x15: {  	_ =	swait.ge [sflag:s12], $0xC380  }
0x16: {  	[sflag:s12] =	ssyncset.done $0x0  }
0x17: {  	[sflag:s12] =	ssyncadd.s32 $0xFFFF3C80  }
0x18: {  	s21 =	sadd.s32 $0x0, s10;
	[bflag:$0x0] =	sbarrier.arrive $0xFFFF  }
0x19: {  	[tilespmem:s13], [sflag:$0x2] =	stream.linear.gather [hbm4b:s21+s3], $0x50, $0x38;
	[tilespmem:$0x18A20] =	vst v63  }
0x1a: {  	_ =	swait.ge [sflag:s12], $0x50  }
0x1b: {  	[sflag:s12] =	ssyncset.done $0x0  }
0x1c: {  	s31 =	sadd.s32 $0x0, s9;
	[sflag:s12] =	ssyncadd.s32 $0xFFFFFFB0  }
0x1d: {  	[tilespmem:s14], [sflag:$0x2] =	stream.linear.gather [hbm4b:s31+s3], $0x50, $0x38;
	[tilespmem:$0x18A20] =	vst v63  }
0x1e: {  	_ =	swait.ge [sflag:s12], $0x50  }
0x1f: {  	[sflag:s12] =	ssyncset.done $0x0  }
0x20: {  	[sflag:s12] =	ssyncadd.s32 $0xFFFFFFB0  }
0x21: {  	v1 =	vld [tilespmem:$0xC3C0]  }
0x22: {  	v2 =	vld [tilespmem:$0xC3A0]  }
0x23: {  	v3 =	vld [tilespmem:$0xC3B0]  }
0x24: {  	v4 =	vld [tilespmem:$0xC390]  }
0x25: {  	v5 =	vld [tilespmem:$0xC380]  }
0x26: {  	v1 =	vadd.s32 v0, v1  }
0x27: {  	v2 =	vadd.s32 v0, v2;
	[tilespmem:$0xC3C0] =	vst v1  }
0x28: {  	[tilespmem:$0xC3A0] =	vst v2;
	v1 =	vadd.s32 v0, v3  }
0x29: {  	v2 =	vadd.s32 v0, v4;
	[tilespmem:$0xC3B0] =	vst v1  }
0x2a: {  	v1 =	vadd.s32 v0, v5;
	[tilespmem:$0xC390] =	vst v2  }
0x2b: {  	[tilespmem:$0xC380] =	vst v1  }
0x2c: {  	[tilespmem:s16], [sflag:$0x1] =	stream.indirect.gather [hbm4b:s4+s15], $0x8, s13, s15, $0xb8;
	[tilespmem:$0x18A20] =	vst v63  }
0x2d: {  	_ =	swait.ge [sflag:s17], $0x280  }
0x2e: {  	s21 =	simm.s32 $0xA;
	[sflag:s17] =	ssyncset.done $0x0  }
.LBB2_2:
0x2f: {  	p0 =	sne.s32 s21, $0x30CA  }
0x30: {  	[sflag:s17] =	ssyncadd.s32 $0xFFFFFD80;
	s22 =	smov.u32 s21;
	s21 =	sadd.s32 $0xA, s21  }
0x31: {  	[spmem:s2] =	stream.indirect.scatter.add.f32 [tilespmem:s16], [sflag:$0x2], $0x8, s14, s15, $0xb8;
	[tilespmem:$0x18A20] =	vst v63  }
0x32: {  	_ =	swait.ge [sflag:s12], $0x280  }
0x33: {  	[sflag:s12] =	ssyncset.done $0x0  }
0x34: {  	s23 =	sadd.s32 s22, s10;
	[sflag:s12] =	ssyncadd.s32 $0xFFFFFD80  }
0x35: {  	[tilespmem:s13], [sflag:$0x2] =	stream.linear.gather [hbm4b:s23+s3], $0x50, $0x38;
	[tilespmem:$0x18A20] =	vst v63  }
0x36: {  	_ =	swait.ge [sflag:s12], $0x50  }
0x37: {  	[sflag:s12] =	ssyncset.done $0x0  }
0x38: {  	s22 =	sadd.s32 s22, s9;
	[sflag:s12] =	ssyncadd.s32 $0xFFFFFFB0  }
0x39: {  	[tilespmem:s14], [sflag:$0x2] =	stream.linear.gather [hbm4b:s22+s3], $0x50, $0x38;
	[tilespmem:$0x18A20] =	vst v63  }
0x3a: {  	_ =	swait.ge [sflag:s12], $0x50  }
0x3b: {  	[sflag:s12] =	ssyncset.done $0x0  }
0x3c: {  	[sflag:s12] =	ssyncadd.s32 $0xFFFFFFB0  }
0x3d: {  	v1 =	vld [tilespmem:$0xC3C0]  }
0x3e: {  	v2 =	vld [tilespmem:$0xC3A0]  }
0x3f: {  	v3 =	vld [tilespmem:$0xC3B0]  }
0x40: {  	v4 =	vld [tilespmem:$0xC390]  }
0x41: {  	v5 =	vld [tilespmem:$0xC380]  }
0x42: {  	v1 =	vadd.s32 v0, v1  }
0x43: {  	v2 =	vadd.s32 v0, v2;
	[tilespmem:$0xC3C0] =	vst v1  }
0x44: {  	[tilespmem:$0xC3A0] =	vst v2;
	v1 =	vadd.s32 v0, v3  }
0x45: {  	v2 =	vadd.s32 v0, v4;
	[tilespmem:$0xC3B0] =	vst v1  }
.Ltmp0:
0x46: {  	v1 =	vadd.s32 v0, v5;
	[tilespmem:$0xC390] =	vst v2;
	(pc) =	sbr.rel @p0 .LBB2_2-.Ltmp0, $4  }
0x47: {  	[tilespmem:$0xC380] =	vst v1  }
0x48: {  	[tilespmem:s16], [sflag:$0x1] =	stream.indirect.gather [hbm4b:s4+s15], $0x8, s13, s15, $0xb8;
	[tilespmem:$0x18A20] =	vst v63  }
0x49: {  	_ =	swait.ge [sflag:s17], $0x280  }
0x4a: {  	[sflag:s17] =	ssyncset.done $0x0  }
0x4b: {  	[sflag:s17] =	ssyncadd.s32 $0xFFFFFD80  }
0x4c: {  	[spmem:s2] =	stream.indirect.scatter.add.f32 [tilespmem:s16], [sflag:$0x2], $0x8, s14, s15, $0xb8;
	[tilespmem:$0x18A20] =	vst v63  }
0x4d: {  	_ =	swait.ge [sflag:s12], $0x280  }
0x4e: {  	s20 =	sadd.s32 $0x1, s20;
	[sflag:s12] =	ssyncset.done $0x0  }
0x4f: {  	p0 =	sne.s32 s20, s8;
	[sflag:s12] =	ssyncadd.s32 $0xFFFFFD80  }
.Ltmp1:
0x50: {  	[bflag:$0x0] =	sbarrier.arrive $0xFFFF;
	(pc) =	sbr.rel @p0 .LBB2_1-.Ltmp1, $4  }
0x51: {  	[hbm:s7], [sflag:s18] =	dma.local [spmem:s19], $0x1870  }
0x52: {  	_ =	swait.ge [sflag:s12], $0x1870  }
0x53: {  	[sflag:s12] =	ssyncset.done $0x0  }
0x54: {  	[sflag:s12] =	ssyncadd.s32 $0xFFFFE790  }
0x55: {  	_ =	sfence.sel $0x180000  }
0x56: {  	[bflag:$0x0] =	sbarrier.arrive $0xFFFF  }
0x57: {  	p0 =	sne.s32 s1, $0x0;
	_ =	strace $0x90000056  }
0x58: {  	s0 =	sadd.s32 @!p0 $0x100000, s0;
	[bflag:$0x2] =	sbarrier.arrive $0xFFFF  }
0x59: {  	[sflag:s0] =	ssyncadd.tile.s32 @!p0 $0x1;
	_ =	shalt  }
.Lfunc_end2:
_tile_overlayer_lowered:
.L_overlay_start_2:
0x5a: {  	(tag) =	ssettag $0x2  }
0x5b: {  	s0 =	rddreg [dreg:$0x0];
	s2 =	stileid.u32  }
0x5c: {  	s1 =	rddreg [dreg:$0x1];
	p0 =	sne.s32 s2, $0x0  }
0x5d: {  	s3 =	rddreg [dreg:$0x2];
	[bflag:$0x3] =	sbarrier.arrive $0xFFFF;
	s2 =	simm.s32 @!p0 $0x1C02  }
0x5e: {  	[timem:s3], [sflag:s2] =	dma.local @!p0 [hbm:s0], s1  }
0x5f: {  	s0 =	simm.s32 @!p0 $0x2  }
0x60: {  	_ =	swait.ge @!p0 [sflag:s0], s1  }
0x61: {  	s1 =	ssub.s32 @!p0 $0x0, s1;
	[sflag:s0] =	ssyncset.done @!p0 $0x0  }
0x62: {  	[sflag:s0] =	ssyncadd.s32 @!p0 s1  }
0x63: {  	[bflag:$0x3] =	sbarrier.arrive $0xFFFF  }
0x64: {  	_ =	shalt  }

// kernel: kernel.27.cloned.1.call-start
scs
__scs_entry_jumppad:
0x0: {  	(pc) =	sbr.rel $0x88, $3  }
0x1: {  	(tag) =	ssettag $0x0;
	lr =	simm.s32 $0x1  }
0x2: {  	[smem:$0x3F90] =	sst lr;
	_ =	strace $0xD0000000  }
0x3: {  	_ = 	snop  }
0x4: {  	_ = 	snop  }
0x5: {  	_ = 	snop  }
0x6: {  	_ = 	snop  }
0x7: {  	_ = 	snop  }
__scs_overlays_trampoline_lowered:
0x8: {  	[smem:$0x3F9F] =	sst s0  }
0x9: {  	[smem:$0x3FA0] =	sst s1  }
0xa: {  	[smem:$0x3FA1] =	sst s2  }
0xb: {  	[smem:$0x3FA2] =	sst s3  }
0xc: {  	[smem:$0x3FA3] =	sst s4  }
0xd: {  	[smem:$0x3FA4] =	sst s5  }
0xe: {  	[smem:$0x3FA5] =	sst s6  }
0xf: {  	[smem:$0x3FA6] =	sst s7  }
0x10: {  	[smem:$0x3FA7] =	sst s8  }
0x11: {  	[smem:$0x3FA8] =	sst s9;
	s0 =	simm.s32 @!p0 $0x0  }
0x12: {  	s1 =	sld [smem:$0x3F8E];
	s0 =	simm.s32 @p0 $0x1  }
0x13: {  	[smem:$0x3FA9] =	sst s0;
	s0 =	simm.s32 @!p1 $0x0  }
0x14: {  	s2 =	sld [smem:$0x3F8D];
	s0 =	simm.s32 @p1 $0x1  }
0x15: {  	[smem:$0x3FAA] =	sst s0;
	s0 =	simm.s32 @!p2 $0x0  }
0x16: {  	s3 =	sld [smem:$0x3FDB];
	s0 =	simm.s32 @p2 $0x1  }
0x17: {  	s4 =	simm.s32 $0x1BF5;
	[smem:$0x3FAC] =	sst s0  }
0x18: {  	s0 =	sld [smem:$0x3F8F];
	_ =	swait.ge [sflag:s4], $0x0  }
0x19: {  	s7 =	sld [smem:$0x3F90]  }
0x1a: {  	s8 =	sadd.s32 $0xFFFFE003, lr  }
0x1b: {  	s9 =	sadd.s32 $0xFFFFFEF7, lr;
	s5 =	simm.s32 $0xFFFFFFFF;
	p2 =	slt.u32 s8, $0xFFFFF086  }
0x1c: {  	p1 =	slt.u32 s9, $0xF7A;
	s5 =	simm.s32 @!p2 $0x0  }
0x1d: {  	s5 =	simm.s32 @p1 $0x1;
	p0 =	seq.s32 s7, s2  }
0x1e: {  	s7 =	smul.u32 @!p0 $0xF7A, s2;
	p2 =	seq.s32 @!p0 s5, $0x0  }
0x1f: {  	s9 =	smul.u32 $0xF7A, s1;
	s8 =	simm.s32 @!p0 $0x1BF5;
	p2 =	por !p2, p0  }
0x20: {  	[sflag:s8] =	ssyncset.s32 @!p0 $0xFFFFF086;
	s6 =	sadd.s32 @!p0 s3, s7;
	s7 =	simm.s32 @!p0 $0x108  }
0x21: {  	s3 =	sadd.s32 s3, s9;
	s6 =	sadd.s32 @!p0 $0x88, s6;
	s7 =	simm.s32 @p2 $0x1082  }
0x22: {  	[simem:s7], [sflag:s8] =	dma.local @!p0 [hbm:s6], $0xF7A  }
0x23: {  	s9 =	sor.u32 $0xD0000000, s2;
	s6 =	simm.s32 $0x108;
	_ =	swait.ge @!p0 [sflag:s8], $0x0  }
0x24: {  	s3 =	sadd.s32 $0x88, s3;
	s6 =	simm.s32 @!p1 $0x1082;
	[sflag:s4] =	ssyncset.s32 $0xFFFFF086  }
0x25: {  	[simem:s6], [sflag:s4] =	dma.local [hbm:s3], $0xF7A  }
0x26: {  	[smem:$0x3F90] =	sst s1;
	(tag) =	ssettag s2;
	_ =	strace s9  }
0x27: {  	s1 =	sld [smem:$0x3FA0]  }
0x28: {  	s2 =	sld [smem:$0x3FA1]  }
0x29: {  	s4 =	sld [smem:$0x3FA3]  }
0x2a: {  	p0 =	seq.s32 s5, $0x0;
	s5 =	sld [smem:$0x3FA4]  }
0x2b: {  	s6 =	sld [smem:$0x3FA5]  }
0x2c: {  	s7 =	sld [smem:$0x3FA6]  }
0x2d: {  	s3 =	simm.s32 $0x108;
	s8 =	sld [smem:$0x3FA7]  }
0x2e: {  	s3 =	simm.s32 @!p0 $0x1082;
	s9 =	sld [smem:$0x3FA8]  }
0x2f: {  	lr =	sadd.s32 s0, s3;
	s0 =	sld [smem:$0x3F9F]  }
0x30: {  	s3 =	sld [smem:$0x3FA2]  }
0x31: {  	[smem:$0x3FAB] =	sst s10  }
0x32: {  	s10 =	sld [smem:$0x3FA9];
	_ =	sdelay $0x3  }
0x33: {  	p0 =	seq.s32 s10, $0x1;
	s10 =	sld [smem:$0x3FAB];
	_ =	sdelay $0x3  }
0x34: {  	[smem:$0x3FAB] =	sst s10  }
0x35: {  	s10 =	sld [smem:$0x3FAA];
	_ =	sdelay $0x3  }
0x36: {  	p1 =	seq.s32 s10, $0x1;
	s10 =	sld [smem:$0x3FAB];
	_ =	sdelay $0x3  }
0x37: {  	[smem:$0x3FAB] =	sst s10  }
0x38: {  	s10 =	sld [smem:$0x3FAC]  }
0x39: {  	_ = 	snop;
	(pc) =	sbr.ind lr, $3  }
0x3a: {  	_ = 	snop  }
0x3b: {  	_ = 	snop  }
0x3c: {  	p2 =	seq.s32 s10, $0x1;
	s10 =	sld [smem:$0x3FAB]  }
0x3d: {  	_ =	shalt  }
0x3e: {  	_ =	shalt  }
0x3f: {  	_ =	shalt  }
0x40: {  	_ =	shalt  }
0x41: {  	_ =	shalt  }
0x42: {  	_ =	shalt  }
0x43: {  	_ =	shalt  }
0x44: {  	_ =	shalt  }
0x45: {  	_ =	shalt  }
0x46: {  	_ =	shalt  }
0x47: {  	_ =	shalt  }
0x48: {  	_ =	shalt  }
0x49: {  	_ =	shalt  }
0x4a: {  	_ =	shalt  }
0x4b: {  	_ =	shalt  }
0x4c: {  	_ =	shalt  }
0x4d: {  	_ =	shalt  }
0x4e: {  	_ =	shalt  }
0x4f: {  	_ =	shalt  }
0x50: {  	_ =	shalt  }
0x51: {  	_ =	shalt  }
0x52: {  	_ =	shalt  }
0x53: {  	_ =	shalt  }
0x54: {  	_ =	shalt  }
0x55: {  	_ =	shalt  }
0x56: {  	_ =	shalt  }
0x57: {  	_ =	shalt  }
0x58: {  	_ =	shalt  }
0x59: {  	_ =	shalt  }
0x5a: {  	_ =	shalt  }
0x5b: {  	_ =	shalt  }
0x5c: {  	_ =	shalt  }
0x5d: {  	_ =	shalt  }
0x5e: {  	_ =	shalt  }
0x5f: {  	_ =	shalt  }
0x60: {  	_ =	shalt  }
0x61: {  	_ =	shalt  }
0x62: {  	_ =	shalt  }
0x63: {  	_ =	shalt  }
0x64: {  	_ =	shalt  }
0x65: {  	_ =	shalt  }
0x66: {  	_ =	shalt  }
0x67: {  	_ =	shalt  }
0x68: {  	_ =	shalt  }
0x69: {  	_ =	shalt  }
0x6a: {  	_ =	shalt  }
0x6b: {  	_ =	shalt  }
0x6c: {  	_ =	shalt  }
0x6d: {  	_ =	shalt  }
0x6e: {  	_ =	shalt  }
0x6f: {  	_ =	shalt  }
0x70: {  	_ =	shalt  }
0x71: {  	_ =	shalt  }
0x72: {  	_ =	shalt  }
0x73: {  	_ =	shalt  }
0x74: {  	_ =	shalt  }
0x75: {  	_ =	shalt  }
0x76: {  	_ =	shalt  }
0x77: {  	_ =	shalt  }
0x78: {  	_ =	shalt  }
0x79: {  	_ =	shalt  }
0x7a: {  	_ =	shalt  }
0x7b: {  	_ =	shalt  }
0x7c: {  	_ =	shalt  }
0x7d: {  	_ =	shalt  }
0x7e: {  	_ =	shalt  }
0x7f: {  	_ =	shalt  }
0x80: {  	_ =	shalt  }
0x81: {  	_ =	shalt  }
0x82: {  	_ =	shalt  }
0x83: {  	_ =	shalt  }
0x84: {  	_ =	shalt  }
0x85: {  	_ =	shalt  }
0x86: {  	_ =	shalt  }
0x87: {  	_ =	shalt  }
.Lfunc_end0:
.L_simem_size_0:
called_computation.6_lowered:
.L_overlay_start_0:
0x88: {  	s2 =	sld [smem:$0x3FD9]  }
0x89: {  	s3 =	sld [smem:$0x3FFE];
	_ =	sdelay $0x1  }
0x8a: {  	s1 =	srdreg.scid  }
0x8b: {  	s0 =	sand.u32 $0x1, s1  }
0x8c: {  	s17 =	sshll.u32 s0, $0xA;
	s2 =	sadd.s32 s3, s2  }
0x8d: {  	s2 =	sadd.s32 s2, s17  }
0x8e: {  	[smem:$0x3FB7] =	sst s2  }
0x8f: {  	_ = 	snop  }
0x90: {  	(tm) =	ssettm $0x1  }
0x91: {  	s18 =	sld [smem:$0x3FFB];
	_ =	sdelay $0x3  }
0x92: {  	_ =	strace s18  }
0x93: {  	s2 =	sld [smem:$0x3FFC];
	_ =	sdelay $0x3  }
0x94: {  	_ =	strace s2  }
0x95: {  	s2 =	sld [smem:$0x3FFD];
	_ =	sdelay $0x3  }
0x96: {  	_ =	strace s2  }
0x97: {  	_ =	strace $0x8FFFFFFF  }
0x98: {  	s19 =	sld [smem:$0x3FDB];
	_ =	sdelay $0x1  }
0x99: {  	s20 =	simm.s32 $_scs_section_size  }
0x9a: {  	s4 =	simm.s32 $_size__tile_overlayer_lowered;
	s5 =	simm.s32 $_tile_overlayer_lowered  }
0x9b: {  	s6 =	simm.s32 $0x1BFF;
	s21 =	sshll.u32 s5, $0x1;
	s3 =	sadd.s32 s20, s19  }
0x9c: {  	s22 =	simm.s32 $0x0;
	s4 =	sshll.u32 s4, $0x1;
	s5 =	sadd.s32 s21, s3  }
0x9d: {  	[timem:s22], [sflag:s6] =	dma.local [hbm:s5], s4  }
0x9e: {  	_ =	swait.ge [sflag:s6], s4  }
0x9f: {  	s4 =	ssub.s32 $0x0, s4;
	[sflag:s6] =	ssyncset.done $0x0  }
0xa0: {  	[sflag:s6] =	ssyncadd.s32 s4;
	_ =	sdelay $0x1  }
0xa1: {  	s23 =	simm.s32 $0x1B8B  }
0xa2: {  	_ =	swait.ge [sflag:s23], $0x1  }
0xa3: {  	[sflag:s23] =	ssyncset.done $0x0  }
0xa4: {  	[sflag:s23] =	ssyncadd.s32 $0xFFFFFFFF  }
0xa5: {  	s4 =	sld [smem:$0x0]  }
0xa6: {  	s5 =	sand.u32 $0xFFFFFFFE, s1  }
0xa7: {  	p0 =	sne.s32 s1, s5  }
0xa8: {  	s5 =	sshll.u32 @p0 s5, $0xE  }
0xa9: {  	s5 =	sadd.s32 @p0 $0x11B8D, s5;
	s6 =	sshll.u32 @p0 s4, $0x11  }
0xaa: {  	s5 =	sor.u32 @p0 s6, s5  }
0xab: {  	[sflag:s5] =	ssyncadd.remote.s32 @p0 $0x1;
	_ =	sdelay $0x1  }
0xac: {  	s5 =	simm.s32 @p0 $0x1B8D  }
0xad: {  	_ =	swait.eq @p0 [sflag:s5], $0x1  }
0xae: {  	[sflag:s5] =	ssyncadd.s32 @p0 $0xFFFFFFFF  }
0xaf: {  	s6 =	sshll.u32 @!p0 s1, $0xE  }
0xb0: {  	s6 =	sor.u32 @!p0 $0x4000, s6;
	s5 =	simm.s32 @!p0 $0x1B8D  }
0xb1: {  	s4 =	sshll.u32 @!p0 s4, $0x11;
	s6 =	sadd.s32 @!p0 $0x11B8D, s6;
	_ =	swait.eq @!p0 [sflag:s5], $0x1  }
0xb2: {  	s4 =	sor.u32 @!p0 s4, s6;
	[sflag:s5] =	ssyncadd.s32 @!p0 $0xFFFFFFFF  }
0xb3: {  	s25 =	simm.s32 $0x1B8E;
	s24 =	sld [smem:$0x3FFE];
	[sflag:s4] =	ssyncadd.remote.s32 @!p0 $0x1  }
0xb4: {  	s26 =	simm.s32 $execute0_lowered;
	[smem:$0x3FD2] =	sst s25  }
0xb5: {  	s5 =	sshll.u32 s26, $0x1;
	_ =	strace $0x80000058;
	[dreg:$0x1] =	wrdreg $0xFFFFFFFF  }
0xb6: {  	s28 =	simm.s32 $_size_execute0_lowered;
	s3 =	sadd.s32 s3, s5;
	[dreg:$0x0] =	wrdreg $0x0  }
0xb7: {  	s5 =	sshll.u32 s28, $0x1;
	[dreg:$0x2] =	wrdreg s3  }
0xb8: {  	[dreg:$0x3] =	wrdreg s5  }
0xb9: {  	[dreg:$0x4] =	wrdreg $0xC0  }
0xba: {  	_ =	task [dreg:s22], $0x5FFFF  }
0xbb: {  	[dreg:$0x1] =	wrdreg $0xFFFFFFFF  }
0xbc: {  	[dreg:$0x0] =	wrdreg $0x60  }
0xbd: {  	[dreg:$0x2] =	wrdreg s24  }
0xbe: {  	[dreg:$0x3] =	wrdreg $0x0  }
0xbf: {  	[dreg:$0x4] =	wrdreg $0xA  }
0xc0: {  	_ =	task.clear_ibuf [dreg:s22], $0x5FFFF;
	_ =	strace $0x90000058  }
0xc1: {  	s29 =	simm.s32 $0xA;
	_ =	strace $0x8000005A  }
0xc2: {  	_ =	swait.ge [sflag:s29], $0x1  }
0xc3: {  	[sflag:s29] =	ssyncadd.s32 $0xFFFFFFFF  }
0xc4: {  	_ =	strace $0x9000005A  }
0xc5: {  	_ =	sfence  }
0xc6: {  	s30 =	sld [smem:$0x0];
	_ =	sdelay $0x2  }
0xc7: {  	s31 =	sshll.u32 s1, $0xD;
	s1 =	sshrl.u32 s1, $0x2  }
0xc8: {  	s4 =	sand.u32 $0x4000, s31;
	s1 =	sadd.s32 s1, s30  }
0xc9: {  	s0 =	sor.u32 s4, s0;
	s1 =	sshll.u32 s1, $0x11  }
0xca: {  	s0 =	sor.u32 s1, s0  }
0xcb: {  	s0 =	sadd.s32 $0x8F2B, s0  }
0xcc: {  	[sflag:s0] =	ssyncadd.remote.s32 $0x1  }
0xcd: {  	_ =	sfence.sel $0xFFFF  }
0xce: {  	[dreg:$0x0] =	wrdreg $0xFFFFFFFF;
	(pc) =	sbr.abs _section_cstart, $3  }
0xcf: {  	[dreg:$0x1] =	wrdreg $0xFFFFFFFF  }
0xd0: {  	_ =	task.clear_ibuf [dreg:s22], $0x2FFFF;
	_ =	strace $0x9FFFFFFF  }
0xd1: {  	(tm) =	ssettm $0x7FFFFFFF  }
tec
execute0_lowered:
.L_overlay_start_1:
0x0: {  	(tag) =	ssettag $0x1  }
0x1: {  	s5 =	rddreg [dreg:$0x0]  }
0x2: {  	s2 =	rddreg [dreg:$0x1]  }
0x3: {  	s0 =	rddreg [dreg:$0x2];
	s1 =	stileid.u32  }
0x4: {  	s4 =	srdreg.scid;
	s3 =	simm.s32 $0x0;
	s14 =	simm.s32 $0xC3D0  }
0x5: {  	s15 =	simm.s32 $0x50;
	s16 =	simm.s32 $0xC420;
	s6 =	smul.u32 $0x30D4, s1  }
0x6: {  	s17 =	simm.s32 $0x1;
	s20 =	simm.s32 $0x0;
	s7 =	smul.u32 $0xC380, s1  }
0x7: {  	s8 =	sand.u32 $0x1, s4;
	[smem:$0x7FF] =	sst s3;
	s4 =	sadd.s32 $0x115E00, s5  }
0x8: {  	s19 =	sshll.u32 s1, $0x6;
	s9 =	smul.u32 $0xC3800, s8;
	_ =	strace $0x80000059  }
0x9: {  	s31 =	ssub.s32 $0x2, s8;
	s18 =	smul.u32 $0x186A0, s8;
	s10 =	sadd.s32 s6, s5  }
0xa: {  	s11 =	sshrl.u32 s7, $0x3;
	s12 =	sshrl.u32 s31, $0x1;
	s30 =	sadd.s32 s7, s9  }
0xb: {  	s11 =	sadd.s32 s11, s5;
	s9 =	ssub.s32 s31, s12;
	s12 =	simm.s32 $0x2  }
0xc: {  	v0 =	vmov s18;
	s18 =	sor.u32 $0x1C02, s19;
	s6 =	sshrl.u32 s30, $0x3;
	s8 =	smax.u32 s9, $0x1  }
0xd: {  	s9 =	sadd.s32 $0x5E00, s10;
	s10 =	sadd.s32 $0x36C00, s10;
	s13 =	sadd.s32 s6, s5  }
0xe: {  	s5 =	sadd.s32 $0x67A00, s11;
	s6 =	sadd.s32 s7, s2;
	s11 =	simm.s32 $0xC6A0  }
0xf: {  	s7 =	sadd.s32 $0x146C00, s13;
	s13 =	simm.s32 $0xC380;
	s19 =	sshrl.u32 s6, $0x3  }
.LBB2_1:
0x10: {  	[tilespmem:s11], [sflag:$0x2] =	stream.linear.gather [hbm4b:s5+s3], $0xC380, $0x38;
	[tilespmem:$0x18A20] =	vst v63  }
0x11: {  	_ =	swait.ge [sflag:s12], $0xC380  }
0x12: {  	[sflag:s12] =	ssyncset.done $0x0  }
0x13: {  	[sflag:s12] =	ssyncadd.s32 $0xFFFF3C80  }
0x14: {  	[spmem:s6] =	stream.linear.scatter [tilespmem:s11], [sflag:$0x2], $0xC380, $0x38;
	[tilespmem:$0x18A20] =	vst v63  }
0x15: {  	_ =	swait.ge [sflag:s12], $0xC380  }
0x16: {  	[sflag:s12] =	ssyncset.done $0x0  }
0x17: {  	[sflag:s12] =	ssyncadd.s32 $0xFFFF3C80  }
0x18: {  	s21 =	sadd.s32 $0x0, s10;
	[bflag:$0x0] =	sbarrier.arrive $0xFFFF  }
0x19: {  	[tilespmem:s13], [sflag:$0x2] =	stream.linear.gather [hbm4b:s21+s3], $0x50, $0x38;
	[tilespmem:$0x18A20] =	vst v63  }
0x1a: {  	_ =	swait.ge [sflag:s12], $0x50  }
0x1b: {  	[sflag:s12] =	ssyncset.done $0x0  }
0x1c: {  	s31 =	sadd.s32 $0x0, s9;
	[sflag:s12] =	ssyncadd.s32 $0xFFFFFFB0  }
0x1d: {  	[tilespmem:s14], [sflag:$0x2] =	stream.linear.gather [hbm4b:s31+s3], $0x50, $0x38;
	[tilespmem:$0x18A20] =	vst v63  }
0x1e: {  	_ =	swait.ge [sflag:s12], $0x50  }
0x1f: {  	[sflag:s12] =	ssyncset.done $0x0  }
0x20: {  	[sflag:s12] =	ssyncadd.s32 $0xFFFFFFB0  }
0x21: {  	v1 =	vld [tilespmem:$0xC3C0]  }
0x22: {  	v2 =	vld [tilespmem:$0xC3A0]  }
0x23: {  	v3 =	vld [tilespmem:$0xC3B0]  }
0x24: {  	v4 =	vld [tilespmem:$0xC390]  }
0x25: {  	v5 =	vld [tilespmem:$0xC380]  }
0x26: {  	v1 =	vadd.s32 v0, v1  }
0x27: {  	v2 =	vadd.s32 v0, v2;
	[tilespmem:$0xC3C0] =	vst v1  }
0x28: {  	[tilespmem:$0xC3A0] =	vst v2;
	v1 =	vadd.s32 v0, v3  }
0x29: {  	v2 =	vadd.s32 v0, v4;
	[tilespmem:$0xC3B0] =	vst v1  }
0x2a: {  	v1 =	vadd.s32 v0, v5;
	[tilespmem:$0xC390] =	vst v2  }
0x2b: {  	[tilespmem:$0xC380] =	vst v1  }
0x2c: {  	[tilespmem:s16], [sflag:$0x1] =	stream.indirect.gather [hbm4b:s4+s15], $0x8, s13, s15, $0xb8;
	[tilespmem:$0x18A20] =	vst v63  }
0x2d: {  	_ =	swait.ge [sflag:s17], $0x280  }
0x2e: {  	s21 =	simm.s32 $0xA;
	[sflag:s17] =	ssyncset.done $0x0  }
.LBB2_2:
0x2f: {  	p0 =	sne.s32 s21, $0x30CA  }
0x30: {  	[sflag:s17] =	ssyncadd.s32 $0xFFFFFD80;
	s22 =	smov.u32 s21;
	s21 =	sadd.s32 $0xA, s21  }
0x31: {  	[spmem:s2] =	stream.indirect.scatter.add.f32 [tilespmem:s16], [sflag:$0x2], $0x8, s14, s15, $0xb8;
	[tilespmem:$0x18A20] =	vst v63  }
0x32: {  	_ =	swait.ge [sflag:s12], $0x280  }
0x33: {  	[sflag:s12] =	ssyncset.done $0x0  }
0x34: {  	s23 =	sadd.s32 s22, s10;
	[sflag:s12] =	ssyncadd.s32 $0xFFFFFD80  }
0x35: {  	[tilespmem:s13], [sflag:$0x2] =	stream.linear.gather [hbm4b:s23+s3], $0x50, $0x38;
	[tilespmem:$0x18A20] =	vst v63  }
0x36: {  	_ =	swait.ge [sflag:s12], $0x50  }
0x37: {  	[sflag:s12] =	ssyncset.done $0x0  }
0x38: {  	s22 =	sadd.s32 s22, s9;
	[sflag:s12] =	ssyncadd.s32 $0xFFFFFFB0  }
0x39: {  	[tilespmem:s14], [sflag:$0x2] =	stream.linear.gather [hbm4b:s22+s3], $0x50, $0x38;
	[tilespmem:$0x18A20] =	vst v63  }
0x3a: {  	_ =	swait.ge [sflag:s12], $0x50  }
0x3b: {  	[sflag:s12] =	ssyncset.done $0x0  }
0x3c: {  	[sflag:s12] =	ssyncadd.s32 $0xFFFFFFB0  }
0x3d: {  	v1 =	vld [tilespmem:$0xC3C0]  }
0x3e: {  	v2 =	vld [tilespmem:$0xC3A0]  }
0x3f: {  	v3 =	vld [tilespmem:$0xC3B0]  }
0x40: {  	v4 =	vld [tilespmem:$0xC390]  }
0x41: {  	v5 =	vld [tilespmem:$0xC380]  }
0x42: {  	v1 =	vadd.s32 v0, v1  }
0x43: {  	v2 =	vadd.s32 v0, v2;
	[tilespmem:$0xC3C0] =	vst v1  }
0x44: {  	[tilespmem:$0xC3A0] =	vst v2;
	v1 =	vadd.s32 v0, v3  }
0x45: {  	v2 =	vadd.s32 v0, v4;
	[tilespmem:$0xC3B0] =	vst v1  }
.Ltmp0:
0x46: {  	v1 =	vadd.s32 v0, v5;
	[tilespmem:$0xC390] =	vst v2;
	(pc) =	sbr.rel @p0 .LBB2_2-.Ltmp0, $4  }
0x47: {  	[tilespmem:$0xC380] =	vst v1  }
0x48: {  	[tilespmem:s16], [sflag:$0x1] =	stream.indirect.gather [hbm4b:s4+s15], $0x8, s13, s15, $0xb8;
	[tilespmem:$0x18A20] =	vst v63  }
0x49: {  	_ =	swait.ge [sflag:s17], $0x280  }
0x4a: {  	[sflag:s17] =	ssyncset.done $0x0  }
0x4b: {  	[sflag:s17] =	ssyncadd.s32 $0xFFFFFD80  }
0x4c: {  	[spmem:s2] =	stream.indirect.scatter.add.f32 [tilespmem:s16], [sflag:$0x2], $0x8, s14, s15, $0xb8;
	[tilespmem:$0x18A20] =	vst v63  }
0x4d: {  	_ =	swait.ge [sflag:s12], $0x280  }
0x4e: {  	s20 =	sadd.s32 $0x1, s20;
	[sflag:s12] =	ssyncset.done $0x0  }
0x4f: {  	p0 =	sne.s32 s20, s8;
	[sflag:s12] =	ssyncadd.s32 $0xFFFFFD80  }
.Ltmp1:
0x50: {  	[bflag:$0x0] =	sbarrier.arrive $0xFFFF;
	(pc) =	sbr.rel @p0 .LBB2_1-.Ltmp1, $4  }
0x51: {  	[hbm:s7], [sflag:s18] =	dma.local [spmem:s19], $0x1870  }
0x52: {  	_ =	swait.ge [sflag:s12], $0x1870  }
0x53: {  	[sflag:s12] =	ssyncset.done $0x0  }
0x54: {  	[sflag:s12] =	ssyncadd.s32 $0xFFFFE790  }
0x55: {  	_ =	sfence.sel $0x180000  }
0x56: {  	[bflag:$0x0] =	sbarrier.arrive $0xFFFF  }
0x57: {  	p0 =	sne.s32 s1, $0x0;
	_ =	strace $0x90000059  }
0x58: {  	s0 =	sadd.s32 @!p0 $0x100000, s0;
	[bflag:$0x2] =	sbarrier.arrive $0xFFFF  }
0x59: {  	[sflag:s0] =	ssyncadd.tile.s32 @!p0 $0x1;
	_ =	shalt  }
.Lfunc_end2:
_tile_overlayer_lowered:
.L_overlay_start_2:
0x5a: {  	(tag) =	ssettag $0x2  }
0x5b: {  	s0 =	rddreg [dreg:$0x0];
	s2 =	stileid.u32  }
0x5c: {  	s1 =	rddreg [dreg:$0x1];
	p0 =	sne.s32 s2, $0x0  }
0x5d: {  	s3 =	rddreg [dreg:$0x2];
	[bflag:$0x3] =	sbarrier.arrive $0xFFFF;
	s2 =	simm.s32 @!p0 $0x1C02  }
0x5e: {  	[timem:s3], [sflag:s2] =	dma.local @!p0 [hbm:s0], s1  }
0x5f: {  	s0 =	simm.s32 @!p0 $0x2  }
0x60: {  	_ =	swait.ge @!p0 [sflag:s0], s1  }
0x61: {  	s1 =	ssub.s32 @!p0 $0x0, s1;
	[sflag:s0] =	ssyncset.done @!p0 $0x0  }
0x62: {  	[sflag:s0] =	ssyncadd.s32 @!p0 s1  }
0x63: {  	[bflag:$0x3] =	sbarrier.arrive $0xFFFF  }
0x64: {  	_ =	shalt  }

// kernel: kernel.9.cloned.1.call-start
scs
__scs_entry_jumppad:
0x0: {  	(pc) =	sbr.rel $0x88, $3  }
0x1: {  	(tag) =	ssettag $0x0;
	lr =	simm.s32 $0x1  }
0x2: {  	[smem:$0x3F90] =	sst lr;
	_ =	strace $0xD0000000  }
0x3: {  	_ = 	snop  }
0x4: {  	_ = 	snop  }
0x5: {  	_ = 	snop  }
0x6: {  	_ = 	snop  }
0x7: {  	_ = 	snop  }
__scs_overlays_trampoline_lowered:
0x8: {  	[smem:$0x3F9F] =	sst s0  }
0x9: {  	[smem:$0x3FA0] =	sst s1  }
0xa: {  	[smem:$0x3FA1] =	sst s2  }
0xb: {  	[smem:$0x3FA2] =	sst s3  }
0xc: {  	[smem:$0x3FA3] =	sst s4  }
0xd: {  	[smem:$0x3FA4] =	sst s5  }
0xe: {  	[smem:$0x3FA5] =	sst s6  }
0xf: {  	[smem:$0x3FA6] =	sst s7  }
0x10: {  	[smem:$0x3FA7] =	sst s8  }
0x11: {  	[smem:$0x3FA8] =	sst s9;
	s0 =	simm.s32 @!p0 $0x0  }
0x12: {  	s1 =	sld [smem:$0x3F8E];
	s0 =	simm.s32 @p0 $0x1  }
0x13: {  	[smem:$0x3FA9] =	sst s0;
	s0 =	simm.s32 @!p1 $0x0  }
0x14: {  	s2 =	sld [smem:$0x3F8D];
	s0 =	simm.s32 @p1 $0x1  }
0x15: {  	[smem:$0x3FAA] =	sst s0;
	s0 =	simm.s32 @!p2 $0x0  }
0x16: {  	s3 =	sld [smem:$0x3FDB];
	s0 =	simm.s32 @p2 $0x1  }
0x17: {  	s4 =	simm.s32 $0x1BF5;
	[smem:$0x3FAC] =	sst s0  }
0x18: {  	s0 =	sld [smem:$0x3F8F];
	_ =	swait.ge [sflag:s4], $0x0  }
0x19: {  	s7 =	sld [smem:$0x3F90]  }
0x1a: {  	s8 =	sadd.s32 $0xFFFFE003, lr  }
0x1b: {  	s9 =	sadd.s32 $0xFFFFFEF7, lr;
	s5 =	simm.s32 $0xFFFFFFFF;
	p2 =	slt.u32 s8, $0xFFFFF086  }
0x1c: {  	p1 =	slt.u32 s9, $0xF7A;
	s5 =	simm.s32 @!p2 $0x0  }
0x1d: {  	s5 =	simm.s32 @p1 $0x1;
	p0 =	seq.s32 s7, s2  }
0x1e: {  	s7 =	smul.u32 @!p0 $0xF7A, s2;
	p2 =	seq.s32 @!p0 s5, $0x0  }
0x1f: {  	s9 =	smul.u32 $0xF7A, s1;
	s8 =	simm.s32 @!p0 $0x1BF5;
	p2 =	por !p2, p0  }
0x20: {  	[sflag:s8] =	ssyncset.s32 @!p0 $0xFFFFF086;
	s6 =	sadd.s32 @!p0 s3, s7;
	s7 =	simm.s32 @!p0 $0x108  }
0x21: {  	s3 =	sadd.s32 s3, s9;
	s6 =	sadd.s32 @!p0 $0x88, s6;
	s7 =	simm.s32 @p2 $0x1082  }
0x22: {  	[simem:s7], [sflag:s8] =	dma.local @!p0 [hbm:s6], $0xF7A  }
0x23: {  	s9 =	sor.u32 $0xD0000000, s2;
	s6 =	simm.s32 $0x108;
	_ =	swait.ge @!p0 [sflag:s8], $0x0  }
0x24: {  	s3 =	sadd.s32 $0x88, s3;
	s6 =	simm.s32 @!p1 $0x1082;
	[sflag:s4] =	ssyncset.s32 $0xFFFFF086  }
0x25: {  	[simem:s6], [sflag:s4] =	dma.local [hbm:s3], $0xF7A  }
0x26: {  	[smem:$0x3F90] =	sst s1;
	(tag) =	ssettag s2;
	_ =	strace s9  }
0x27: {  	s1 =	sld [smem:$0x3FA0]  }
0x28: {  	s2 =	sld [smem:$0x3FA1]  }
0x29: {  	s4 =	sld [smem:$0x3FA3]  }
0x2a: {  	p0 =	seq.s32 s5, $0x0;
	s5 =	sld [smem:$0x3FA4]  }
0x2b: {  	s6 =	sld [smem:$0x3FA5]  }
0x2c: {  	s7 =	sld [smem:$0x3FA6]  }
0x2d: {  	s3 =	simm.s32 $0x108;
	s8 =	sld [smem:$0x3FA7]  }
0x2e: {  	s3 =	simm.s32 @!p0 $0x1082;
	s9 =	sld [smem:$0x3FA8]  }
0x2f: {  	lr =	sadd.s32 s0, s3;
	s0 =	sld [smem:$0x3F9F]  }
0x30: {  	s3 =	sld [smem:$0x3FA2]  }
0x31: {  	[smem:$0x3FAB] =	sst s10  }
0x32: {  	s10 =	sld [smem:$0x3FA9];
	_ =	sdelay $0x3  }
0x33: {  	p0 =	seq.s32 s10, $0x1;
	s10 =	sld [smem:$0x3FAB];
	_ =	sdelay $0x3  }
0x34: {  	[smem:$0x3FAB] =	sst s10  }
0x35: {  	s10 =	sld [smem:$0x3FAA];
	_ =	sdelay $0x3  }
0x36: {  	p1 =	seq.s32 s10, $0x1;
	s10 =	sld [smem:$0x3FAB];
	_ =	sdelay $0x3  }
0x37: {  	[smem:$0x3FAB] =	sst s10  }
0x38: {  	s10 =	sld [smem:$0x3FAC]  }
0x39: {  	_ = 	snop;
	(pc) =	sbr.ind lr, $3  }
0x3a: {  	_ = 	snop  }
0x3b: {  	_ = 	snop  }
0x3c: {  	p2 =	seq.s32 s10, $0x1;
	s10 =	sld [smem:$0x3FAB]  }
0x3d: {  	_ =	shalt  }
0x3e: {  	_ =	shalt  }
0x3f: {  	_ =	shalt  }
0x40: {  	_ =	shalt  }
0x41: {  	_ =	shalt  }
0x42: {  	_ =	shalt  }
0x43: {  	_ =	shalt  }
0x44: {  	_ =	shalt  }
0x45: {  	_ =	shalt  }
0x46: {  	_ =	shalt  }
0x47: {  	_ =	shalt  }
0x48: {  	_ =	shalt  }
0x49: {  	_ =	shalt  }
0x4a: {  	_ =	shalt  }
0x4b: {  	_ =	shalt  }
0x4c: {  	_ =	shalt  }
0x4d: {  	_ =	shalt  }
0x4e: {  	_ =	shalt  }
0x4f: {  	_ =	shalt  }
0x50: {  	_ =	shalt  }
0x51: {  	_ =	shalt  }
0x52: {  	_ =	shalt  }
0x53: {  	_ =	shalt  }
0x54: {  	_ =	shalt  }
0x55: {  	_ =	shalt  }
0x56: {  	_ =	shalt  }
0x57: {  	_ =	shalt  }
0x58: {  	_ =	shalt  }
0x59: {  	_ =	shalt  }
0x5a: {  	_ =	shalt  }
0x5b: {  	_ =	shalt  }
0x5c: {  	_ =	shalt  }
0x5d: {  	_ =	shalt  }
0x5e: {  	_ =	shalt  }
0x5f: {  	_ =	shalt  }
0x60: {  	_ =	shalt  }
0x61: {  	_ =	shalt  }
0x62: {  	_ =	shalt  }
0x63: {  	_ =	shalt  }
0x64: {  	_ =	shalt  }
0x65: {  	_ =	shalt  }
0x66: {  	_ =	shalt  }
0x67: {  	_ =	shalt  }
0x68: {  	_ =	shalt  }
0x69: {  	_ =	shalt  }
0x6a: {  	_ =	shalt  }
0x6b: {  	_ =	shalt  }
0x6c: {  	_ =	shalt  }
0x6d: {  	_ =	shalt  }
0x6e: {  	_ =	shalt  }
0x6f: {  	_ =	shalt  }
0x70: {  	_ =	shalt  }
0x71: {  	_ =	shalt  }
0x72: {  	_ =	shalt  }
0x73: {  	_ =	shalt  }
0x74: {  	_ =	shalt  }
0x75: {  	_ =	shalt  }
0x76: {  	_ =	shalt  }
0x77: {  	_ =	shalt  }
0x78: {  	_ =	shalt  }
0x79: {  	_ =	shalt  }
0x7a: {  	_ =	shalt  }
0x7b: {  	_ =	shalt  }
0x7c: {  	_ =	shalt  }
0x7d: {  	_ =	shalt  }
0x7e: {  	_ =	shalt  }
0x7f: {  	_ =	shalt  }
0x80: {  	_ =	shalt  }
0x81: {  	_ =	shalt  }
0x82: {  	_ =	shalt  }
0x83: {  	_ =	shalt  }
0x84: {  	_ =	shalt  }
0x85: {  	_ =	shalt  }
0x86: {  	_ =	shalt  }
0x87: {  	_ =	shalt  }
.Lfunc_end0:
.L_simem_size_0:
called_computation_lowered:
.L_overlay_start_0:
0x88: {  	s2 =	sld [smem:$0x3FD9]  }
0x89: {  	s3 =	sld [smem:$0x3FFE];
	_ =	sdelay $0x1  }
0x8a: {  	s1 =	srdreg.scid  }
0x8b: {  	s0 =	sand.u32 $0x1, s1  }
0x8c: {  	s16 =	sshll.u32 s0, $0xA;
	s2 =	sadd.s32 s3, s2  }
0x8d: {  	s2 =	sadd.s32 s2, s16  }
0x8e: {  	[smem:$0x3FB7] =	sst s2  }
0x8f: {  	_ = 	snop  }
0x90: {  	(tm) =	ssettm $0x1  }
0x91: {  	s17 =	sld [smem:$0x3FFB];
	_ =	sdelay $0x3  }
0x92: {  	_ =	strace s17  }
0x93: {  	s2 =	sld [smem:$0x3FFC];
	_ =	sdelay $0x3  }
0x94: {  	_ =	strace s2  }
0x95: {  	s2 =	sld [smem:$0x3FFD];
	_ =	sdelay $0x3  }
0x96: {  	_ =	strace s2  }
0x97: {  	_ =	strace $0x8FFFFFFF  }
0x98: {  	s18 =	sld [smem:$0x3FDB];
	_ =	sdelay $0x1  }
0x99: {  	s19 =	simm.s32 $_scs_section_size  }
0x9a: {  	s4 =	simm.s32 $_size__tile_overlayer_lowered;
	s5 =	simm.s32 $_tile_overlayer_lowered  }
0x9b: {  	s22 =	simm.s32 $0x1BFF;
	s21 =	sshll.u32 s5, $0x1;
	s2 =	sadd.s32 s19, s18  }
0x9c: {  	s6 =	simm.s32 $0x0;
	s20 =	sshll.u32 s4, $0x1;
	s4 =	sadd.s32 s21, s2  }
0x9d: {  	[timem:s6], [sflag:s22] =	dma.local [hbm:s4], s20  }
0x9e: {  	_ =	swait.ge [sflag:s22], s20  }
0x9f: {  	s3 =	ssub.s32 $0x0, s20;
	[sflag:s22] =	ssyncset.done $0x0  }
0xa0: {  	[sflag:s22] =	ssyncadd.s32 s3;
	_ =	sdelay $0x1  }
0xa1: {  	s23 =	simm.s32 $0x1B8B  }
0xa2: {  	_ =	swait.ge [sflag:s23], $0x1  }
0xa3: {  	[sflag:s23] =	ssyncset.done $0x0  }
0xa4: {  	s25 =	simm.s32 $0x1B8E;
	s24 =	sld [smem:$0x3FFE];
	[sflag:s23] =	ssyncadd.s32 $0xFFFFFFFF  }
0xa5: {  	s26 =	simm.s32 $execute0_lowered;
	[smem:$0x3FD2] =	sst s25  }
0xa6: {  	s4 =	sshll.u32 s26, $0x1;
	_ =	strace $0x80000046;
	[dreg:$0x1] =	wrdreg $0xFFFFFFFF  }
0xa7: {  	s28 =	simm.s32 $_size_execute0_lowered;
	s2 =	sadd.s32 s2, s4;
	[dreg:$0x0] =	wrdreg $0x0  }
0xa8: {  	s4 =	sshll.u32 s28, $0x1;
	[dreg:$0x2] =	wrdreg s2  }
0xa9: {  	[dreg:$0x3] =	wrdreg s4  }
0xaa: {  	[dreg:$0x4] =	wrdreg $0xC0  }
0xab: {  	_ =	task [dreg:s6], $0x5FFFF  }
0xac: {  	[dreg:$0x1] =	wrdreg $0xFFFFFFFF  }
0xad: {  	[dreg:$0x0] =	wrdreg $0x60  }
0xae: {  	[dreg:$0x2] =	wrdreg s24  }
0xaf: {  	[dreg:$0x3] =	wrdreg $0x0  }
0xb0: {  	[dreg:$0x4] =	wrdreg $0x9  }
0xb1: {  	_ =	task.clear_ibuf [dreg:s6], $0x5FFFF;
	_ =	strace $0x90000046  }
0xb2: {  	s29 =	simm.s32 $0x9;
	_ =	strace $0x80000048  }
0xb3: {  	_ =	swait.ge [sflag:s29], $0x1  }
0xb4: {  	[sflag:s29] =	ssyncadd.s32 $0xFFFFFFFF  }
0xb5: {  	_ =	strace $0x90000048  }
0xb6: {  	_ =	sfence  }
0xb7: {  	s30 =	sld [smem:$0x0];
	_ =	sdelay $0x2  }
0xb8: {  	s31 =	sshll.u32 s1, $0xD;
	s1 =	sshrl.u32 s1, $0x2  }
0xb9: {  	s3 =	sand.u32 $0x4000, s31;
	s1 =	sadd.s32 s1, s30  }
0xba: {  	s0 =	sor.u32 s3, s0;
	s1 =	sshll.u32 s1, $0x11  }
0xbb: {  	s0 =	sor.u32 s1, s0  }
0xbc: {  	s0 =	sadd.s32 $0x8F2B, s0  }
0xbd: {  	[sflag:s0] =	ssyncadd.remote.s32 $0x1  }
0xbe: {  	_ =	sfence.sel $0xFFFF  }
0xbf: {  	[dreg:$0x0] =	wrdreg $0xFFFFFFFF;
	(pc) =	sbr.abs _section_cstart, $3  }
0xc0: {  	[dreg:$0x1] =	wrdreg $0xFFFFFFFF  }
0xc1: {  	_ =	task.clear_ibuf [dreg:s6], $0x2FFFF;
	_ =	strace $0x9FFFFFFF  }
0xc2: {  	(tm) =	ssettm $0x7FFFFFFF  }
0xc3: {  	_ =	shalt  }
tec
execute0_lowered:
.L_overlay_start_1:
0x0: {  	(tag) =	ssettag $0x1  }
0x1: {  	s5 =	rddreg [dreg:$0x0]  }
0x2: {  	s2 =	rddreg [dreg:$0x1]  }
0x3: {  	s0 =	rddreg [dreg:$0x2];
	s1 =	stileid.u32  }
0x4: {  	s4 =	srdreg.scid;
	s3 =	simm.s32 $0x0;
	s14 =	simm.s32 $0xC3D0  }
0x5: {  	s15 =	simm.s32 $0x50;
	s16 =	simm.s32 $0xC420;
	s6 =	smul.u32 $0x30D4, s1  }
0x6: {  	s17 =	simm.s32 $0x1;
	s20 =	simm.s32 $0x0;
	s7 =	smul.u32 $0xC380, s1  }
0x7: {  	s8 =	sand.u32 $0x1, s4;
	[smem:$0x7FF] =	sst s3;
	s4 =	sadd.s32 $0x80200, s5  }
0x8: {  	s19 =	sshll.u32 s1, $0x6;
	s9 =	smul.u32 $0xC3800, s8;
	_ =	strace $0x80000047  }
0x9: {  	s31 =	ssub.s32 $0x2, s8;
	s18 =	smul.u32 $0x186A0, s8;
	s10 =	sadd.s32 s6, s5  }
0xa: {  	s11 =	sshrl.u32 s7, $0x3;
	s12 =	sshrl.u32 s31, $0x1;
	s30 =	sadd.s32 s7, s9  }
0xb: {  	s11 =	sadd.s32 s11, s5;
	s9 =	ssub.s32 s31, s12;
	s12 =	simm.s32 $0x2  }
0xc: {  	v0 =	vmov s18;
	s18 =	sor.u32 $0x1C02, s19;
	s6 =	sshrl.u32 s30, $0x3;
	s8 =	smax.u32 s9, $0x1  }
0xd: {  	s9 =	sadd.s32 $0x5E00, s10;
	s10 =	sadd.s32 $0x36C00, s10;
	s13 =	sadd.s32 s6, s5  }
0xe: {  	s5 =	sadd.s32 $0x67A00, s11;
	s6 =	sadd.s32 s7, s2;
	s11 =	simm.s32 $0xC6A0  }
0xf: {  	s7 =	sadd.s32 $0xB1000, s13;
	s13 =	simm.s32 $0xC380;
	s19 =	sshrl.u32 s6, $0x3  }
.LBB2_1:
0x10: {  	[tilespmem:s11], [sflag:$0x2] =	stream.linear.gather [hbm4b:s5+s3], $0xC380, $0x38;
	[tilespmem:$0x18A20] =	vst v63  }
0x11: {  	_ =	swait.ge [sflag:s12], $0xC380  }
0x12: {  	[sflag:s12] =	ssyncset.done $0x0  }
0x13: {  	[sflag:s12] =	ssyncadd.s32 $0xFFFF3C80  }
0x14: {  	[spmem:s6] =	stream.linear.scatter [tilespmem:s11], [sflag:$0x2], $0xC380, $0x38;
	[tilespmem:$0x18A20] =	vst v63  }
0x15: {  	_ =	swait.ge [sflag:s12], $0xC380  }
0x16: {  	[sflag:s12] =	ssyncset.done $0x0  }
0x17: {  	[sflag:s12] =	ssyncadd.s32 $0xFFFF3C80  }
0x18: {  	s21 =	sadd.s32 $0x0, s10;
	[bflag:$0x0] =	sbarrier.arrive $0xFFFF  }
0x19: {  	[tilespmem:s13], [sflag:$0x2] =	stream.linear.gather [hbm4b:s21+s3], $0x50, $0x38;
	[tilespmem:$0x18A20] =	vst v63  }
0x1a: {  	_ =	swait.ge [sflag:s12], $0x50  }
0x1b: {  	[sflag:s12] =	ssyncset.done $0x0  }
0x1c: {  	s31 =	sadd.s32 $0x0, s9;
	[sflag:s12] =	ssyncadd.s32 $0xFFFFFFB0  }
0x1d: {  	[tilespmem:s14], [sflag:$0x2] =	stream.linear.gather [hbm4b:s31+s3], $0x50, $0x38;
	[tilespmem:$0x18A20] =	vst v63  }
0x1e: {  	_ =	swait.ge [sflag:s12], $0x50  }
0x1f: {  	[sflag:s12] =	ssyncset.done $0x0  }
0x20: {  	[sflag:s12] =	ssyncadd.s32 $0xFFFFFFB0  }
0x21: {  	v1 =	vld [tilespmem:$0xC3C0]  }
0x22: {  	v2 =	vld [tilespmem:$0xC3A0]  }
0x23: {  	v3 =	vld [tilespmem:$0xC3B0]  }
0x24: {  	v4 =	vld [tilespmem:$0xC390]  }
0x25: {  	v5 =	vld [tilespmem:$0xC380]  }
0x26: {  	v1 =	vadd.s32 v0, v1  }
0x27: {  	v2 =	vadd.s32 v0, v2;
	[tilespmem:$0xC3C0] =	vst v1  }
0x28: {  	[tilespmem:$0xC3A0] =	vst v2;
	v1 =	vadd.s32 v0, v3  }
0x29: {  	v2 =	vadd.s32 v0, v4;
	[tilespmem:$0xC3B0] =	vst v1  }
0x2a: {  	v1 =	vadd.s32 v0, v5;
	[tilespmem:$0xC390] =	vst v2  }
0x2b: {  	[tilespmem:$0xC380] =	vst v1  }
0x2c: {  	[tilespmem:s16], [sflag:$0x1] =	stream.indirect.gather [hbm4b:s4+s15], $0x8, s13, s15, $0xb8;
	[tilespmem:$0x18A20] =	vst v63  }
0x2d: {  	_ =	swait.ge [sflag:s17], $0x280  }
0x2e: {  	s21 =	simm.s32 $0xA;
	[sflag:s17] =	ssyncset.done $0x0  }
.LBB2_2:
0x2f: {  	p0 =	sne.s32 s21, $0x30CA  }
0x30: {  	[sflag:s17] =	ssyncadd.s32 $0xFFFFFD80;
	s22 =	smov.u32 s21;
	s21 =	sadd.s32 $0xA, s21  }
0x31: {  	[spmem:s2] =	stream.indirect.scatter.add.f32 [tilespmem:s16], [sflag:$0x2], $0x8, s14, s15, $0xb8;
	[tilespmem:$0x18A20] =	vst v63  }
0x32: {  	_ =	swait.ge [sflag:s12], $0x280  }
0x33: {  	[sflag:s12] =	ssyncset.done $0x0  }
0x34: {  	s23 =	sadd.s32 s22, s10;
	[sflag:s12] =	ssyncadd.s32 $0xFFFFFD80  }
0x35: {  	[tilespmem:s13], [sflag:$0x2] =	stream.linear.gather [hbm4b:s23+s3], $0x50, $0x38;
	[tilespmem:$0x18A20] =	vst v63  }
0x36: {  	_ =	swait.ge [sflag:s12], $0x50  }
0x37: {  	[sflag:s12] =	ssyncset.done $0x0  }
0x38: {  	s22 =	sadd.s32 s22, s9;
	[sflag:s12] =	ssyncadd.s32 $0xFFFFFFB0  }
0x39: {  	[tilespmem:s14], [sflag:$0x2] =	stream.linear.gather [hbm4b:s22+s3], $0x50, $0x38;
	[tilespmem:$0x18A20] =	vst v63  }
0x3a: {  	_ =	swait.ge [sflag:s12], $0x50  }
0x3b: {  	[sflag:s12] =	ssyncset.done $0x0  }
0x3c: {  	[sflag:s12] =	ssyncadd.s32 $0xFFFFFFB0  }
0x3d: {  	v1 =	vld [tilespmem:$0xC3C0]  }
0x3e: {  	v2 =	vld [tilespmem:$0xC3A0]  }
0x3f: {  	v3 =	vld [tilespmem:$0xC3B0]  }
0x40: {  	v4 =	vld [tilespmem:$0xC390]  }
0x41: {  	v5 =	vld [tilespmem:$0xC380]  }
0x42: {  	v1 =	vadd.s32 v0, v1  }
0x43: {  	v2 =	vadd.s32 v0, v2;
	[tilespmem:$0xC3C0] =	vst v1  }
0x44: {  	[tilespmem:$0xC3A0] =	vst v2;
	v1 =	vadd.s32 v0, v3  }
0x45: {  	v2 =	vadd.s32 v0, v4;
	[tilespmem:$0xC3B0] =	vst v1  }
.Ltmp0:
0x46: {  	v1 =	vadd.s32 v0, v5;
	[tilespmem:$0xC390] =	vst v2;
	(pc) =	sbr.rel @p0 .LBB2_2-.Ltmp0, $4  }
0x47: {  	[tilespmem:$0xC380] =	vst v1  }
0x48: {  	[tilespmem:s16], [sflag:$0x1] =	stream.indirect.gather [hbm4b:s4+s15], $0x8, s13, s15, $0xb8;
	[tilespmem:$0x18A20] =	vst v63  }
0x49: {  	_ =	swait.ge [sflag:s17], $0x280  }
0x4a: {  	[sflag:s17] =	ssyncset.done $0x0  }
0x4b: {  	[sflag:s17] =	ssyncadd.s32 $0xFFFFFD80  }
0x4c: {  	[spmem:s2] =	stream.indirect.scatter.add.f32 [tilespmem:s16], [sflag:$0x2], $0x8, s14, s15, $0xb8;
	[tilespmem:$0x18A20] =	vst v63  }
0x4d: {  	_ =	swait.ge [sflag:s12], $0x280  }
0x4e: {  	s20 =	sadd.s32 $0x1, s20;
	[sflag:s12] =	ssyncset.done $0x0  }
0x4f: {  	p0 =	sne.s32 s20, s8;
	[sflag:s12] =	ssyncadd.s32 $0xFFFFFD80  }
.Ltmp1:
0x50: {  	[bflag:$0x0] =	sbarrier.arrive $0xFFFF;
	(pc) =	sbr.rel @p0 .LBB2_1-.Ltmp1, $4  }
0x51: {  	[hbm:s7], [sflag:s18] =	dma.local [spmem:s19], $0x1870  }
0x52: {  	_ =	swait.ge [sflag:s12], $0x1870  }
0x53: {  	[sflag:s12] =	ssyncset.done $0x0  }
0x54: {  	[sflag:s12] =	ssyncadd.s32 $0xFFFFE790  }
0x55: {  	_ =	sfence.sel $0x180000  }
0x56: {  	[bflag:$0x0] =	sbarrier.arrive $0xFFFF  }
0x57: {  	p0 =	sne.s32 s1, $0x0;
	_ =	strace $0x90000047  }
0x58: {  	s0 =	sadd.s32 @!p0 $0x100000, s0;
	[bflag:$0x2] =	sbarrier.arrive $0xFFFF  }
0x59: {  	[sflag:s0] =	ssyncadd.tile.s32 @!p0 $0x1;
	_ =	shalt  }
.Lfunc_end2:
_tile_overlayer_lowered:
.L_overlay_start_2:
0x5a: {  	(tag) =	ssettag $0x2  }
0x5b: {  	s0 =	rddreg [dreg:$0x0];
	s2 =	stileid.u32  }
0x5c: {  	s1 =	rddreg [dreg:$0x1];
	p0 =	sne.s32 s2, $0x0  }
0x5d: {  	s3 =	rddreg [dreg:$0x2];
	[bflag:$0x3] =	sbarrier.arrive $0xFFFF;
	s2 =	simm.s32 @!p0 $0x1C02  }
0x5e: {  	[timem:s3], [sflag:s2] =	dma.local @!p0 [hbm:s0], s1  }
0x5f: {  	s0 =	simm.s32 @!p0 $0x2  }
0x60: {  	_ =	swait.ge @!p0 [sflag:s0], s1  }
0x61: {  	s1 =	ssub.s32 @!p0 $0x0, s1;
	[sflag:s0] =	ssyncset.done @!p0 $0x0  }
0x62: {  	[sflag:s0] =	ssyncadd.s32 @!p0 s1  }
0x63: {  	[bflag:$0x3] =	sbarrier.arrive $0xFFFF  }
0x64: {  	_ =	shalt  }

</sc_bundles>
